<compile_context>
chip_gen: v7x
topology: tpu7x:2x2x1
jax: 0.10.2.dev20260603
libtpu: 0.0.44.dev20260713+nightly
codegen_flags: <defaults>
</compile_context>

<pallas_src>
import functools

import jax
import jax.numpy as jnp
from jax import lax
from jax.experimental import pallas as pl
from jax.experimental.pallas import tpu as pltpu
from jax.experimental.pallas import tpu_sc as plsc

N_NODES = 10000
N_PAD = 10240
C = 256
H1 = 512
H2 = 256
E_MSG = 160000
E_PAD = 163840
EB = 128
E_PER_TILE = E_PAD // 32
S_SUP = 20000
S_PAD = 20480
S_PER_TILE = S_PAD // 32
SB = 64

def _sc_mesh():
    return plsc.VectorSubcoreMesh(core_axis_name="c", subcore_axis_name="s")


def _wid():
    return lax.axis_index("s") * 2 + lax.axis_index("c")


_GDN = lax.GatherDimensionNumbers(
    offset_dims=(), collapsed_slice_dims=(0,), start_index_map=(0,))


def _permute(x, idx):
    return lax.gather(x, idx[:, None], _GDN, slice_sizes=(1,),
                      mode=lax.GatherScatterMode.PROMISE_IN_BOUNDS)


def _normalize_body(x_ref, o_ref):
    x = x_ref[...]
    n2 = jnp.sum(x * x, axis=-1, keepdims=True)
    o_ref[...] = x / jnp.maximum(jnp.sqrt(n2), 1e-8)


def _normalize_rows(x):
    n = x.shape[0]
    bs = 2000
    return pl.pallas_call(
        _normalize_body,
        grid=(n // bs,),
        in_specs=[pl.BlockSpec((bs, C), lambda i: (i, 0))],
        out_specs=pl.BlockSpec((bs, C), lambda i: (i, 0)),
        out_shape=jax.ShapeDtypeStruct((n, C), jnp.float32),
    )(x)


PB = 512


def _premask_body(presenth, pidxh, dsth, maskh, mpih,
                  pres_v, pidx_v, dst_v, mask_o, mpi_o):
    wid = _wid()
    pltpu.sync_copy(presenth, pres_v)
    pltpu.sync_copy(pidxh, pidx_v)
    base_t = wid * E_PER_TILE

    def chunk_body(cidx, _):
        base = base_t + cidx * PB
        pltpu.sync_copy(dsth.at[pl.ds(base, PB)], dst_v)

        def g_body(g, _):
            d = dst_v[pl.ds(g * 16, 16)]
            mask_o[pl.ds(g * 16, 16)] = plsc.load_gather(pres_v, [d])
            mpi_o[pl.ds(g * 16, 16)] = plsc.load_gather(pidx_v, [d])
            return 0

        lax.fori_loop(0, PB // 16, g_body, 0)
        pltpu.sync_copy(mask_o, maskh.at[pl.ds(base, PB)])
        pltpu.sync_copy(mpi_o, mpih.at[pl.ds(base, PB)])
        return 0

    lax.fori_loop(0, E_PER_TILE // PB, chunk_body, 0)


@functools.lru_cache(maxsize=None)
def _premask_kernel_factory():
    return functools.partial(
        pl.kernel,
        mesh=_sc_mesh(),
        compiler_params=pltpu.CompilerParams(use_tc_tiling_on_sc=False,
                                             needs_layout_passes=False),
        out_type=[jax.ShapeDtypeStruct((E_PAD,), jnp.int32)] * 2,
        scratch_types=[
            pltpu.VMEM((N_NODES,), jnp.int32),
            pltpu.VMEM((N_NODES,), jnp.int32),
            pltpu.VMEM((PB,), jnp.int32),
            pltpu.VMEM((PB,), jnp.int32),
            pltpu.VMEM((PB,), jnp.int32),
        ],
    )(_premask_body)


M_SUP = 2 * S_SUP


def _expand_body(cch, sqh, rankh, maskh, dsth, eqh_o,
                 cc_v, sq_v, rank_v, mask_v, dst_v, eq_o):
    wid = _wid()
    pltpu.sync_copy(cch, cc_v)
    pltpu.sync_copy(sqh, sq_v)
    base_t = wid * E_PER_TILE

    def chunk_body(cidx, _):
        base = base_t + cidx * PB
        pltpu.sync_copy(rankh.at[pl.ds(base, PB)], rank_v)
        pltpu.sync_copy(maskh.at[pl.ds(base, PB)], mask_v)
        pltpu.sync_copy(dsth.at[pl.ds(base, PB)], dst_v)

        def g_body(g, _):
            r = rank_v[pl.ds(g * 16, 16)]
            pos = jnp.zeros((16,), jnp.int32)
            for bit in range(15, -1, -1):
                npos = pos + (1 << bit)
                idx = jnp.minimum(npos, M_SUP) - 1
                val = plsc.load_gather(cc_v, [idx])
                ok = jnp.logical_and(npos <= M_SUP, val <= r)
                pos = jnp.where(ok, npos, pos)
            cl = jnp.clip(pos, 0, M_SUP - 1)
            eq = plsc.load_gather(sq_v, [cl])
            mk = mask_v[pl.ds(g * 16, 16)] > 0
            d = dst_v[pl.ds(g * 16, 16)]
            eq_o[pl.ds(g * 16, 16)] = jnp.where(mk, eq, d)
            return 0

        lax.fori_loop(0, PB // 16, g_body, 0)
        pltpu.sync_copy(eq_o, eqh_o.at[pl.ds(base, PB)])
        return 0

    lax.fori_loop(0, E_PER_TILE // PB, chunk_body, 0)


@functools.lru_cache(maxsize=None)
def _expand_kernel_factory():
    return functools.partial(
        pl.kernel,
        mesh=_sc_mesh(),
        compiler_params=pltpu.CompilerParams(use_tc_tiling_on_sc=False,
                                             needs_layout_passes=False),
        out_type=jax.ShapeDtypeStruct((E_PAD,), jnp.int32),
        scratch_types=[
            pltpu.VMEM((M_SUP,), jnp.int32),
            pltpu.VMEM((M_SUP,), jnp.int32),
            pltpu.VMEM((PB,), jnp.int32),
            pltpu.VMEM((PB,), jnp.int32),
            pltpu.VMEM((PB,), jnp.int32),
            pltpu.VMEM((PB,), jnp.int32),
        ],
    )(_expand_body)


def _edge_body(xhat, eqh, srch, mfh, parts,
               eq_v, src_v, mf_v, qrows, nrows,
               acc_num, acc_den, acc_cnt, sem1, sem2):
    wid = _wid()

    def zero_body(i, _):
        z = jnp.zeros((16,), jnp.float32)
        acc_num[pl.ds(i * 16, 16)] = z
        acc_den[pl.ds(i * 16, 16)] = z
        acc_cnt[pl.ds(i * 16, 16)] = z
        return 0

    lax.fori_loop(0, N_PAD // 16, zero_body, 0)

    base_t = wid * E_PER_TILE

    lanes = lax.iota(jnp.int32, 16)

    def grp_body(g, _):
        def lane_body(l, cosg):
            e = g * 16 + l
            accs = [jnp.zeros((16,), jnp.float32) for _ in range(4)]
            for j in range(C // 16):
                q = qrows[e, pl.ds(j * 16, 16)]
                nn = nrows[e, pl.ds(j * 16, 16)]
                accs[j % 4] = accs[j % 4] + q * nn
            acc = (accs[0] + accs[1]) + (accs[2] + accs[3])
            for s in (8, 4, 2, 1):
                acc = acc + _permute(acc, lanes ^ s)
            return jnp.where(lanes == l, acc, cosg)

        cos = lax.fori_loop(0, 16, lane_body, jnp.zeros((16,), jnp.float32))
        mf = mf_v[pl.ds(g * 16, 16)]
        eqg = eq_v[pl.ds(g * 16, 16)]
        ex = jnp.exp(10.0 * cos) * mf
        plsc.addupdate_scatter(acc_num, [eqg], ex * cos)
        plsc.addupdate_scatter(acc_den, [eqg], ex)
        plsc.addupdate_scatter(acc_cnt, [eqg], mf)
        return 0

    def chunk_body(cidx, _):
        base = base_t + cidx * EB
        pltpu.sync_copy(eqh.at[pl.ds(base, EB)], eq_v)
        pltpu.sync_copy(srch.at[pl.ds(base, EB)], src_v)
        pltpu.sync_copy(mfh.at[pl.ds(base, EB)], mf_v)
        cp1 = pltpu.async_copy(xhat.at[eq_v], qrows, sem1)
        cp2 = pltpu.async_copy(xhat.at[src_v], nrows, sem2)
        cp1.wait()
        cp2.wait()
        lax.fori_loop(0, EB // 16, grp_body, 0)
        return 0

    lax.fori_loop(0, E_PER_TILE // EB, chunk_body, 0)

    pltpu.sync_copy(acc_num, parts.at[0, wid])
    pltpu.sync_copy(acc_den, parts.at[1, wid])
    pltpu.sync_copy(acc_cnt, parts.at[2, wid])


@functools.lru_cache(maxsize=None)
def _edge_kernel_factory():
    return functools.partial(
        pl.kernel,
        mesh=_sc_mesh(),
        compiler_params=pltpu.CompilerParams(use_tc_tiling_on_sc=False, needs_layout_passes=False),
        out_type=jax.ShapeDtypeStruct((3, 32, N_PAD), jnp.float32),
        scratch_types=[
            pltpu.VMEM((EB,), jnp.int32),
            pltpu.VMEM((EB,), jnp.int32),
            pltpu.VMEM((EB,), jnp.float32),
            pltpu.VMEM((EB, C), jnp.float32),
            pltpu.VMEM((EB, C), jnp.float32),
            pltpu.VMEM((N_PAD,), jnp.float32),
            pltpu.VMEM((N_PAD,), jnp.float32),
            pltpu.VMEM((N_PAD,), jnp.float32),
            pltpu.SemaphoreType.DMA,
            pltpu.SemaphoreType.DMA,
        ],
    )(_edge_body)


def _combine_body(p_ref, o_ref):
    x = jnp.sum(p_ref[...], axis=1)
    num = x[0]
    den = x[1]
    cnt = x[2]
    cong = jnp.where(cnt > 0.5, num / (den * jnp.maximum(cnt, 1.0)), 0.0)
    o_ref[...] = cong


def _combine(parts):
    bs = 1024
    return pl.pallas_call(
        _combine_body,
        grid=(N_PAD // bs,),
        in_specs=[pl.BlockSpec((3, 32, bs), lambda i: (0, 0, i))],
        out_specs=pl.BlockSpec((bs,), lambda i: (i,)),
        out_shape=jax.ShapeDtypeStruct((N_PAD,), jnp.float32),
    )(parts)


def _supgather_body(nodes, nbrs, uh, vh, xu_h, xv_h, nbu_h, nbv_h,
                    u_v, v_v, xu_r, xv_r, nbu_r, nbv_r, s1, s2, s3, s4):
    wid = _wid()
    base_t = wid * S_PER_TILE

    def chunk_body(cidx, _):
        base = base_t + cidx * SB
        pltpu.sync_copy(uh.at[pl.ds(base, SB)], u_v)
        pltpu.sync_copy(vh.at[pl.ds(base, SB)], v_v)
        c1 = pltpu.async_copy(nodes.at[u_v], xu_r, s1)
        c3 = pltpu.async_copy(nbrs.at[u_v], nbu_r, s1)
        c2 = pltpu.async_copy(nodes.at[v_v], xv_r, s2)
        c4 = pltpu.async_copy(nbrs.at[v_v], nbv_r, s2)
        c1.wait()
        c3.wait()
        o1 = pltpu.async_copy(xu_r, xu_h.at[pl.ds(base, SB)], s3)
        o3 = pltpu.async_copy(nbu_r, nbu_h.at[pl.ds(base, SB)], s3)
        c2.wait()
        c4.wait()
        o2 = pltpu.async_copy(xv_r, xv_h.at[pl.ds(base, SB)], s4)
        o4 = pltpu.async_copy(nbv_r, nbv_h.at[pl.ds(base, SB)], s4)
        o1.wait()
        o3.wait()
        o2.wait()
        o4.wait()
        return 0

    lax.fori_loop(0, S_PER_TILE // SB, chunk_body, 0)


@functools.lru_cache(maxsize=None)
def _supgather_kernel_factory():
    return functools.partial(
        pl.kernel,
        mesh=_sc_mesh(),
        out_type=[jax.ShapeDtypeStruct((S_PAD, C), jnp.float32)] * 4,
        scratch_types=[
            pltpu.VMEM((SB,), jnp.int32),
            pltpu.VMEM((SB,), jnp.int32),
            pltpu.VMEM((SB, C), jnp.float32),
            pltpu.VMEM((SB, C), jnp.float32),
            pltpu.VMEM((SB, C), jnp.float32),
            pltpu.VMEM((SB, C), jnp.float32),
            pltpu.SemaphoreType.DMA,
            pltpu.SemaphoreType.DMA,
            pltpu.SemaphoreType.DMA,
            pltpu.SemaphoreType.DMA,
        ],
    )(_supgather_body)


def _exist_body(congh, uh, vh, exh, cong_v, u_v, v_v, ex_v, sem):
    wid = _wid()
    base_t = wid * S_PER_TILE
    pltpu.async_copy(congh, cong_v, sem).wait()
    pltpu.sync_copy(uh.at[pl.ds(base_t, S_PER_TILE)], u_v)
    pltpu.sync_copy(vh.at[pl.ds(base_t, S_PER_TILE)], v_v)

    def g_body(g, _):
        uu = u_v[pl.ds(g * 16, 16)]
        vv = v_v[pl.ds(g * 16, 16)]
        cu = plsc.load_gather(cong_v, [uu])
        cv = plsc.load_gather(cong_v, [vv])
        ex_v[pl.ds(g * 16, 16)] = cu + cv
        return 0

    lax.fori_loop(0, S_PER_TILE // 16, g_body, 0)
    pltpu.sync_copy(ex_v, exh.at[pl.ds(base_t, S_PER_TILE)])


@functools.lru_cache(maxsize=None)
def _exist_kernel_factory():
    return functools.partial(
        pl.kernel,
        mesh=_sc_mesh(),
        compiler_params=pltpu.CompilerParams(use_tc_tiling_on_sc=False, needs_layout_passes=False),
        out_type=jax.ShapeDtypeStruct((S_PAD,), jnp.float32),
        scratch_types=[
            pltpu.VMEM((N_PAD,), jnp.float32),
            pltpu.VMEM((S_PER_TILE,), jnp.int32),
            pltpu.VMEM((S_PER_TILE,), jnp.int32),
            pltpu.VMEM((S_PER_TILE,), jnp.float32),
            pltpu.SemaphoreType.DMA,
        ],
    )(_exist_body)


def _mlp_body(xu_ref, xv_ref, nbu_ref, nbv_ref, ex_ref, w1a_ref, w1b_ref,
              b1_ref, g1_ref, be1_ref, w2_ref, b2_ref, g2_ref, be2_ref,
              wp_ref, ww_ref, par_ref, logits_ref, str_ref):
    xu = xu_ref[...]
    xv = xv_ref[...]
    a = xu + xv
    m = xu * xv
    h = (jnp.dot(a, w1a_ref[...], preferred_element_type=jnp.float32)
         + jnp.dot(m, w1b_ref[...], preferred_element_type=jnp.float32)
         + b1_ref[...])
    mu = jnp.mean(h, axis=-1, keepdims=True)
    var = jnp.mean((h - mu) * (h - mu), axis=-1, keepdims=True)
    h = (h - mu) / jnp.sqrt(var + 1e-5) * g1_ref[...] + be1_ref[...]
    h = jnp.maximum(h, 0.0)
    h2 = jnp.dot(h, w2_ref[...], preferred_element_type=jnp.float32) + b2_ref[...]
    mu = jnp.mean(h2, axis=-1, keepdims=True)
    var = jnp.mean((h2 - mu) * (h2 - mu), axis=-1, keepdims=True)
    ef = (h2 - mu) / jnp.sqrt(var + 1e-5) * g2_ref[...] + be2_ref[...]
    ef = jnp.maximum(ef, 0.0)

    nsim = jnp.sum(nbu_ref[...] * nbv_ref[...], axis=-1, keepdims=True)
    c1s = par_ref[0]
    c1b = par_ref[1]
    c2s = par_ref[2]
    c2b = par_ref[3]
    bp0 = par_ref[4]
    bw0 = par_ref[5]
    wwl = par_ref[6]
    p_dec = jnp.dot(ef, wp_ref[...], preferred_element_type=jnp.float32) + bp0
    p_nbr = c1s * nsim + c1b
    p_cong = c2s * ex_ref[...] + c2b
    logits_ref[...] = jnp.concatenate([p_dec, p_nbr, p_cong], axis=-1)
    s = jnp.dot(ef, ww_ref[...], preferred_element_type=jnp.float32)
    str_ref[...] = jnp.maximum(s + nsim * wwl + bw0, 0.0)


def _mlp(xu, xv, nbu, nbv, exist, w1a, w1b, b1, g1, be1, w2, b2, g2, be2,
         wp, ww, params):
    s_pad = xu.shape[0]
    bs = 512
    grid = (s_pad // bs,)
    row = lambda i: (i, 0)
    bcast = lambda i: (0, 0)
    return pl.pallas_call(
        _mlp_body,
        grid=grid,
        in_specs=[
            pl.BlockSpec((bs, C), row),
            pl.BlockSpec((bs, C), row),
            pl.BlockSpec((bs, C), row),
            pl.BlockSpec((bs, C), row),
            pl.BlockSpec((bs, 1), row),
            pl.BlockSpec((C, H1), bcast),
            pl.BlockSpec((C, H1), bcast),
            pl.BlockSpec((1, H1), bcast),
            pl.BlockSpec((1, H1), bcast),
            pl.BlockSpec((1, H1), bcast),
            pl.BlockSpec((H1, H2), bcast),
            pl.BlockSpec((1, H2), bcast),
            pl.BlockSpec((1, H2), bcast),
            pl.BlockSpec((1, H2), bcast),
            pl.BlockSpec((H2, 1), bcast),
            pl.BlockSpec((H2, 1), bcast),
            pl.BlockSpec(memory_space=pltpu.SMEM),
        ],
        out_specs=[
            pl.BlockSpec((bs, 3), row),
            pl.BlockSpec((bs, 1), row),
        ],
        out_shape=[
            jax.ShapeDtypeStruct((s_pad, 3), jnp.float32),
            jax.ShapeDtypeStruct((s_pad, 1), jnp.float32),
        ],
    )(xu, xv, nbu, nbv, exist, w1a, w1b, b1, g1, be1, w2, b2, g2, be2,
      wp, ww, params)


def kernel(nodes_latent, nbrs_latent, supervision_edges, message_edges,
           message_edgestr, W1, b1, g1, be1, W2, b2, g2, be2, Wp, bp, Ww, bw,
           sim_scale, sim_shift, prob_raw, mw1, mb1, mw2, mb2, mw3, mb3):
    N = nodes_latent.shape[0]
    u, v = supervision_edges[0], supervision_edges[1]
    msg_src, msg_dst = message_edges[0], message_edges[1]
    sup_query = jnp.concatenate([u, v])
    sup_partner = jnp.concatenate([v, u])
    M = sup_query.shape[0]

    present = jnp.zeros((N,), jnp.int32).at[sup_partner].set(1)
    partner_index = jnp.full((N,), -1, jnp.int32).at[sup_partner].set(
        jnp.arange(M, dtype=jnp.int32))

    pad_e = E_PAD - E_MSG
    spread = (jnp.arange(pad_e, dtype=jnp.int32) * 37) % N
    dst_p = jnp.concatenate([msg_dst, spread])
    src_p = jnp.concatenate([msg_src, spread])

    mask_p, mpi_p = _premask_kernel_factory()(present, partner_index, dst_p)
    mask = mask_p[:E_MSG]
    neighbor_count = jnp.zeros((M,), jnp.int32).at[mpi_p[:E_MSG]].add(mask)
    rank = jnp.cumsum(mask) - 1
    cum_counts = jnp.cumsum(neighbor_count)
    rank_p = jnp.concatenate([rank, jnp.zeros((pad_e,), jnp.int32)])
    maskz_p = jnp.concatenate([mask, jnp.zeros((pad_e,), jnp.int32)])

    eq_p = _expand_kernel_factory()(cum_counts, sup_query, rank_p,
                                    maskz_p, dst_p)
    mf_p = maskz_p.astype(jnp.float32)

    xhat = _normalize_rows(nodes_latent)
    parts = _edge_kernel_factory()(xhat, eq_p, src_p, mf_p)
    cong = _combine(parts)

    pad_s = S_PAD - S_SUP
    spread_s = (jnp.arange(pad_s, dtype=jnp.int32) * 41) % N
    u_p = jnp.concatenate([u, spread_s])
    v_p = jnp.concatenate([v, spread_s])

    xu, xv, nbu, nbv = _supgather_kernel_factory()(nodes_latent, nbrs_latent,
                                                   u_p, v_p)
    exist = _exist_kernel_factory()(cong, u_p, v_p)

    coeff = jnp.logaddexp(prob_raw, 0.0)
    coeff = coeff / jnp.sum(coeff)
    c0, c1, c2 = coeff[0], coeff[1], coeff[2]
    params = jnp.stack([
        c1 * sim_scale,
        c1 * sim_scale * sim_shift,
        c2 * sim_scale,
        c2 * sim_scale * sim_shift,
        c0 * bp[0],
        bw[0],
        Ww[H2, 0],
    ]).astype(jnp.float32)

    logits, strengths = _mlp(
        xu, xv, nbu, nbv, exist[:, None],
        W1[:C], W1[C:], b1[None, :], g1[None, :], be1[None, :],
        W2, b2[None, :], g2[None, :], be2[None, :],
        Wp * c0, Ww[:H2], params)

    return (logits[:S_SUP], strengths[:S_SUP], coeff)

# --- scband reference (transcript-rebuilt; emitter-appended) ---
"""Pipeline reference for scband-decoder-56495999811733 (READ-ONLY COPY).

The authoritative reference and input builder live on the scoring server;
editing this copy changes nothing except your own understanding.
"""

import jax, jax.numpy as jnp
import numpy as np

N_NODES = 10000
C = 256
E_MSG = 160000
S_SUP = 20000
H1 = 512
H2 = 256

def _softplus(x):
    return jnp.logaddexp(x, 0.0)

def _layernorm(x, g, b):
    mu = jnp.mean(x, axis=-1, keepdims=True)
    var = jnp.var(x, axis=-1, keepdims=True)
    return (x - mu) / jnp.sqrt(var + 1e-5) * g + b

def setup_inputs():
    ks = jax.random.split(jax.random.key(0), 16)
    D0 = 2 * C
    inp = {}
    inp["nodes_latent"] = jax.random.normal(ks[0], (N_NODES, C), jnp.float32)
    inp["nbrs_latent"] = jax.random.normal(ks[1], (N_NODES, C), jnp.float32)
    inp["supervision_edges"] = jax.random.randint(ks[2], (2, S_SUP), 0, N_NODES, jnp.int32)
    inp["message_edges"] = jax.random.randint(ks[3], (2, E_MSG), 0, N_NODES, jnp.int32)
    inp["message_edgestr"] = jax.random.uniform(ks[4], (E_MSG,), jnp.float32)
    inp["W1"] = jax.random.normal(ks[5], (D0, H1), jnp.float32) * float(1.0 / np.sqrt(D0))
    inp["b1"] = jnp.zeros((H1,), jnp.float32)
    inp["g1"] = jnp.ones((H1,), jnp.float32)
    inp["be1"] = jnp.zeros((H1,), jnp.float32)
    inp["W2"] = jax.random.normal(ks[6], (H1, H2), jnp.float32) * float(1.0 / np.sqrt(H1))
    inp["b2"] = jnp.zeros((H2,), jnp.float32)
    inp["g2"] = jnp.ones((H2,), jnp.float32)
    inp["be2"] = jnp.zeros((H2,), jnp.float32)
    inp["Wp"] = jax.random.normal(ks[7], (H2, 1), jnp.float32) * float(1.0 / np.sqrt(H2))
    inp["bp"] = jnp.zeros((1,), jnp.float32)
    inp["Ww"] = jax.random.normal(ks[8], (H2 + 1, 1), jnp.float32) * float(1.0 / np.sqrt(H2 + 1))
    inp["bw"] = jnp.zeros((1,), jnp.float32)
    inp["sim_scale"] = jnp.array(1.0, jnp.float32)
    inp["sim_shift"] = jnp.array(0.0, jnp.float32)
    inp["prob_raw"] = jnp.full((3,), 1.0 / 3.0, jnp.float32)
    inp["mw1"] = jax.random.normal(ks[9], (32, 1), jnp.float32) * 0.01
    inp["mb1"] = jnp.zeros((32,), jnp.float32)
    inp["mw2"] = jax.random.normal(ks[10], (32, 32), jnp.float32) * 0.01
    inp["mb2"] = jnp.zeros((32,), jnp.float32)
    inp["mw3"] = jax.random.normal(ks[11], (1, 32), jnp.float32) * 0.01
    inp["mb3"] = jnp.zeros((1,), jnp.float32)
    return inp

def reference(nodes_latent, nbrs_latent, supervision_edges, message_edges, message_edgestr,
              W1, b1, g1, be1, W2, b2, g2, be2, Wp, bp, Ww, bw,
              sim_scale, sim_shift, prob_raw, mw1, mb1, mw2, mb2, mw3, mb3):
    N = nodes_latent.shape[0]
    u, v = supervision_edges[0], supervision_edges[1]
    msg_src, msg_dst = message_edges[0], message_edges[1]
    sup_query = jnp.concatenate([u, v])
    sup_partner = jnp.concatenate([v, u])
    M = sup_query.shape[0]
    mask = jnp.isin(msg_dst, sup_partner)
    partner_index = jnp.full((N,), -1, jnp.int32).at[sup_partner].set(jnp.arange(M, dtype=jnp.int32))
    msg_partner_idx = partner_index[msg_dst]
    neighbor_count = jnp.zeros((M,), jnp.int32).at[msg_partner_idx].add(mask.astype(jnp.int32))
    rank = jnp.cumsum(mask.astype(jnp.int32)) - 1
    cum_counts = jnp.cumsum(neighbor_count)
    slot = jnp.searchsorted(cum_counts, rank, side='right')
    expanded_queries = sup_query[jnp.clip(slot, 0, M - 1)]
    seg = jnp.where(mask, expanded_queries, N)
    safe_seg = jnp.where(mask, expanded_queries, 0)
    msg_neighbors = msg_src
    qa = nodes_latent[expanded_queries]
    nb = nodes_latent[msg_neighbors]
    na = jnp.maximum(jnp.linalg.norm(qa, axis=-1), 1e-8)
    nbn = jnp.maximum(jnp.linalg.norm(nb, axis=-1), 1e-8)
    cosine_sim = jnp.sum(qa * nb, axis=-1) / (na * nbn)
    s = 10.0 * cosine_sim
    seg_max = jax.ops.segment_max(s, seg, num_segments=N)
    ex = jnp.exp(s - seg_max[safe_seg])
    den = jax.ops.segment_sum(ex, seg, num_segments=N)
    weights = ex / den[safe_seg]
    cnt = jax.ops.segment_sum(jnp.ones_like(cosine_sim), seg, num_segments=N)
    cnt = jnp.maximum(cnt, 1.0)
    congruence_node = jax.ops.segment_sum(weights * cosine_sim, seg, num_segments=N) / cnt
    existence = congruence_node[u] + congruence_node[v]
    h = cosine_sim[:, None]
    w = _softplus(mw1) + 1e-6
    h = _softplus(h @ w.T + mb1)
    w = _softplus(mw2) + 1e-6
    h = _softplus(h @ w.T + mb2)
    w = _softplus(mw3) + 1e-6
    h = h @ w.T + mb3
    weighted_edges = h[:, 0] * message_edgestr
    strength_node = jax.ops.segment_sum(weighted_edges, seg, num_segments=N) / cnt
    strength_by_congruence = strength_node[u] + strength_node[v]
    additive = nodes_latent[u] + nodes_latent[v]
    multiplicative = nodes_latent[u] * nodes_latent[v]
    combined = jnp.concatenate([additive, multiplicative], axis=-1)
    e = jax.nn.relu(_layernorm(combined @ W1 + b1, g1, be1))
    edge_features = jax.nn.relu(_layernorm(e @ W2 + b2, g2, be2))
    nbrs_similarity = jnp.sum(nbrs_latent[u] * nbrs_latent[v], axis=-1, keepdims=True)
    P_cong = (sim_scale * (existence + sim_shift))[:, None]
    P_nbr = sim_scale * (nbrs_similarity + sim_shift)
    P_dec = edge_features @ Wp + bp
    coeff = _softplus(prob_raw)
    coeff = coeff / jnp.sum(coeff)
    edge_prob_logits = coeff * jnp.concatenate([P_dec, P_nbr, P_cong], axis=-1)
    edge_strengths = jax.nn.relu(jnp.concatenate([edge_features, nbrs_similarity], axis=-1) @ Ww + bw)
    _ = strength_by_congruence
    return (edge_prob_logits, edge_strengths, coeff)

if __name__ == "__main__":
    import jax
    _d = setup_inputs()
    print(jax.jit(kernel)(*tuple(_d.values())))

</pallas_src>

<mosaic_0001>
#map = affine_map<(d0, d1) -> (0)>
module attributes {stable_mosaic.version = 14 : i64} {
  func.func @_premask_body(%arg0: i32, %arg1: i32, %arg2: memref<10000xi32, #tpu.memory_space<hbm>>, %arg3: memref<10000xi32, #tpu.memory_space<hbm>>, %arg4: memref<163840xi32, #tpu.memory_space<hbm>>, %arg5: memref<163840xi32, #tpu.memory_space<hbm>>, %arg6: memref<163840xi32, #tpu.memory_space<hbm>>, %arg7: memref<10000xi32, #tpu.memory_space<vmem>>, %arg8: memref<10000xi32, #tpu.memory_space<vmem>>, %arg9: memref<512xi32, #tpu.memory_space<vmem>>, %arg10: memref<512xi32, #tpu.memory_space<vmem>>, %arg11: memref<512xi32, #tpu.memory_space<vmem>>) attributes {dimension_semantics = [#tpu.dimension_semantics<core_parallel>, #tpu.dimension_semantics<subcore_parallel>], iteration_bounds = array<i64: 2, 16>, scalar_prefetch = 0 : i64, scratch_operands = 5 : i64, tpu.core_type = #tpu.core_type<sc_vector_subcore>, window_params = [{transform_indices = #map}, {transform_indices = #map}, {transform_indices = #map}, {transform_indices = #map}, {transform_indices = #map}]} {
    %mul3A = arith.constant 2 : i32
    %mul3A_0 = arith.muli %arg1, %mul3A : i32
    %add3A = arith.addi %mul3A_0, %arg0 : i32
    "tpu.region"() ({
      %run_scoped3A = tpu.sem_alloc : memref<!tpu.dma_semaphore, #tpu.memory_space<semaphore_mem>>
      tpu.enqueue_dma source(%arg2 : memref<10000xi32, #tpu.memory_space<hbm>>) target(%arg7 : memref<10000xi32, #tpu.memory_space<vmem>>) target_semaphore(%run_scoped3A : memref<!tpu.dma_semaphore, #tpu.memory_space<semaphore_mem>>)
      tpu.wait_dma2 semaphore(%run_scoped3A : memref<!tpu.dma_semaphore, #tpu.memory_space<semaphore_mem>>) src(%arg2 : memref<10000xi32, #tpu.memory_space<hbm>>) dst(%arg7 : memref<10000xi32, #tpu.memory_space<vmem>>)
      tpu.yield
    }) : () -> ()
    "tpu.region"() ({
      %run_scoped3A = tpu.sem_alloc : memref<!tpu.dma_semaphore, #tpu.memory_space<semaphore_mem>>
      tpu.enqueue_dma source(%arg3 : memref<10000xi32, #tpu.memory_space<hbm>>) target(%arg8 : memref<10000xi32, #tpu.memory_space<vmem>>) target_semaphore(%run_scoped3A : memref<!tpu.dma_semaphore, #tpu.memory_space<semaphore_mem>>)
      tpu.wait_dma2 semaphore(%run_scoped3A : memref<!tpu.dma_semaphore, #tpu.memory_space<semaphore_mem>>) src(%arg3 : memref<10000xi32, #tpu.memory_space<hbm>>) dst(%arg8 : memref<10000xi32, #tpu.memory_space<vmem>>)
      tpu.yield
    }) : () -> ()
    %mul3A_1 = arith.constant 5120 : i32
    %mul3A_2 = arith.muli %add3A, %mul3A_1 : i32
    %scan3A = arith.constant 0 : i32
    %scan3A_3 = arith.constant 0 : i32
    %scan3A_4 = arith.constant 10 : i32
    %scan3A_5 = arith.addi %scan3A_3, %scan3A_4 : i32
    %scan3A_6 = arith.constant 1 : i32
    %scan3A_7 = scf.for %scan3A_9 = %scan3A_3 to %scan3A_5 step %scan3A_6 iter_args(%scan3A_10 = %scan3A) -> (i32)  : i32 {
      %mul3A_11 = arith.constant 512 : i32
      %mul3A_12 = arith.muli %scan3A_9, %mul3A_11 : i32
      %add3A_13 = arith.addi %mul3A_2, %mul3A_12 : i32
      "tpu.region"() ({
        %run_scoped3A = tpu.sem_alloc : memref<!tpu.dma_semaphore, #tpu.memory_space<semaphore_mem>>
        %dma_start3A = tpu.memref_slice %arg4[%add3A_13] : memref<163840xi32, #tpu.memory_space<hbm>> -> memref<512xi32, #tpu.memory_space<hbm>>
        %dma_start3A_22 = tpu.memref_slice %arg4[%add3A_13] : memref<163840xi32, #tpu.memory_space<hbm>> -> memref<512xi32, #tpu.memory_space<hbm>>
        tpu.enqueue_dma source(%dma_start3A_22 : memref<512xi32, #tpu.memory_space<hbm>>) target(%arg9 : memref<512xi32, #tpu.memory_space<vmem>>) target_semaphore(%run_scoped3A : memref<!tpu.dma_semaphore, #tpu.memory_space<semaphore_mem>>)
        %dma_wait3A = tpu.memref_slice %arg4[%add3A_13] : memref<163840xi32, #tpu.memory_space<hbm>> -> memref<512xi32, #tpu.memory_space<hbm>>
        %dma_wait3A_23 = tpu.memref_slice %arg4[%add3A_13] : memref<163840xi32, #tpu.memory_space<hbm>> -> memref<512xi32, #tpu.memory_space<hbm>>
        tpu.wait_dma2 semaphore(%run_scoped3A : memref<!tpu.dma_semaphore, #tpu.memory_space<semaphore_mem>>) src(%dma_wait3A_23 : memref<512xi32, #tpu.memory_space<hbm>>) dst(%arg9 : memref<512xi32, #tpu.memory_space<vmem>>)
        tpu.yield
      }) : () -> ()
      %scan3A_14 = arith.constant 0 : i32
      %scan3A_15 = arith.constant 0 : i32
      %scan3A_16 = arith.constant 32 : i32
      %scan3A_17 = arith.addi %scan3A_15, %scan3A_16 : i32
      %scan3A_18 = arith.constant 1 : i32
      %scan3A_19 = scf.for %scan3A_22 = %scan3A_15 to %scan3A_17 step %scan3A_18 iter_args(%scan3A_23 = %scan3A_14) -> (i32)  : i32 {
        %mul3A_24 = arith.constant 16 : i32
        %mul3A_25 = arith.muli %scan3A_22, %mul3A_24 : i32
        %get3A = arith.index_cast %mul3A_25 : i32 to index
        %get3A_26 = tpu.vector_load %arg9[%get3A] {strides = array<i32>} : memref<512xi32, #tpu.memory_space<vmem>>, vector<16xi32>,
        %gather3A = tpu.vector_load_idx %arg7[%get3A_26] : memref<10000xi32, #tpu.memory_space<vmem>>[vector<16xi32>], vector<16xi32>,
        %mul3A_27 = arith.constant 16 : i32
        %mul3A_28 = arith.muli %scan3A_22, %mul3A_27 : i32
        %swap3A = arith.index_cast %mul3A_28 : i32 to index
        %swap3A_29 = tpu.vector_load %arg10[%swap3A] {strides = array<i32>} : memref<512xi32, #tpu.memory_space<vmem>>, vector<16xi32>,
        tpu.vector_store %arg10[%swap3A], %gather3A {strides = array<i32>} : memref<512xi32, #tpu.memory_space<vmem>>, vector<16xi32>,
        %gather3A_30 = tpu.vector_load_idx %arg8[%get3A_26] : memref<10000xi32, #tpu.memory_space<vmem>>[vector<16xi32>], vector<16xi32>,
        %mul3A_31 = arith.constant 16 : i32
        %mul3A_32 = arith.muli %scan3A_22, %mul3A_31 : i32
        %swap3A_33 = arith.index_cast %mul3A_32 : i32 to index
        %swap3A_34 = tpu.vector_load %arg11[%swap3A_33] {strides = array<i32>} : memref<512xi32, #tpu.memory_space<vmem>>, vector<16xi32>,
        tpu.vector_store %arg11[%swap3A_33], %gather3A_30 {strides = array<i32>} : memref<512xi32, #tpu.memory_space<vmem>>, vector<16xi32>,
        %scan3A_35 = arith.constant 0 : i32
        scf.yield %scan3A_35 : i32
      }
      %scan3A_20 = arith.constant 32 : i32
      "tpu.region"() ({
        %run_scoped3A = tpu.sem_alloc : memref<!tpu.dma_semaphore, #tpu.memory_space<semaphore_mem>>
        %dma_start3A = tpu.memref_slice %arg5[%add3A_13] : memref<163840xi32, #tpu.memory_space<hbm>> -> memref<512xi32, #tpu.memory_space<hbm>>
        %dma_start3A_22 = tpu.memref_slice %arg5[%add3A_13] : memref<163840xi32, #tpu.memory_space<hbm>> -> memref<512xi32, #tpu.memory_space<hbm>>
        tpu.enqueue_dma source(%arg10 : memref<512xi32, #tpu.memory_space<vmem>>) target(%dma_start3A_22 : memref<512xi32, #tpu.memory_space<hbm>>) target_semaphore(%run_scoped3A : memref<!tpu.dma_semaphore, #tpu.memory_space<semaphore_mem>>)
        %dma_wait3A = tpu.memref_slice %arg5[%add3A_13] : memref<163840xi32, #tpu.memory_space<hbm>> -> memref<512xi32, #tpu.memory_space<hbm>>
        %dma_wait3A_23 = tpu.memref_slice %arg5[%add3A_13] : memref<163840xi32, #tpu.memory_space<hbm>> -> memref<512xi32, #tpu.memory_space<hbm>>
        tpu.wait_dma2 semaphore(%run_scoped3A : memref<!tpu.dma_semaphore, #tpu.memory_space<semaphore_mem>>) src(%arg10 : memref<512xi32, #tpu.memory_space<vmem>>) dst(%dma_wait3A_23 : memref<512xi32, #tpu.memory_space<hbm>>)
        tpu.yield
      }) : () -> ()
      "tpu.region"() ({
        %run_scoped3A = tpu.sem_alloc : memref<!tpu.dma_semaphore, #tpu.memory_space<semaphore_mem>>
        %dma_start3A = tpu.memref_slice %arg6[%add3A_13] : memref<163840xi32, #tpu.memory_space<hbm>> -> memref<512xi32, #tpu.memory_space<hbm>>
        %dma_start3A_22 = tpu.memref_slice %arg6[%add3A_13] : memref<163840xi32, #tpu.memory_space<hbm>> -> memref<512xi32, #tpu.memory_space<hbm>>
        tpu.enqueue_dma source(%arg11 : memref<512xi32, #tpu.memory_space<vmem>>) target(%dma_start3A_22 : memref<512xi32, #tpu.memory_space<hbm>>) target_semaphore(%run_scoped3A : memref<!tpu.dma_semaphore, #tpu.memory_space<semaphore_mem>>)
        %dma_wait3A = tpu.memref_slice %arg6[%add3A_13] : memref<163840xi32, #tpu.memory_space<hbm>> -> memref<512xi32, #tpu.memory_space<hbm>>
        %dma_wait3A_23 = tpu.memref_slice %arg6[%add3A_13] : memref<163840xi32, #tpu.memory_space<hbm>> -> memref<512xi32, #tpu.memory_space<hbm>>
        tpu.wait_dma2 semaphore(%run_scoped3A : memref<!tpu.dma_semaphore, #tpu.memory_space<semaphore_mem>>) src(%arg11 : memref<512xi32, #tpu.memory_space<vmem>>) dst(%dma_wait3A_23 : memref<512xi32, #tpu.memory_space<hbm>>)
        tpu.yield
      }) : () -> ()
      %scan3A_21 = arith.constant 0 : i32
      scf.yield %scan3A_21 : i32
    }
    %scan3A_8 = arith.constant 10 : i32
    return
  }
}

#map = affine_map<(d0, d1) -> (0, 0)>
#map1 = affine_map<(d0, d1) -> (0)>
#map2 = affine_map<(d0, d1) -> (0, 0, 0)>
module attributes {stable_mosaic.version = 14 : i64} {
  func.func @_edge_body(%arg0: i32, %arg1: i32, %arg2: memref<10000x256xf32, #tpu.memory_space<hbm>>, %arg3: memref<163840xi32, #tpu.memory_space<hbm>>, %arg4: memref<163840xi32, #tpu.memory_space<hbm>>, %arg5: memref<163840xf32, #tpu.memory_space<hbm>>, %arg6: memref<3x32x10240xf32, #tpu.memory_space<hbm>>, %arg7: memref<128xi32, #tpu.memory_space<vmem>>, %arg8: memref<128xi32, #tpu.memory_space<vmem>>, %arg9: memref<128xf32, #tpu.memory_space<vmem>>, %arg10: memref<128x256xf32, #tpu.memory_space<vmem>>, %arg11: memref<128x256xf32, #tpu.memory_space<vmem>>, %arg12: memref<10240xf32, #tpu.memory_space<vmem>>, %arg13: memref<10240xf32, #tpu.memory_space<vmem>>, %arg14: memref<10240xf32, #tpu.memory_space<vmem>>, %arg15: memref<!tpu.dma_semaphore, #tpu.memory_space<semaphore_mem>>, %arg16: memref<!tpu.dma_semaphore, #tpu.memory_space<semaphore_mem>>) attributes {dimension_semantics = [#tpu.dimension_semantics<core_parallel>, #tpu.dimension_semantics<subcore_parallel>], iteration_bounds = array<i64: 2, 16>, scalar_prefetch = 0 : i64, scratch_operands = 10 : i64, tpu.core_type = #tpu.core_type<sc_vector_subcore>, window_params = [{transform_indices = #map}, {transform_indices = #map1}, {transform_indices = #map1}, {transform_indices = #map1}, {transform_indices = #map2}]} {
    %mul3A = arith.constant 2 : i32
    %mul3A_0 = arith.muli %arg1, %mul3A : i32
    %add3A = arith.addi %mul3A_0, %arg0 : i32
    %scan3A = arith.constant 0 : i32
    %scan3A_1 = arith.constant 0 : i32
    %scan3A_2 = arith.constant 640 : i32
    %scan3A_3 = arith.addi %scan3A_1, %scan3A_2 : i32
    %scan3A_4 = arith.constant 1 : i32
    %scan3A_5 = scf.for %scan3A_18 = %scan3A_1 to %scan3A_3 step %scan3A_4 iter_args(%scan3A_19 = %scan3A) -> (i32)  : i32 {
      %broadcast_in_dim3A = arith.constant 0.000000e+00 : f32
      %broadcast_in_dim3A_20 = vector.broadcast %broadcast_in_dim3A : f32 to vector<16xf32>
      %mul3A_21 = arith.constant 16 : i32
      %mul3A_22 = arith.muli %scan3A_18, %mul3A_21 : i32
      %swap3A = arith.index_cast %mul3A_22 : i32 to index
      %swap3A_23 = tpu.vector_load %arg12[%swap3A] {strides = array<i32>} : memref<10240xf32, #tpu.memory_space<vmem>>, vector<16xf32>,
      tpu.vector_store %arg12[%swap3A], %broadcast_in_dim3A_20 {strides = array<i32>} : memref<10240xf32, #tpu.memory_space<vmem>>, vector<16xf32>,
      %mul3A_24 = arith.constant 16 : i32
      %mul3A_25 = arith.muli %scan3A_18, %mul3A_24 : i32
      %swap3A_26 = arith.index_cast %mul3A_25 : i32 to index
      %swap3A_27 = tpu.vector_load %arg13[%swap3A_26] {strides = array<i32>} : memref<10240xf32, #tpu.memory_space<vmem>>, vector<16xf32>,
      tpu.vector_store %arg13[%swap3A_26], %broadcast_in_dim3A_20 {strides = array<i32>} : memref<10240xf32, #tpu.memory_space<vmem>>, vector<16xf32>,
      %mul3A_28 = arith.constant 16 : i32
      %mul3A_29 = arith.muli %scan3A_18, %mul3A_28 : i32
      %swap3A_30 = arith.index_cast %mul3A_29 : i32 to index
      %swap3A_31 = tpu.vector_load %arg14[%swap3A_30] {strides = array<i32>} : memref<10240xf32, #tpu.memory_space<vmem>>, vector<16xf32>,
      tpu.vector_store %arg14[%swap3A_30], %broadcast_in_dim3A_20 {strides = array<i32>} : memref<10240xf32, #tpu.memory_space<vmem>>, vector<16xf32>,
      %scan3A_32 = arith.constant 0 : i32
      scf.yield %scan3A_32 : i32
    }
    %scan3A_6 = arith.constant 640 : i32
    %mul3A_7 = arith.constant 5120 : i32
    %mul3A_8 = arith.muli %add3A, %mul3A_7 : i32
    %iota3A = tpu.iota {dimensions = array<i32: 0>} : vector<16xi32>
    %scan3A_9 = arith.constant 0 : i32
    %scan3A_10 = arith.constant 0 : i32
    %scan3A_11 = arith.constant 40 : i32
    %scan3A_12 = arith.addi %scan3A_10, %scan3A_11 : i32
    %scan3A_13 = arith.constant 1 : i32
    %scan3A_14 = scf.for %scan3A_18 = %scan3A_10 to %scan3A_12 step %scan3A_13 iter_args(%scan3A_19 = %scan3A_9) -> (i32)  : i32 {
      %mul3A_20 = arith.constant 128 : i32
      %mul3A_21 = arith.muli %scan3A_18, %mul3A_20 : i32
      %add3A_22 = arith.addi %mul3A_8, %mul3A_21 : i32
      "tpu.region"() ({
        %run_scoped3A_41 = tpu.sem_alloc : memref<!tpu.dma_semaphore, #tpu.memory_space<semaphore_mem>>
        %dma_start3A_42 = tpu.memref_slice %arg3[%add3A_22] : memref<163840xi32, #tpu.memory_space<hbm>> -> memref<128xi32, #tpu.memory_space<hbm>>
        %dma_start3A_43 = tpu.memref_slice %arg3[%add3A_22] : memref<163840xi32, #tpu.memory_space<hbm>> -> memref<128xi32, #tpu.memory_space<hbm>>
        tpu.enqueue_dma source(%dma_start3A_43 : memref<128xi32, #tpu.memory_space<hbm>>) target(%arg7 : memref<128xi32, #tpu.memory_space<vmem>>) target_semaphore(%run_scoped3A_41 : memref<!tpu.dma_semaphore, #tpu.memory_space<semaphore_mem>>)
        %dma_wait3A_44 = tpu.memref_slice %arg3[%add3A_22] : memref<163840xi32, #tpu.memory_space<hbm>> -> memref<128xi32, #tpu.memory_space<hbm>>
        %dma_wait3A_45 = tpu.memref_slice %arg3[%add3A_22] : memref<163840xi32, #tpu.memory_space<hbm>> -> memref<128xi32, #tpu.memory_space<hbm>>
        tpu.wait_dma2 semaphore(%run_scoped3A_41 : memref<!tpu.dma_semaphore, #tpu.memory_space<semaphore_mem>>) src(%dma_wait3A_45 : memref<128xi32, #tpu.memory_space<hbm>>) dst(%arg7 : memref<128xi32, #tpu.memory_space<vmem>>)
        tpu.yield
      }) : () -> ()
      "tpu.region"() ({
        %run_scoped3A_41 = tpu.sem_alloc : memref<!tpu.dma_semaphore, #tpu.memory_space<semaphore_mem>>
        %dma_start3A_42 = tpu.memref_slice %arg4[%add3A_22] : memref<163840xi32, #tpu.memory_space<hbm>> -> memref<128xi32, #tpu.memory_space<hbm>>
        %dma_start3A_43 = tpu.memref_slice %arg4[%add3A_22] : memref<163840xi32, #tpu.memory_space<hbm>> -> memref<128xi32, #tpu.memory_space<hbm>>
        tpu.enqueue_dma source(%dma_start3A_43 : memref<128xi32, #tpu.memory_space<hbm>>) target(%arg8 : memref<128xi32, #tpu.memory_space<vmem>>) target_semaphore(%run_scoped3A_41 : memref<!tpu.dma_semaphore, #tpu.memory_space<semaphore_mem>>)
        %dma_wait3A_44 = tpu.memref_slice %arg4[%add3A_22] : memref<163840xi32, #tpu.memory_space<hbm>> -> memref<128xi32, #tpu.memory_space<hbm>>
        %dma_wait3A_45 = tpu.memref_slice %arg4[%add3A_22] : memref<163840xi32, #tpu.memory_space<hbm>> -> memref<128xi32, #tpu.memory_space<hbm>>
        tpu.wait_dma2 semaphore(%run_scoped3A_41 : memref<!tpu.dma_semaphore, #tpu.memory_space<semaphore_mem>>) src(%dma_wait3A_45 : memref<128xi32, #tpu.memory_space<hbm>>) dst(%arg8 : memref<128xi32, #tpu.memory_space<vmem>>)
        tpu.yield
      }) : () -> ()
      "tpu.region"() ({
        %run_scoped3A_41 = tpu.sem_alloc : memref<!tpu.dma_semaphore, #tpu.memory_space<semaphore_mem>>
        %dma_start3A_42 = tpu.memref_slice %arg5[%add3A_22] : memref<163840xf32, #tpu.memory_space<hbm>> -> memref<128xf32, #tpu.memory_space<hbm>>
        %dma_start3A_43 = tpu.memref_slice %arg5[%add3A_22] : memref<163840xf32, #tpu.memory_space<hbm>> -> memref<128xf32, #tpu.memory_space<hbm>>
        tpu.enqueue_dma source(%dma_start3A_43 : memref<128xf32, #tpu.memory_space<hbm>>) target(%arg9 : memref<128xf32, #tpu.memory_space<vmem>>) target_semaphore(%run_scoped3A_41 : memref<!tpu.dma_semaphore, #tpu.memory_space<semaphore_mem>>)
        %dma_wait3A_44 = tpu.memref_slice %arg5[%add3A_22] : memref<163840xf32, #tpu.memory_space<hbm>> -> memref<128xf32, #tpu.memory_space<hbm>>
        %dma_wait3A_45 = tpu.memref_slice %arg5[%add3A_22] : memref<163840xf32, #tpu.memory_space<hbm>> -> memref<128xf32, #tpu.memory_space<hbm>>
        tpu.wait_dma2 semaphore(%run_scoped3A_41 : memref<!tpu.dma_semaphore, #tpu.memory_space<semaphore_mem>>) src(%dma_wait3A_45 : memref<128xf32, #tpu.memory_space<hbm>>) dst(%arg9 : memref<128xf32, #tpu.memory_space<vmem>>)
        tpu.yield
      }) : () -> ()
      %dma_start3A = arith.constant 0 : i32
      %dma_start3A_23 = arith.constant 0 : i32
      %dma_start3A_24 = tpu.memref_slice %arg2[%dma_start3A, %dma_start3A_23] : memref<10000x256xf32, #tpu.memory_space<hbm>> -> memref<10000x256xf32, #tpu.memory_space<hbm>>
      tpu.enqueue_indirect_dma source(%dma_start3A_24 : memref<10000x256xf32, #tpu.memory_space<hbm>>) target(%arg10 : memref<128x256xf32, #tpu.memory_space<vmem>>) offsets(%arg7 : memref<128xi32, #tpu.memory_space<vmem>>) semaphore(%arg15 : memref<!tpu.dma_semaphore, #tpu.memory_space<semaphore_mem>>)
      %dma_start3A_25 = arith.constant 0 : i32
      %dma_start3A_26 = arith.constant 0 : i32
      %dma_start3A_27 = tpu.memref_slice %arg2[%dma_start3A_25, %dma_start3A_26] : memref<10000x256xf32, #tpu.memory_space<hbm>> -> memref<10000x256xf32, #tpu.memory_space<hbm>>
      tpu.enqueue_indirect_dma source(%dma_start3A_27 : memref<10000x256xf32, #tpu.memory_space<hbm>>) target(%arg11 : memref<128x256xf32, #tpu.memory_space<vmem>>) offsets(%arg8 : memref<128xi32, #tpu.memory_space<vmem>>) semaphore(%arg16 : memref<!tpu.dma_semaphore, #tpu.memory_space<semaphore_mem>>)
      %dma_wait3A = arith.constant 0 : i32
      %dma_wait3A_28 = arith.constant 0 : i32
      %dma_wait3A_29 = tpu.memref_slice %arg2[%dma_wait3A, %dma_wait3A_28] : memref<10000x256xf32, #tpu.memory_space<hbm>> -> memref<10000x256xf32, #tpu.memory_space<hbm>>
      tpu.wait_indirect_dma semaphore(%arg15 : memref<!tpu.dma_semaphore, #tpu.memory_space<semaphore_mem>>) src(%dma_wait3A_29 : memref<10000x256xf32, #tpu.memory_space<hbm>>) dst(%arg10 : memref<128x256xf32, #tpu.memory_space<vmem>>)
      %dma_wait3A_30 = arith.constant 0 : i32
      %dma_wait3A_31 = arith.constant 0 : i32
      %dma_wait3A_32 = tpu.memref_slice %arg2[%dma_wait3A_30, %dma_wait3A_31] : memref<10000x256xf32, #tpu.memory_space<hbm>> -> memref<10000x256xf32, #tpu.memory_space<hbm>>
      tpu.wait_indirect_dma semaphore(%arg16 : memref<!tpu.dma_semaphore, #tpu.memory_space<semaphore_mem>>) src(%dma_wait3A_32 : memref<10000x256xf32, #tpu.memory_space<hbm>>) dst(%arg11 : memref<128x256xf32, #tpu.memory_space<vmem>>)
      %scan3A_33 = arith.constant 0 : i32
      %scan3A_34 = arith.constant 0 : i32
      %scan3A_35 = arith.constant 8 : i32
      %scan3A_36 = arith.addi %scan3A_34, %scan3A_35 : i32
      %scan3A_37 = arith.constant 1 : i32
      %scan3A_38 = scf.for %scan3A_41 = %scan3A_34 to %scan3A_36 step %scan3A_37 iter_args(%scan3A_42 = %scan3A_33) -> (i32)  : i32 {
        %broadcast_in_dim3A = arith.constant 0.000000e+00 : f32
        %broadcast_in_dim3A_43 = vector.broadcast %broadcast_in_dim3A : f32 to vector<16xf32>
        %scan3A_44 = arith.constant 0 : i32
        %scan3A_45 = arith.constant 16 : i32
        %scan3A_46 = arith.addi %scan3A_44, %scan3A_45 : i32
        %scan3A_47 = arith.constant 1 : i32
        %scan3A_48 = scf.for %scan3A_63 = %scan3A_44 to %scan3A_46 step %scan3A_47 iter_args(%scan3A_64 = %broadcast_in_dim3A_43) -> (vector<16xf32>)  : i32 {
          %mul3A_65 = arith.constant 16 : i32
          %mul3A_66 = arith.muli %scan3A_41, %mul3A_65 : i32
          %add3A_67 = arith.addi %mul3A_66, %scan3A_63 : i32
          %broadcast_in_dim3A_68 = arith.constant 0.000000e+00 : f32
          %broadcast_in_dim3A_69 = vector.broadcast %broadcast_in_dim3A_68 : f32 to vector<16xf32>
          %broadcast_in_dim3A_70 = arith.constant 0.000000e+00 : f32
          %broadcast_in_dim3A_71 = vector.broadcast %broadcast_in_dim3A_70 : f32 to vector<16xf32>
          %broadcast_in_dim3A_72 = arith.constant 0.000000e+00 : f32
          %broadcast_in_dim3A_73 = vector.broadcast %broadcast_in_dim3A_72 : f32 to vector<16xf32>
          %broadcast_in_dim3A_74 = arith.constant 0.000000e+00 : f32
          %broadcast_in_dim3A_75 = vector.broadcast %broadcast_in_dim3A_74 : f32 to vector<16xf32>
          %get3A_76 = arith.index_cast %add3A_67 : i32 to index
          %get3A_77 = arith.constant 0 : index
          %get3A_78 = tpu.vector_load %arg10[%get3A_76, %get3A_77] {strides = array<i32>} : memref<128x256xf32, #tpu.memory_space<vmem>>, vector<16xf32>,
          %get3A_79 = arith.index_cast %add3A_67 : i32 to index
          %get3A_80 = arith.constant 0 : index
          %get3A_81 = tpu.vector_load %arg11[%get3A_79, %get3A_80] {strides = array<i32>} : memref<128x256xf32, #tpu.memory_space<vmem>>, vector<16xf32>,
          %mul3A_82 = arith.mulf %get3A_78, %get3A_81 : vector<16xf32>
          %add3A_83 = arith.addf %broadcast_in_dim3A_69, %mul3A_82 : vector<16xf32>
          %get3A_84 = arith.index_cast %add3A_67 : i32 to index
          %get3A_85 = arith.constant 16 : index
          %get3A_86 = tpu.vector_load %arg10[%get3A_84, %get3A_85] {strides = array<i32>} : memref<128x256xf32, #tpu.memory_space<vmem>>, vector<16xf32>,
          %get3A_87 = arith.index_cast %add3A_67 : i32 to index
          %get3A_88 = arith.constant 16 : index
          %get3A_89 = tpu.vector_load %arg11[%get3A_87, %get3A_88] {strides = array<i32>} : memref<128x256xf32, #tpu.memory_space<vmem>>, vector<16xf32>,
          %mul3A_90 = arith.mulf %get3A_86, %get3A_89 : vector<16xf32>
          %add3A_91 = arith.addf %broadcast_in_dim3A_71, %mul3A_90 : vector<16xf32>
          %get3A_92 = arith.index_cast %add3A_67 : i32 to index
          %get3A_93 = arith.constant 32 : index
          %get3A_94 = tpu.vector_load %arg10[%get3A_92, %get3A_93] {strides = array<i32>} : memref<128x256xf32, #tpu.memory_space<vmem>>, vector<16xf32>,
          %get3A_95 = arith.index_cast %add3A_67 : i32 to index
          %get3A_96 = arith.constant 32 : index
          %get3A_97 = tpu.vector_load %arg11[%get3A_95, %get3A_96] {strides = array<i32>} : memref<128x256xf32, #tpu.memory_space<vmem>>, vector<16xf32>,
          %mul3A_98 = arith.mulf %get3A_94, %get3A_97 : vector<16xf32>
          %add3A_99 = arith.addf %broadcast_in_dim3A_73, %mul3A_98 : vector<16xf32>
          %get3A_100 = arith.index_cast %add3A_67 : i32 to index
          %get3A_101 = arith.constant 48 : index
          %get3A_102 = tpu.vector_load %arg10[%get3A_100, %get3A_101] {strides = array<i32>} : memref<128x256xf32, #tpu.memory_space<vmem>>, vector<16xf32>,
          %get3A_103 = arith.index_cast %add3A_67 : i32 to index
          %get3A_104 = arith.constant 48 : index
          %get3A_105 = tpu.vector_load %arg11[%get3A_103, %get3A_104] {strides = array<i32>} : memref<128x256xf32, #tpu.memory_space<vmem>>, vector<16xf32>,
          %mul3A_106 = arith.mulf %get3A_102, %get3A_105 : vector<16xf32>
          %add3A_107 = arith.addf %broadcast_in_dim3A_75, %mul3A_106 : vector<16xf32>
          %get3A_108 = arith.index_cast %add3A_67 : i32 to index
          %get3A_109 = arith.constant 64 : index
          %get3A_110 = tpu.vector_load %arg10[%get3A_108, %get3A_109] {strides = array<i32>} : memref<128x256xf32, #tpu.memory_space<vmem>>, vector<16xf32>,
          %get3A_111 = arith.index_cast %add3A_67 : i32 to index
          %get3A_112 = arith.constant 64 : index
          %get3A_113 = tpu.vector_load %arg11[%get3A_111, %get3A_112] {strides = array<i32>} : memref<128x256xf32, #tpu.memory_space<vmem>>, vector<16xf32>,
          %mul3A_114 = arith.mulf %get3A_110, %get3A_113 : vector<16xf32>
          %add3A_115 = arith.addf %add3A_83, %mul3A_114 : vector<16xf32>
          %get3A_116 = arith.index_cast %add3A_67 : i32 to index
          %get3A_117 = arith.constant 80 : index
          %get3A_118 = tpu.vector_load %arg10[%get3A_116, %get3A_117] {strides = array<i32>} : memref<128x256xf32, #tpu.memory_space<vmem>>, vector<16xf32>,
          %get3A_119 = arith.index_cast %add3A_67 : i32 to index
          %get3A_120 = arith.constant 80 : index
          %get3A_121 = tpu.vector_load %arg11[%get3A_119, %get3A_120] {strides = array<i32>} : memref<128x256xf32, #tpu.memory_space<vmem>>, vector<16xf32>,
          %mul3A_122 = arith.mulf %get3A_118, %get3A_121 : vector<16xf32>
          %add3A_123 = arith.addf %add3A_91, %mul3A_122 : vector<16xf32>
          %get3A_124 = arith.index_cast %add3A_67 : i32 to index
          %get3A_125 = arith.constant 96 : index
          %get3A_126 = tpu.vector_load %arg10[%get3A_124, %get3A_125] {strides = array<i32>} : memref<128x256xf32, #tpu.memory_space<vmem>>, vector<16xf32>,
          %get3A_127 = arith.index_cast %add3A_67 : i32 to index
          %get3A_128 = arith.constant 96 : index
          %get3A_129 = tpu.vector_load %arg11[%get3A_127, %get3A_128] {strides = array<i32>} : memref<128x256xf32, #tpu.memory_space<vmem>>, vector<16xf32>,
          %mul3A_130 = arith.mulf %get3A_126, %get3A_129 : vector<16xf32>
          %add3A_131 = arith.addf %add3A_99, %mul3A_130 : vector<16xf32>
          %get3A_132 = arith.index_cast %add3A_67 : i32 to index
          %get3A_133 = arith.constant 112 : index
          %get3A_134 = tpu.vector_load %arg10[%get3A_132, %get3A_133] {strides = array<i32>} : memref<128x256xf32, #tpu.memory_space<vmem>>, vector<16xf32>,
          %get3A_135 = arith.index_cast %add3A_67 : i32 to index
          %get3A_136 = arith.constant 112 : index
          %get3A_137 = tpu.vector_load %arg11[%get3A_135, %get3A_136] {strides = array<i32>} : memref<128x256xf32, #tpu.memory_space<vmem>>, vector<16xf32>,
          %mul3A_138 = arith.mulf %get3A_134, %get3A_137 : vector<16xf32>
          %add3A_139 = arith.addf %add3A_107, %mul3A_138 : vector<16xf32>
          %get3A_140 = arith.index_cast %add3A_67 : i32 to index
          %get3A_141 = arith.constant 128 : index
          %get3A_142 = tpu.vector_load %arg10[%get3A_140, %get3A_141] {strides = array<i32>} : memref<128x256xf32, #tpu.memory_space<vmem>>, vector<16xf32>,
          %get3A_143 = arith.index_cast %add3A_67 : i32 to index
          %get3A_144 = arith.constant 128 : index
          %get3A_145 = tpu.vector_load %arg11[%get3A_143, %get3A_144] {strides = array<i32>} : memref<128x256xf32, #tpu.memory_space<vmem>>, vector<16xf32>,
          %mul3A_146 = arith.mulf %get3A_142, %get3A_145 : vector<16xf32>
          %add3A_147 = arith.addf %add3A_115, %mul3A_146 : vector<16xf32>
          %get3A_148 = arith.index_cast %add3A_67 : i32 to index
          %get3A_149 = arith.constant 144 : index
          %get3A_150 = tpu.vector_load %arg10[%get3A_148, %get3A_149] {strides = array<i32>} : memref<128x256xf32, #tpu.memory_space<vmem>>, vector<16xf32>,
          %get3A_151 = arith.index_cast %add3A_67 : i32 to index
          %get3A_152 = arith.constant 144 : index
          %get3A_153 = tpu.vector_load %arg11[%get3A_151, %get3A_152] {strides = array<i32>} : memref<128x256xf32, #tpu.memory_space<vmem>>, vector<16xf32>,
          %mul3A_154 = arith.mulf %get3A_150, %get3A_153 : vector<16xf32>
          %add3A_155 = arith.addf %add3A_123, %mul3A_154 : vector<16xf32>
          %get3A_156 = arith.index_cast %add3A_67 : i32 to index
          %get3A_157 = arith.constant 160 : index
          %get3A_158 = tpu.vector_load %arg10[%get3A_156, %get3A_157] {strides = array<i32>} : memref<128x256xf32, #tpu.memory_space<vmem>>, vector<16xf32>,
          %get3A_159 = arith.index_cast %add3A_67 : i32 to index
          %get3A_160 = arith.constant 160 : index
          %get3A_161 = tpu.vector_load %arg11[%get3A_159, %get3A_160] {strides = array<i32>} : memref<128x256xf32, #tpu.memory_space<vmem>>, vector<16xf32>,
          %mul3A_162 = arith.mulf %get3A_158, %get3A_161 : vector<16xf32>
          %add3A_163 = arith.addf %add3A_131, %mul3A_162 : vector<16xf32>
          %get3A_164 = arith.index_cast %add3A_67 : i32 to index
          %get3A_165 = arith.constant 176 : index
          %get3A_166 = tpu.vector_load %arg10[%get3A_164, %get3A_165] {strides = array<i32>} : memref<128x256xf32, #tpu.memory_space<vmem>>, vector<16xf32>,
          %get3A_167 = arith.index_cast %add3A_67 : i32 to index
          %get3A_168 = arith.constant 176 : index
          %get3A_169 = tpu.vector_load %arg11[%get3A_167, %get3A_168] {strides = array<i32>} : memref<128x256xf32, #tpu.memory_space<vmem>>, vector<16xf32>,
          %mul3A_170 = arith.mulf %get3A_166, %get3A_169 : vector<16xf32>
          %add3A_171 = arith.addf %add3A_139, %mul3A_170 : vector<16xf32>
          %get3A_172 = arith.index_cast %add3A_67 : i32 to index
          %get3A_173 = arith.constant 192 : index
          %get3A_174 = tpu.vector_load %arg10[%get3A_172, %get3A_173] {strides = array<i32>} : memref<128x256xf32, #tpu.memory_space<vmem>>, vector<16xf32>,
          %get3A_175 = arith.index_cast %add3A_67 : i32 to index
          %get3A_176 = arith.constant 192 : index
          %get3A_177 = tpu.vector_load %arg11[%get3A_175, %get3A_176] {strides = array<i32>} : memref<128x256xf32, #tpu.memory_space<vmem>>, vector<16xf32>,
          %mul3A_178 = arith.mulf %get3A_174, %get3A_177 : vector<16xf32>
          %add3A_179 = arith.addf %add3A_147, %mul3A_178 : vector<16xf32>
          %get3A_180 = arith.index_cast %add3A_67 : i32 to index
          %get3A_181 = arith.constant 208 : index
          %get3A_182 = tpu.vector_load %arg10[%get3A_180, %get3A_181] {strides = array<i32>} : memref<128x256xf32, #tpu.memory_space<vmem>>, vector<16xf32>,
          %get3A_183 = arith.index_cast %add3A_67 : i32 to index
          %get3A_184 = arith.constant 208 : index
          %get3A_185 = tpu.vector_load %arg11[%get3A_183, %get3A_184] {strides = array<i32>} : memref<128x256xf32, #tpu.memory_space<vmem>>, vector<16xf32>,
          %mul3A_186 = arith.mulf %get3A_182, %get3A_185 : vector<16xf32>
          %add3A_187 = arith.addf %add3A_155, %mul3A_186 : vector<16xf32>
          %get3A_188 = arith.index_cast %add3A_67 : i32 to index
          %get3A_189 = arith.constant 224 : index
          %get3A_190 = tpu.vector_load %arg10[%get3A_188, %get3A_189] {strides = array<i32>} : memref<128x256xf32, #tpu.memory_space<vmem>>, vector<16xf32>,
          %get3A_191 = arith.index_cast %add3A_67 : i32 to index
          %get3A_192 = arith.constant 224 : index
          %get3A_193 = tpu.vector_load %arg11[%get3A_191, %get3A_192] {strides = array<i32>} : memref<128x256xf32, #tpu.memory_space<vmem>>, vector<16xf32>,
          %mul3A_194 = arith.mulf %get3A_190, %get3A_193 : vector<16xf32>
          %add3A_195 = arith.addf %add3A_163, %mul3A_194 : vector<16xf32>
          %get3A_196 = arith.index_cast %add3A_67 : i32 to index
          %get3A_197 = arith.constant 240 : index
          %get3A_198 = tpu.vector_load %arg10[%get3A_196, %get3A_197] {strides = array<i32>} : memref<128x256xf32, #tpu.memory_space<vmem>>, vector<16xf32>,
          %get3A_199 = arith.index_cast %add3A_67 : i32 to index
          %get3A_200 = arith.constant 240 : index
          %get3A_201 = tpu.vector_load %arg11[%get3A_199, %get3A_200] {strides = array<i32>} : memref<128x256xf32, #tpu.memory_space<vmem>>, vector<16xf32>,
          %mul3A_202 = arith.mulf %get3A_198, %get3A_201 : vector<16xf32>
          %add3A_203 = arith.addf %add3A_171, %mul3A_202 : vector<16xf32>
          %add3A_204 = arith.addf %add3A_179, %add3A_187 : vector<16xf32>
          %add3A_205 = arith.addf %add3A_195, %add3A_203 : vector<16xf32>
          %add3A_206 = arith.addf %add3A_204, %add3A_205 : vector<16xf32>
          %xor3A = arith.constant 8 : i32
          %xor3A_207 = vector.broadcast %xor3A : i32 to vector<16xi32>
          %xor3A_208 = arith.xori %iota3A, %xor3A_207 : vector<16xi32>
          %broadcast_in_dim3A_209 = vector.shape_cast %xor3A_208 : vector<16xi32> to vector<16x1xi32>
          %gather3A = vector.shape_cast %broadcast_in_dim3A_209 : vector<16x1xi32> to vector<16xi32>
          %gather3A_210 = tpu.dynamic_gather %add3A_206[%gather3A] in [0] : vector<16xf32>, vector<16xi32> -> vector<16xf32>
          %add3A_211 = arith.addf %add3A_206, %gather3A_210 : vector<16xf32>
          %xor3A_212 = arith.constant 4 : i32
          %xor3A_213 = vector.broadcast %xor3A_212 : i32 to vector<16xi32>
          %xor3A_214 = arith.xori %iota3A, %xor3A_213 : vector<16xi32>
          %broadcast_in_dim3A_215 = vector.shape_cast %xor3A_214 : vector<16xi32> to vector<16x1xi32>
          %gather3A_216 = vector.shape_cast %broadcast_in_dim3A_215 : vector<16x1xi32> to vector<16xi32>
          %gather3A_217 = tpu.dynamic_gather %add3A_211[%gather3A_216] in [0] : vector<16xf32>, vector<16xi32> -> vector<16xf32>
          %add3A_218 = arith.addf %add3A_211, %gather3A_217 : vector<16xf32>
          %xor3A_219 = arith.constant 2 : i32
          %xor3A_220 = vector.broadcast %xor3A_219 : i32 to vector<16xi32>
          %xor3A_221 = arith.xori %iota3A, %xor3A_220 : vector<16xi32>
          %broadcast_in_dim3A_222 = vector.shape_cast %xor3A_221 : vector<16xi32> to vector<16x1xi32>
          %gather3A_223 = vector.shape_cast %broadcast_in_dim3A_222 : vector<16x1xi32> to vector<16xi32>
          %gather3A_224 = tpu.dynamic_gather %add3A_218[%gather3A_223] in [0] : vector<16xf32>, vector<16xi32> -> vector<16xf32>
          %add3A_225 = arith.addf %add3A_218, %gather3A_224 : vector<16xf32>
          %xor3A_226 = arith.constant 1 : i32
          %xor3A_227 = vector.broadcast %xor3A_226 : i32 to vector<16xi32>
          %xor3A_228 = arith.xori %iota3A, %xor3A_227 : vector<16xi32>
          %broadcast_in_dim3A_229 = vector.shape_cast %xor3A_228 : vector<16xi32> to vector<16x1xi32>
          %gather3A_230 = vector.shape_cast %broadcast_in_dim3A_229 : vector<16x1xi32> to vector<16xi32>
          %gather3A_231 = tpu.dynamic_gather %add3A_225[%gather3A_230] in [0] : vector<16xf32>, vector<16xi32> -> vector<16xf32>
          %add3A_232 = arith.addf %add3A_225, %gather3A_231 : vector<16xf32>
          %eq3A = vector.broadcast %scan3A_63 : i32 to vector<16xi32>
          %eq3A_233 = arith.cmpi eq, %iota3A, %eq3A : vector<16xi32>
          %select_n3A = arith.select %eq3A_233, %add3A_232, %scan3A_64 : vector<16xi1>, vector<16xf32>
          scf.yield %select_n3A : vector<16xf32>
        }
        %scan3A_49 = arith.constant 16 : i32
        %mul3A_50 = arith.constant 16 : i32
        %mul3A_51 = arith.muli %scan3A_41, %mul3A_50 : i32
        %get3A = arith.index_cast %mul3A_51 : i32 to index
        %get3A_52 = tpu.vector_load %arg9[%get3A] {strides = array<i32>} : memref<128xf32, #tpu.memory_space<vmem>>, vector<16xf32>,
        %mul3A_53 = arith.constant 16 : i32
        %mul3A_54 = arith.muli %scan3A_41, %mul3A_53 : i32
        %get3A_55 = arith.index_cast %mul3A_54 : i32 to index
        %get3A_56 = tpu.vector_load %arg7[%get3A_55] {strides = array<i32>} : memref<128xi32, #tpu.memory_space<vmem>>, vector<16xi32>,
        %mul3A_57 = arith.constant 1.000000e+01 : f32
        %mul3A_58 = vector.broadcast %mul3A_57 : f32 to vector<16xf32>
        %mul3A_59 = arith.mulf %mul3A_58, %scan3A_48 : vector<16xf32>
        %exp3A = math.exp %mul3A_59 : vector<16xf32>
        %mul3A_60 = arith.mulf %exp3A, %get3A_52 : vector<16xf32>
        %mul3A_61 = arith.mulf %mul3A_60, %scan3A_48 : vector<16xf32>
        tpu.vector_store_idx %arg12[%get3A_56], %mul3A_61 {add = true} : memref<10240xf32, #tpu.memory_space<vmem>>[vector<16xi32>], vector<16xf32>,
        tpu.vector_store_idx %arg13[%get3A_56], %mul3A_60 {add = true} : memref<10240xf32, #tpu.memory_space<vmem>>[vector<16xi32>], vector<16xf32>,
        tpu.vector_store_idx %arg14[%get3A_56], %get3A_52 {add = true} : memref<10240xf32, #tpu.memory_space<vmem>>[vector<16xi32>], vector<16xf32>,
        %scan3A_62 = arith.constant 0 : i32
        scf.yield %scan3A_62 : i32
      }
      %scan3A_39 = arith.constant 8 : i32
      %scan3A_40 = arith.constant 0 : i32
      scf.yield %scan3A_40 : i32
    }
    %scan3A_15 = arith.constant 40 : i32
    %run_scoped3A = arith.constant 0 : i32
    "tpu.region"() ({
      %run_scoped3A_18 = tpu.sem_alloc : memref<!tpu.dma_semaphore, #tpu.memory_space<semaphore_mem>>
      %dma_start3A = arith.constant 0 : i32
      %dma_start3A_19 = tpu.memref_slice %arg6[%run_scoped3A, %add3A, %dma_start3A] : memref<3x32x10240xf32, #tpu.memory_space<hbm>> -> memref<1x1x10240xf32, #tpu.memory_space<hbm>>
      %dma_start3A_20 = tpu.memref_squeeze %dma_start3A_19 : memref<1x1x10240xf32, #tpu.memory_space<hbm>> -> memref<10240xf32, #tpu.memory_space<hbm>>
      %dma_start3A_21 = arith.constant 0 : i32
      %dma_start3A_22 = tpu.memref_slice %arg6[%run_scoped3A, %add3A, %dma_start3A_21] : memref<3x32x10240xf32, #tpu.memory_space<hbm>> -> memref<1x1x10240xf32, #tpu.memory_space<hbm>>
      %dma_start3A_23 = tpu.memref_squeeze %dma_start3A_22 : memref<1x1x10240xf32, #tpu.memory_space<hbm>> -> memref<10240xf32, #tpu.memory_space<hbm>>
      tpu.enqueue_dma source(%arg12 : memref<10240xf32, #tpu.memory_space<vmem>>) target(%dma_start3A_23 : memref<10240xf32, #tpu.memory_space<hbm>>) target_semaphore(%run_scoped3A_18 : memref<!tpu.dma_semaphore, #tpu.memory_space<semaphore_mem>>)
      %dma_wait3A = arith.constant 0 : i32
      %dma_wait3A_24 = tpu.memref_slice %arg6[%run_scoped3A, %add3A, %dma_wait3A] : memref<3x32x10240xf32, #tpu.memory_space<hbm>> -> memref<1x1x10240xf32, #tpu.memory_space<hbm>>
      %dma_wait3A_25 = tpu.memref_squeeze %dma_wait3A_24 : memref<1x1x10240xf32, #tpu.memory_space<hbm>> -> memref<10240xf32, #tpu.memory_space<hbm>>
      %dma_wait3A_26 = arith.constant 0 : i32
      %dma_wait3A_27 = tpu.memref_slice %arg6[%run_scoped3A, %add3A, %dma_wait3A_26] : memref<3x32x10240xf32, #tpu.memory_space<hbm>> -> memref<1x1x10240xf32, #tpu.memory_space<hbm>>
      %dma_wait3A_28 = tpu.memref_squeeze %dma_wait3A_27 : memref<1x1x10240xf32, #tpu.memory_space<hbm>> -> memref<10240xf32, #tpu.memory_space<hbm>>
      tpu.wait_dma2 semaphore(%run_scoped3A_18 : memref<!tpu.dma_semaphore, #tpu.memory_space<semaphore_mem>>) src(%arg12 : memref<10240xf32, #tpu.memory_space<vmem>>) dst(%dma_wait3A_28 : memref<10240xf32, #tpu.memory_space<hbm>>)
      tpu.yield
    }) : () -> ()
    %run_scoped3A_16 = arith.constant 1 : i32
    "tpu.region"() ({
      %run_scoped3A_18 = tpu.sem_alloc : memref<!tpu.dma_semaphore, #tpu.memory_space<semaphore_mem>>
      %dma_start3A = arith.constant 0 : i32
      %dma_start3A_19 = tpu.memref_slice %arg6[%run_scoped3A_16, %add3A, %dma_start3A] : memref<3x32x10240xf32, #tpu.memory_space<hbm>> -> memref<1x1x10240xf32, #tpu.memory_space<hbm>>
      %dma_start3A_20 = tpu.memref_squeeze %dma_start3A_19 : memref<1x1x10240xf32, #tpu.memory_space<hbm>> -> memref<10240xf32, #tpu.memory_space<hbm>>
      %dma_start3A_21 = arith.constant 0 : i32
      %dma_start3A_22 = tpu.memref_slice %arg6[%run_scoped3A_16, %add3A, %dma_start3A_21] : memref<3x32x10240xf32, #tpu.memory_space<hbm>> -> memref<1x1x10240xf32, #tpu.memory_space<hbm>>
      %dma_start3A_23 = tpu.memref_squeeze %dma_start3A_22 : memref<1x1x10240xf32, #tpu.memory_space<hbm>> -> memref<10240xf32, #tpu.memory_space<hbm>>
      tpu.enqueue_dma source(%arg13 : memref<10240xf32, #tpu.memory_space<vmem>>) target(%dma_start3A_23 : memref<10240xf32, #tpu.memory_space<hbm>>) target_semaphore(%run_scoped3A_18 : memref<!tpu.dma_semaphore, #tpu.memory_space<semaphore_mem>>)
      %dma_wait3A = arith.constant 0 : i32
      %dma_wait3A_24 = tpu.memref_slice %arg6[%run_scoped3A_16, %add3A, %dma_wait3A] : memref<3x32x10240xf32, #tpu.memory_space<hbm>> -> memref<1x1x10240xf32, #tpu.memory_space<hbm>>
      %dma_wait3A_25 = tpu.memref_squeeze %dma_wait3A_24 : memref<1x1x10240xf32, #tpu.memory_space<hbm>> -> memref<10240xf32, #tpu.memory_space<hbm>>
      %dma_wait3A_26 = arith.constant 0 : i32
      %dma_wait3A_27 = tpu.memref_slice %arg6[%run_scoped3A_16, %add3A, %dma_wait3A_26] : memref<3x32x10240xf32, #tpu.memory_space<hbm>> -> memref<1x1x10240xf32, #tpu.memory_space<hbm>>
      %dma_wait3A_28 = tpu.memref_squeeze %dma_wait3A_27 : memref<1x1x10240xf32, #tpu.memory_space<hbm>> -> memref<10240xf32, #tpu.memory_space<hbm>>
      tpu.wait_dma2 semaphore(%run_scoped3A_18 : memref<!tpu.dma_semaphore, #tpu.memory_space<semaphore_mem>>) src(%arg13 : memref<10240xf32, #tpu.memory_space<vmem>>) dst(%dma_wait3A_28 : memref<10240xf32, #tpu.memory_space<hbm>>)
      tpu.yield
    }) : () -> ()
    %run_scoped3A_17 = arith.constant 2 : i32
    "tpu.region"() ({
      %run_scoped3A_18 = tpu.sem_alloc : memref<!tpu.dma_semaphore, #tpu.memory_space<semaphore_mem>>
      %dma_start3A = arith.constant 0 : i32
      %dma_start3A_19 = tpu.memref_slice %arg6[%run_scoped3A_17, %add3A, %dma_start3A] : memref<3x32x10240xf32, #tpu.memory_space<hbm>> -> memref<1x1x10240xf32, #tpu.memory_space<hbm>>
      %dma_start3A_20 = tpu.memref_squeeze %dma_start3A_19 : memref<1x1x10240xf32, #tpu.memory_space<hbm>> -> memref<10240xf32, #tpu.memory_space<hbm>>
      %dma_start3A_21 = arith.constant 0 : i32
      %dma_start3A_22 = tpu.memref_slice %arg6[%run_scoped3A_17, %add3A, %dma_start3A_21] : memref<3x32x10240xf32, #tpu.memory_space<hbm>> -> memref<1x1x10240xf32, #tpu.memory_space<hbm>>
      %dma_start3A_23 = tpu.memref_squeeze %dma_start3A_22 : memref<1x1x10240xf32, #tpu.memory_space<hbm>> -> memref<10240xf32, #tpu.memory_space<hbm>>
      tpu.enqueue_dma source(%arg14 : memref<10240xf32, #tpu.memory_space<vmem>>) target(%dma_start3A_23 : memref<10240xf32, #tpu.memory_space<hbm>>) target_semaphore(%run_scoped3A_18 : memref<!tpu.dma_semaphore, #tpu.memory_space<semaphore_mem>>)
      %dma_wait3A = arith.constant 0 : i32
      %dma_wait3A_24 = tpu.memref_slice %arg6[%run_scoped3A_17, %add3A, %dma_wait3A] : memref<3x32x10240xf32, #tpu.memory_space<hbm>> -> memref<1x1x10240xf32, #tpu.memory_space<hbm>>
      %dma_wait3A_25 = tpu.memref_squeeze %dma_wait3A_24 : memref<1x1x10240xf32, #tpu.memory_space<hbm>> -> memref<10240xf32, #tpu.memory_space<hbm>>
      %dma_wait3A_26 = arith.constant 0 : i32
      %dma_wait3A_27 = tpu.memref_slice %arg6[%run_scoped3A_17, %add3A, %dma_wait3A_26] : memref<3x32x10240xf32, #tpu.memory_space<hbm>> -> memref<1x1x10240xf32, #tpu.memory_space<hbm>>
      %dma_wait3A_28 = tpu.memref_squeeze %dma_wait3A_27 : memref<1x1x10240xf32, #tpu.memory_space<hbm>> -> memref<10240xf32, #tpu.memory_space<hbm>>
      tpu.wait_dma2 semaphore(%run_scoped3A_18 : memref<!tpu.dma_semaphore, #tpu.memory_space<semaphore_mem>>) src(%arg14 : memref<10240xf32, #tpu.memory_space<vmem>>) dst(%dma_wait3A_28 : memref<10240xf32, #tpu.memory_space<hbm>>)
      tpu.yield
    }) : () -> ()
    return
  }
}

#map = affine_map<(d0, d1) -> (0)>
module attributes {stable_mosaic.version = 14 : i64} {
  func.func @_expand_body(%arg0: i32, %arg1: i32, %arg2: memref<40000xi32, #tpu.memory_space<hbm>>, %arg3: memref<40000xi32, #tpu.memory_space<hbm>>, %arg4: memref<163840xi32, #tpu.memory_space<hbm>>, %arg5: memref<163840xi32, #tpu.memory_space<hbm>>, %arg6: memref<163840xi32, #tpu.memory_space<hbm>>, %arg7: memref<163840xi32, #tpu.memory_space<hbm>>, %arg8: memref<40000xi32, #tpu.memory_space<vmem>>, %arg9: memref<40000xi32, #tpu.memory_space<vmem>>, %arg10: memref<512xi32, #tpu.memory_space<vmem>>, %arg11: memref<512xi32, #tpu.memory_space<vmem>>, %arg12: memref<512xi32, #tpu.memory_space<vmem>>, %arg13: memref<512xi32, #tpu.memory_space<vmem>>) attributes {dimension_semantics = [#tpu.dimension_semantics<core_parallel>, #tpu.dimension_semantics<subcore_parallel>], iteration_bounds = array<i64: 2, 16>, scalar_prefetch = 0 : i64, scratch_operands = 6 : i64, tpu.core_type = #tpu.core_type<sc_vector_subcore>, window_params = [{transform_indices = #map}, {transform_indices = #map}, {transform_indices = #map}, {transform_indices = #map}, {transform_indices = #map}, {transform_indices = #map}]} {
    %mul3A = arith.constant 2 : i32
    %mul3A_0 = arith.muli %arg1, %mul3A : i32
    %add3A = arith.addi %mul3A_0, %arg0 : i32
    "tpu.region"() ({
      %run_scoped3A = tpu.sem_alloc : memref<!tpu.dma_semaphore, #tpu.memory_space<semaphore_mem>>
      tpu.enqueue_dma source(%arg2 : memref<40000xi32, #tpu.memory_space<hbm>>) target(%arg8 : memref<40000xi32, #tpu.memory_space<vmem>>) target_semaphore(%run_scoped3A : memref<!tpu.dma_semaphore, #tpu.memory_space<semaphore_mem>>)
      tpu.wait_dma2 semaphore(%run_scoped3A : memref<!tpu.dma_semaphore, #tpu.memory_space<semaphore_mem>>) src(%arg2 : memref<40000xi32, #tpu.memory_space<hbm>>) dst(%arg8 : memref<40000xi32, #tpu.memory_space<vmem>>)
      tpu.yield
    }) : () -> ()
    "tpu.region"() ({
      %run_scoped3A = tpu.sem_alloc : memref<!tpu.dma_semaphore, #tpu.memory_space<semaphore_mem>>
      tpu.enqueue_dma source(%arg3 : memref<40000xi32, #tpu.memory_space<hbm>>) target(%arg9 : memref<40000xi32, #tpu.memory_space<vmem>>) target_semaphore(%run_scoped3A : memref<!tpu.dma_semaphore, #tpu.memory_space<semaphore_mem>>)
      tpu.wait_dma2 semaphore(%run_scoped3A : memref<!tpu.dma_semaphore, #tpu.memory_space<semaphore_mem>>) src(%arg3 : memref<40000xi32, #tpu.memory_space<hbm>>) dst(%arg9 : memref<40000xi32, #tpu.memory_space<vmem>>)
      tpu.yield
    }) : () -> ()
    %mul3A_1 = arith.constant 5120 : i32
    %mul3A_2 = arith.muli %add3A, %mul3A_1 : i32
    %scan3A = arith.constant 0 : i32
    %scan3A_3 = arith.constant 0 : i32
    %scan3A_4 = arith.constant 10 : i32
    %scan3A_5 = arith.addi %scan3A_3, %scan3A_4 : i32
    %scan3A_6 = arith.constant 1 : i32
    %scan3A_7 = scf.for %scan3A_9 = %scan3A_3 to %scan3A_5 step %scan3A_6 iter_args(%scan3A_10 = %scan3A) -> (i32)  : i32 {
      %mul3A_11 = arith.constant 512 : i32
      %mul3A_12 = arith.muli %scan3A_9, %mul3A_11 : i32
      %add3A_13 = arith.addi %mul3A_2, %mul3A_12 : i32
      "tpu.region"() ({
        %run_scoped3A = tpu.sem_alloc : memref<!tpu.dma_semaphore, #tpu.memory_space<semaphore_mem>>
        %dma_start3A = tpu.memref_slice %arg4[%add3A_13] : memref<163840xi32, #tpu.memory_space<hbm>> -> memref<512xi32, #tpu.memory_space<hbm>>
        %dma_start3A_22 = tpu.memref_slice %arg4[%add3A_13] : memref<163840xi32, #tpu.memory_space<hbm>> -> memref<512xi32, #tpu.memory_space<hbm>>
        tpu.enqueue_dma source(%dma_start3A_22 : memref<512xi32, #tpu.memory_space<hbm>>) target(%arg10 : memref<512xi32, #tpu.memory_space<vmem>>) target_semaphore(%run_scoped3A : memref<!tpu.dma_semaphore, #tpu.memory_space<semaphore_mem>>)
        %dma_wait3A = tpu.memref_slice %arg4[%add3A_13] : memref<163840xi32, #tpu.memory_space<hbm>> -> memref<512xi32, #tpu.memory_space<hbm>>
        %dma_wait3A_23 = tpu.memref_slice %arg4[%add3A_13] : memref<163840xi32, #tpu.memory_space<hbm>> -> memref<512xi32, #tpu.memory_space<hbm>>
        tpu.wait_dma2 semaphore(%run_scoped3A : memref<!tpu.dma_semaphore, #tpu.memory_space<semaphore_mem>>) src(%dma_wait3A_23 : memref<512xi32, #tpu.memory_space<hbm>>) dst(%arg10 : memref<512xi32, #tpu.memory_space<vmem>>)
        tpu.yield
      }) : () -> ()
      "tpu.region"() ({
        %run_scoped3A = tpu.sem_alloc : memref<!tpu.dma_semaphore, #tpu.memory_space<semaphore_mem>>
        %dma_start3A = tpu.memref_slice %arg5[%add3A_13] : memref<163840xi32, #tpu.memory_space<hbm>> -> memref<512xi32, #tpu.memory_space<hbm>>
        %dma_start3A_22 = tpu.memref_slice %arg5[%add3A_13] : memref<163840xi32, #tpu.memory_space<hbm>> -> memref<512xi32, #tpu.memory_space<hbm>>
        tpu.enqueue_dma source(%dma_start3A_22 : memref<512xi32, #tpu.memory_space<hbm>>) target(%arg11 : memref<512xi32, #tpu.memory_space<vmem>>) target_semaphore(%run_scoped3A : memref<!tpu.dma_semaphore, #tpu.memory_space<semaphore_mem>>)
        %dma_wait3A = tpu.memref_slice %arg5[%add3A_13] : memref<163840xi32, #tpu.memory_space<hbm>> -> memref<512xi32, #tpu.memory_space<hbm>>
        %dma_wait3A_23 = tpu.memref_slice %arg5[%add3A_13] : memref<163840xi32, #tpu.memory_space<hbm>> -> memref<512xi32, #tpu.memory_space<hbm>>
        tpu.wait_dma2 semaphore(%run_scoped3A : memref<!tpu.dma_semaphore, #tpu.memory_space<semaphore_mem>>) src(%dma_wait3A_23 : memref<512xi32, #tpu.memory_space<hbm>>) dst(%arg11 : memref<512xi32, #tpu.memory_space<vmem>>)
        tpu.yield
      }) : () -> ()
      "tpu.region"() ({
        %run_scoped3A = tpu.sem_alloc : memref<!tpu.dma_semaphore, #tpu.memory_space<semaphore_mem>>
        %dma_start3A = tpu.memref_slice %arg6[%add3A_13] : memref<163840xi32, #tpu.memory_space<hbm>> -> memref<512xi32, #tpu.memory_space<hbm>>
        %dma_start3A_22 = tpu.memref_slice %arg6[%add3A_13] : memref<163840xi32, #tpu.memory_space<hbm>> -> memref<512xi32, #tpu.memory_space<hbm>>
        tpu.enqueue_dma source(%dma_start3A_22 : memref<512xi32, #tpu.memory_space<hbm>>) target(%arg12 : memref<512xi32, #tpu.memory_space<vmem>>) target_semaphore(%run_scoped3A : memref<!tpu.dma_semaphore, #tpu.memory_space<semaphore_mem>>)
        %dma_wait3A = tpu.memref_slice %arg6[%add3A_13] : memref<163840xi32, #tpu.memory_space<hbm>> -> memref<512xi32, #tpu.memory_space<hbm>>
        %dma_wait3A_23 = tpu.memref_slice %arg6[%add3A_13] : memref<163840xi32, #tpu.memory_space<hbm>> -> memref<512xi32, #tpu.memory_space<hbm>>
        tpu.wait_dma2 semaphore(%run_scoped3A : memref<!tpu.dma_semaphore, #tpu.memory_space<semaphore_mem>>) src(%dma_wait3A_23 : memref<512xi32, #tpu.memory_space<hbm>>) dst(%arg12 : memref<512xi32, #tpu.memory_space<vmem>>)
        tpu.yield
      }) : () -> ()
      %scan3A_14 = arith.constant 0 : i32
      %scan3A_15 = arith.constant 0 : i32
      %scan3A_16 = arith.constant 32 : i32
      %scan3A_17 = arith.addi %scan3A_15, %scan3A_16 : i32
      %scan3A_18 = arith.constant 1 : i32
      %scan3A_19 = scf.for %scan3A_22 = %scan3A_15 to %scan3A_17 step %scan3A_18 iter_args(%scan3A_23 = %scan3A_14) -> (i32)  : i32 {
        %mul3A_24 = arith.constant 16 : i32
        %mul3A_25 = arith.muli %scan3A_22, %mul3A_24 : i32
        %get3A = arith.index_cast %mul3A_25 : i32 to index
        %get3A_26 = tpu.vector_load %arg10[%get3A] {strides = array<i32>} : memref<512xi32, #tpu.memory_space<vmem>>, vector<16xi32>,
        %broadcast_in_dim3A = arith.constant 0 : i32
        %broadcast_in_dim3A_27 = vector.broadcast %broadcast_in_dim3A : i32 to vector<16xi32>
        %add3A_28 = arith.constant 32768 : i32
        %add3A_29 = vector.broadcast %add3A_28 : i32 to vector<16xi32>
        %add3A_30 = arith.addi %broadcast_in_dim3A_27, %add3A_29 : vector<16xi32>
        %min3A = arith.constant 40000 : i32
        %min3A_31 = vector.broadcast %min3A : i32 to vector<16xi32>
        %min3A_32 = arith.minsi %add3A_30, %min3A_31 : vector<16xi32>
        %sub3A = arith.constant 1 : i32
        %sub3A_33 = vector.broadcast %sub3A : i32 to vector<16xi32>
        %sub3A_34 = arith.subi %min3A_32, %sub3A_33 : vector<16xi32>
        %gather3A = tpu.vector_load_idx %arg8[%sub3A_34] : memref<40000xi32, #tpu.memory_space<vmem>>[vector<16xi32>], vector<16xi32>,
        %le3A = arith.constant 40000 : i32
        %le3A_35 = vector.broadcast %le3A : i32 to vector<16xi32>
        %le3A_36 = arith.cmpi sle, %add3A_30, %le3A_35 : vector<16xi32>
        %le3A_37 = arith.cmpi sle, %gather3A, %get3A_26 : vector<16xi32>
        %and3A = arith.andi %le3A_36, %le3A_37 : vector<16xi1>
        %select_n3A = arith.select %and3A, %add3A_30, %broadcast_in_dim3A_27 : vector<16xi1>, vector<16xi32>
        %add3A_38 = arith.constant 16384 : i32
        %add3A_39 = vector.broadcast %add3A_38 : i32 to vector<16xi32>
        %add3A_40 = arith.addi %select_n3A, %add3A_39 : vector<16xi32>
        %min3A_41 = arith.constant 40000 : i32
        %min3A_42 = vector.broadcast %min3A_41 : i32 to vector<16xi32>
        %min3A_43 = arith.minsi %add3A_40, %min3A_42 : vector<16xi32>
        %sub3A_44 = arith.constant 1 : i32
        %sub3A_45 = vector.broadcast %sub3A_44 : i32 to vector<16xi32>
        %sub3A_46 = arith.subi %min3A_43, %sub3A_45 : vector<16xi32>
        %gather3A_47 = tpu.vector_load_idx %arg8[%sub3A_46] : memref<40000xi32, #tpu.memory_space<vmem>>[vector<16xi32>], vector<16xi32>,
        %le3A_48 = arith.constant 40000 : i32
        %le3A_49 = vector.broadcast %le3A_48 : i32 to vector<16xi32>
        %le3A_50 = arith.cmpi sle, %add3A_40, %le3A_49 : vector<16xi32>
        %le3A_51 = arith.cmpi sle, %gather3A_47, %get3A_26 : vector<16xi32>
        %and3A_52 = arith.andi %le3A_50, %le3A_51 : vector<16xi1>
        %select_n3A_53 = arith.select %and3A_52, %add3A_40, %select_n3A : vector<16xi1>, vector<16xi32>
        %add3A_54 = arith.constant 8192 : i32
        %add3A_55 = vector.broadcast %add3A_54 : i32 to vector<16xi32>
        %add3A_56 = arith.addi %select_n3A_53, %add3A_55 : vector<16xi32>
        %min3A_57 = arith.constant 40000 : i32
        %min3A_58 = vector.broadcast %min3A_57 : i32 to vector<16xi32>
        %min3A_59 = arith.minsi %add3A_56, %min3A_58 : vector<16xi32>
        %sub3A_60 = arith.constant 1 : i32
        %sub3A_61 = vector.broadcast %sub3A_60 : i32 to vector<16xi32>
        %sub3A_62 = arith.subi %min3A_59, %sub3A_61 : vector<16xi32>
        %gather3A_63 = tpu.vector_load_idx %arg8[%sub3A_62] : memref<40000xi32, #tpu.memory_space<vmem>>[vector<16xi32>], vector<16xi32>,
        %le3A_64 = arith.constant 40000 : i32
        %le3A_65 = vector.broadcast %le3A_64 : i32 to vector<16xi32>
        %le3A_66 = arith.cmpi sle, %add3A_56, %le3A_65 : vector<16xi32>
        %le3A_67 = arith.cmpi sle, %gather3A_63, %get3A_26 : vector<16xi32>
        %and3A_68 = arith.andi %le3A_66, %le3A_67 : vector<16xi1>
        %select_n3A_69 = arith.select %and3A_68, %add3A_56, %select_n3A_53 : vector<16xi1>, vector<16xi32>
        %add3A_70 = arith.constant 4096 : i32
        %add3A_71 = vector.broadcast %add3A_70 : i32 to vector<16xi32>
        %add3A_72 = arith.addi %select_n3A_69, %add3A_71 : vector<16xi32>
        %min3A_73 = arith.constant 40000 : i32
        %min3A_74 = vector.broadcast %min3A_73 : i32 to vector<16xi32>
        %min3A_75 = arith.minsi %add3A_72, %min3A_74 : vector<16xi32>
        %sub3A_76 = arith.constant 1 : i32
        %sub3A_77 = vector.broadcast %sub3A_76 : i32 to vector<16xi32>
        %sub3A_78 = arith.subi %min3A_75, %sub3A_77 : vector<16xi32>
        %gather3A_79 = tpu.vector_load_idx %arg8[%sub3A_78] : memref<40000xi32, #tpu.memory_space<vmem>>[vector<16xi32>], vector<16xi32>,
        %le3A_80 = arith.constant 40000 : i32
        %le3A_81 = vector.broadcast %le3A_80 : i32 to vector<16xi32>
        %le3A_82 = arith.cmpi sle, %add3A_72, %le3A_81 : vector<16xi32>
        %le3A_83 = arith.cmpi sle, %gather3A_79, %get3A_26 : vector<16xi32>
        %and3A_84 = arith.andi %le3A_82, %le3A_83 : vector<16xi1>
        %select_n3A_85 = arith.select %and3A_84, %add3A_72, %select_n3A_69 : vector<16xi1>, vector<16xi32>
        %add3A_86 = arith.constant 2048 : i32
        %add3A_87 = vector.broadcast %add3A_86 : i32 to vector<16xi32>
        %add3A_88 = arith.addi %select_n3A_85, %add3A_87 : vector<16xi32>
        %min3A_89 = arith.constant 40000 : i32
        %min3A_90 = vector.broadcast %min3A_89 : i32 to vector<16xi32>
        %min3A_91 = arith.minsi %add3A_88, %min3A_90 : vector<16xi32>
        %sub3A_92 = arith.constant 1 : i32
        %sub3A_93 = vector.broadcast %sub3A_92 : i32 to vector<16xi32>
        %sub3A_94 = arith.subi %min3A_91, %sub3A_93 : vector<16xi32>
        %gather3A_95 = tpu.vector_load_idx %arg8[%sub3A_94] : memref<40000xi32, #tpu.memory_space<vmem>>[vector<16xi32>], vector<16xi32>,
        %le3A_96 = arith.constant 40000 : i32
        %le3A_97 = vector.broadcast %le3A_96 : i32 to vector<16xi32>
        %le3A_98 = arith.cmpi sle, %add3A_88, %le3A_97 : vector<16xi32>
        %le3A_99 = arith.cmpi sle, %gather3A_95, %get3A_26 : vector<16xi32>
        %and3A_100 = arith.andi %le3A_98, %le3A_99 : vector<16xi1>
        %select_n3A_101 = arith.select %and3A_100, %add3A_88, %select_n3A_85 : vector<16xi1>, vector<16xi32>
        %add3A_102 = arith.constant 1024 : i32
        %add3A_103 = vector.broadcast %add3A_102 : i32 to vector<16xi32>
        %add3A_104 = arith.addi %select_n3A_101, %add3A_103 : vector<16xi32>
        %min3A_105 = arith.constant 40000 : i32
        %min3A_106 = vector.broadcast %min3A_105 : i32 to vector<16xi32>
        %min3A_107 = arith.minsi %add3A_104, %min3A_106 : vector<16xi32>
        %sub3A_108 = arith.constant 1 : i32
        %sub3A_109 = vector.broadcast %sub3A_108 : i32 to vector<16xi32>
        %sub3A_110 = arith.subi %min3A_107, %sub3A_109 : vector<16xi32>
        %gather3A_111 = tpu.vector_load_idx %arg8[%sub3A_110] : memref<40000xi32, #tpu.memory_space<vmem>>[vector<16xi32>], vector<16xi32>,
        %le3A_112 = arith.constant 40000 : i32
        %le3A_113 = vector.broadcast %le3A_112 : i32 to vector<16xi32>
        %le3A_114 = arith.cmpi sle, %add3A_104, %le3A_113 : vector<16xi32>
        %le3A_115 = arith.cmpi sle, %gather3A_111, %get3A_26 : vector<16xi32>
        %and3A_116 = arith.andi %le3A_114, %le3A_115 : vector<16xi1>
        %select_n3A_117 = arith.select %and3A_116, %add3A_104, %select_n3A_101 : vector<16xi1>, vector<16xi32>
        %add3A_118 = arith.constant 512 : i32
        %add3A_119 = vector.broadcast %add3A_118 : i32 to vector<16xi32>
        %add3A_120 = arith.addi %select_n3A_117, %add3A_119 : vector<16xi32>
        %min3A_121 = arith.constant 40000 : i32
        %min3A_122 = vector.broadcast %min3A_121 : i32 to vector<16xi32>
        %min3A_123 = arith.minsi %add3A_120, %min3A_122 : vector<16xi32>
        %sub3A_124 = arith.constant 1 : i32
        %sub3A_125 = vector.broadcast %sub3A_124 : i32 to vector<16xi32>
        %sub3A_126 = arith.subi %min3A_123, %sub3A_125 : vector<16xi32>
        %gather3A_127 = tpu.vector_load_idx %arg8[%sub3A_126] : memref<40000xi32, #tpu.memory_space<vmem>>[vector<16xi32>], vector<16xi32>,
        %le3A_128 = arith.constant 40000 : i32
        %le3A_129 = vector.broadcast %le3A_128 : i32 to vector<16xi32>
        %le3A_130 = arith.cmpi sle, %add3A_120, %le3A_129 : vector<16xi32>
        %le3A_131 = arith.cmpi sle, %gather3A_127, %get3A_26 : vector<16xi32>
        %and3A_132 = arith.andi %le3A_130, %le3A_131 : vector<16xi1>
        %select_n3A_133 = arith.select %and3A_132, %add3A_120, %select_n3A_117 : vector<16xi1>, vector<16xi32>
        %add3A_134 = arith.constant 256 : i32
        %add3A_135 = vector.broadcast %add3A_134 : i32 to vector<16xi32>
        %add3A_136 = arith.addi %select_n3A_133, %add3A_135 : vector<16xi32>
        %min3A_137 = arith.constant 40000 : i32
        %min3A_138 = vector.broadcast %min3A_137 : i32 to vector<16xi32>
        %min3A_139 = arith.minsi %add3A_136, %min3A_138 : vector<16xi32>
        %sub3A_140 = arith.constant 1 : i32
        %sub3A_141 = vector.broadcast %sub3A_140 : i32 to vector<16xi32>
        %sub3A_142 = arith.subi %min3A_139, %sub3A_141 : vector<16xi32>
        %gather3A_143 = tpu.vector_load_idx %arg8[%sub3A_142] : memref<40000xi32, #tpu.memory_space<vmem>>[vector<16xi32>], vector<16xi32>,
        %le3A_144 = arith.constant 40000 : i32
        %le3A_145 = vector.broadcast %le3A_144 : i32 to vector<16xi32>
        %le3A_146 = arith.cmpi sle, %add3A_136, %le3A_145 : vector<16xi32>
        %le3A_147 = arith.cmpi sle, %gather3A_143, %get3A_26 : vector<16xi32>
        %and3A_148 = arith.andi %le3A_146, %le3A_147 : vector<16xi1>
        %select_n3A_149 = arith.select %and3A_148, %add3A_136, %select_n3A_133 : vector<16xi1>, vector<16xi32>
        %add3A_150 = arith.constant 128 : i32
        %add3A_151 = vector.broadcast %add3A_150 : i32 to vector<16xi32>
        %add3A_152 = arith.addi %select_n3A_149, %add3A_151 : vector<16xi32>
        %min3A_153 = arith.constant 40000 : i32
        %min3A_154 = vector.broadcast %min3A_153 : i32 to vector<16xi32>
        %min3A_155 = arith.minsi %add3A_152, %min3A_154 : vector<16xi32>
        %sub3A_156 = arith.constant 1 : i32
        %sub3A_157 = vector.broadcast %sub3A_156 : i32 to vector<16xi32>
        %sub3A_158 = arith.subi %min3A_155, %sub3A_157 : vector<16xi32>
        %gather3A_159 = tpu.vector_load_idx %arg8[%sub3A_158] : memref<40000xi32, #tpu.memory_space<vmem>>[vector<16xi32>], vector<16xi32>,
        %le3A_160 = arith.constant 40000 : i32
        %le3A_161 = vector.broadcast %le3A_160 : i32 to vector<16xi32>
        %le3A_162 = arith.cmpi sle, %add3A_152, %le3A_161 : vector<16xi32>
        %le3A_163 = arith.cmpi sle, %gather3A_159, %get3A_26 : vector<16xi32>
        %and3A_164 = arith.andi %le3A_162, %le3A_163 : vector<16xi1>
        %select_n3A_165 = arith.select %and3A_164, %add3A_152, %select_n3A_149 : vector<16xi1>, vector<16xi32>
        %add3A_166 = arith.constant 64 : i32
        %add3A_167 = vector.broadcast %add3A_166 : i32 to vector<16xi32>
        %add3A_168 = arith.addi %select_n3A_165, %add3A_167 : vector<16xi32>
        %min3A_169 = arith.constant 40000 : i32
        %min3A_170 = vector.broadcast %min3A_169 : i32 to vector<16xi32>
        %min3A_171 = arith.minsi %add3A_168, %min3A_170 : vector<16xi32>
        %sub3A_172 = arith.constant 1 : i32
        %sub3A_173 = vector.broadcast %sub3A_172 : i32 to vector<16xi32>
        %sub3A_174 = arith.subi %min3A_171, %sub3A_173 : vector<16xi32>
        %gather3A_175 = tpu.vector_load_idx %arg8[%sub3A_174] : memref<40000xi32, #tpu.memory_space<vmem>>[vector<16xi32>], vector<16xi32>,
        %le3A_176 = arith.constant 40000 : i32
        %le3A_177 = vector.broadcast %le3A_176 : i32 to vector<16xi32>
        %le3A_178 = arith.cmpi sle, %add3A_168, %le3A_177 : vector<16xi32>
        %le3A_179 = arith.cmpi sle, %gather3A_175, %get3A_26 : vector<16xi32>
        %and3A_180 = arith.andi %le3A_178, %le3A_179 : vector<16xi1>
        %select_n3A_181 = arith.select %and3A_180, %add3A_168, %select_n3A_165 : vector<16xi1>, vector<16xi32>
        %add3A_182 = arith.constant 32 : i32
        %add3A_183 = vector.broadcast %add3A_182 : i32 to vector<16xi32>
        %add3A_184 = arith.addi %select_n3A_181, %add3A_183 : vector<16xi32>
        %min3A_185 = arith.constant 40000 : i32
        %min3A_186 = vector.broadcast %min3A_185 : i32 to vector<16xi32>
        %min3A_187 = arith.minsi %add3A_184, %min3A_186 : vector<16xi32>
        %sub3A_188 = arith.constant 1 : i32
        %sub3A_189 = vector.broadcast %sub3A_188 : i32 to vector<16xi32>
        %sub3A_190 = arith.subi %min3A_187, %sub3A_189 : vector<16xi32>
        %gather3A_191 = tpu.vector_load_idx %arg8[%sub3A_190] : memref<40000xi32, #tpu.memory_space<vmem>>[vector<16xi32>], vector<16xi32>,
        %le3A_192 = arith.constant 40000 : i32
        %le3A_193 = vector.broadcast %le3A_192 : i32 to vector<16xi32>
        %le3A_194 = arith.cmpi sle, %add3A_184, %le3A_193 : vector<16xi32>
        %le3A_195 = arith.cmpi sle, %gather3A_191, %get3A_26 : vector<16xi32>
        %and3A_196 = arith.andi %le3A_194, %le3A_195 : vector<16xi1>
        %select_n3A_197 = arith.select %and3A_196, %add3A_184, %select_n3A_181 : vector<16xi1>, vector<16xi32>
        %add3A_198 = arith.constant 16 : i32
        %add3A_199 = vector.broadcast %add3A_198 : i32 to vector<16xi32>
        %add3A_200 = arith.addi %select_n3A_197, %add3A_199 : vector<16xi32>
        %min3A_201 = arith.constant 40000 : i32
        %min3A_202 = vector.broadcast %min3A_201 : i32 to vector<16xi32>
        %min3A_203 = arith.minsi %add3A_200, %min3A_202 : vector<16xi32>
        %sub3A_204 = arith.constant 1 : i32
        %sub3A_205 = vector.broadcast %sub3A_204 : i32 to vector<16xi32>
        %sub3A_206 = arith.subi %min3A_203, %sub3A_205 : vector<16xi32>
        %gather3A_207 = tpu.vector_load_idx %arg8[%sub3A_206] : memref<40000xi32, #tpu.memory_space<vmem>>[vector<16xi32>], vector<16xi32>,
        %le3A_208 = arith.constant 40000 : i32
        %le3A_209 = vector.broadcast %le3A_208 : i32 to vector<16xi32>
        %le3A_210 = arith.cmpi sle, %add3A_200, %le3A_209 : vector<16xi32>
        %le3A_211 = arith.cmpi sle, %gather3A_207, %get3A_26 : vector<16xi32>
        %and3A_212 = arith.andi %le3A_210, %le3A_211 : vector<16xi1>
        %select_n3A_213 = arith.select %and3A_212, %add3A_200, %select_n3A_197 : vector<16xi1>, vector<16xi32>
        %add3A_214 = arith.constant 8 : i32
        %add3A_215 = vector.broadcast %add3A_214 : i32 to vector<16xi32>
        %add3A_216 = arith.addi %select_n3A_213, %add3A_215 : vector<16xi32>
        %min3A_217 = arith.constant 40000 : i32
        %min3A_218 = vector.broadcast %min3A_217 : i32 to vector<16xi32>
        %min3A_219 = arith.minsi %add3A_216, %min3A_218 : vector<16xi32>
        %sub3A_220 = arith.constant 1 : i32
        %sub3A_221 = vector.broadcast %sub3A_220 : i32 to vector<16xi32>
        %sub3A_222 = arith.subi %min3A_219, %sub3A_221 : vector<16xi32>
        %gather3A_223 = tpu.vector_load_idx %arg8[%sub3A_222] : memref<40000xi32, #tpu.memory_space<vmem>>[vector<16xi32>], vector<16xi32>,
        %le3A_224 = arith.constant 40000 : i32
        %le3A_225 = vector.broadcast %le3A_224 : i32 to vector<16xi32>
        %le3A_226 = arith.cmpi sle, %add3A_216, %le3A_225 : vector<16xi32>
        %le3A_227 = arith.cmpi sle, %gather3A_223, %get3A_26 : vector<16xi32>
        %and3A_228 = arith.andi %le3A_226, %le3A_227 : vector<16xi1>
        %select_n3A_229 = arith.select %and3A_228, %add3A_216, %select_n3A_213 : vector<16xi1>, vector<16xi32>
        %add3A_230 = arith.constant 4 : i32
        %add3A_231 = vector.broadcast %add3A_230 : i32 to vector<16xi32>
        %add3A_232 = arith.addi %select_n3A_229, %add3A_231 : vector<16xi32>
        %min3A_233 = arith.constant 40000 : i32
        %min3A_234 = vector.broadcast %min3A_233 : i32 to vector<16xi32>
        %min3A_235 = arith.minsi %add3A_232, %min3A_234 : vector<16xi32>
        %sub3A_236 = arith.constant 1 : i32
        %sub3A_237 = vector.broadcast %sub3A_236 : i32 to vector<16xi32>
        %sub3A_238 = arith.subi %min3A_235, %sub3A_237 : vector<16xi32>
        %gather3A_239 = tpu.vector_load_idx %arg8[%sub3A_238] : memref<40000xi32, #tpu.memory_space<vmem>>[vector<16xi32>], vector<16xi32>,
        %le3A_240 = arith.constant 40000 : i32
        %le3A_241 = vector.broadcast %le3A_240 : i32 to vector<16xi32>
        %le3A_242 = arith.cmpi sle, %add3A_232, %le3A_241 : vector<16xi32>
        %le3A_243 = arith.cmpi sle, %gather3A_239, %get3A_26 : vector<16xi32>
        %and3A_244 = arith.andi %le3A_242, %le3A_243 : vector<16xi1>
        %select_n3A_245 = arith.select %and3A_244, %add3A_232, %select_n3A_229 : vector<16xi1>, vector<16xi32>
        %add3A_246 = arith.constant 2 : i32
        %add3A_247 = vector.broadcast %add3A_246 : i32 to vector<16xi32>
        %add3A_248 = arith.addi %select_n3A_245, %add3A_247 : vector<16xi32>
        %min3A_249 = arith.constant 40000 : i32
        %min3A_250 = vector.broadcast %min3A_249 : i32 to vector<16xi32>
        %min3A_251 = arith.minsi %add3A_248, %min3A_250 : vector<16xi32>
        %sub3A_252 = arith.constant 1 : i32
        %sub3A_253 = vector.broadcast %sub3A_252 : i32 to vector<16xi32>
        %sub3A_254 = arith.subi %min3A_251, %sub3A_253 : vector<16xi32>
        %gather3A_255 = tpu.vector_load_idx %arg8[%sub3A_254] : memref<40000xi32, #tpu.memory_space<vmem>>[vector<16xi32>], vector<16xi32>,
        %le3A_256 = arith.constant 40000 : i32
        %le3A_257 = vector.broadcast %le3A_256 : i32 to vector<16xi32>
        %le3A_258 = arith.cmpi sle, %add3A_248, %le3A_257 : vector<16xi32>
        %le3A_259 = arith.cmpi sle, %gather3A_255, %get3A_26 : vector<16xi32>
        %and3A_260 = arith.andi %le3A_258, %le3A_259 : vector<16xi1>
        %select_n3A_261 = arith.select %and3A_260, %add3A_248, %select_n3A_245 : vector<16xi1>, vector<16xi32>
        %add3A_262 = arith.constant 1 : i32
        %add3A_263 = vector.broadcast %add3A_262 : i32 to vector<16xi32>
        %add3A_264 = arith.addi %select_n3A_261, %add3A_263 : vector<16xi32>
        %min3A_265 = arith.constant 40000 : i32
        %min3A_266 = vector.broadcast %min3A_265 : i32 to vector<16xi32>
        %min3A_267 = arith.minsi %add3A_264, %min3A_266 : vector<16xi32>
        %sub3A_268 = arith.constant 1 : i32
        %sub3A_269 = vector.broadcast %sub3A_268 : i32 to vector<16xi32>
        %sub3A_270 = arith.subi %min3A_267, %sub3A_269 : vector<16xi32>
        %gather3A_271 = tpu.vector_load_idx %arg8[%sub3A_270] : memref<40000xi32, #tpu.memory_space<vmem>>[vector<16xi32>], vector<16xi32>,
        %le3A_272 = arith.constant 40000 : i32
        %le3A_273 = vector.broadcast %le3A_272 : i32 to vector<16xi32>
        %le3A_274 = arith.cmpi sle, %add3A_264, %le3A_273 : vector<16xi32>
        %le3A_275 = arith.cmpi sle, %gather3A_271, %get3A_26 : vector<16xi32>
        %and3A_276 = arith.andi %le3A_274, %le3A_275 : vector<16xi1>
        %select_n3A_277 = arith.select %and3A_276, %add3A_264, %select_n3A_261 : vector<16xi1>, vector<16xi32>
        %jit3A = arith.constant 0 : i32
        %jit3A_278 = arith.constant 39999 : i32
        %max3A = vector.broadcast %jit3A : i32 to vector<16xi32>
        %max3A_279 = arith.maxsi %max3A, %select_n3A_277 : vector<16xi32>
        %min3A_280 = vector.broadcast %jit3A_278 : i32 to vector<16xi32>
        %min3A_281 = arith.minsi %min3A_280, %max3A_279 : vector<16xi32>
        %gather3A_282 = tpu.vector_load_idx %arg9[%min3A_281] : memref<40000xi32, #tpu.memory_space<vmem>>[vector<16xi32>], vector<16xi32>,
        %mul3A_283 = arith.constant 16 : i32
        %mul3A_284 = arith.muli %scan3A_22, %mul3A_283 : i32
        %get3A_285 = arith.index_cast %mul3A_284 : i32 to index
        %get3A_286 = tpu.vector_load %arg11[%get3A_285] {strides = array<i32>} : memref<512xi32, #tpu.memory_space<vmem>>, vector<16xi32>,
        %gt3A = arith.constant 0 : i32
        %gt3A_287 = vector.broadcast %gt3A : i32 to vector<16xi32>
        %gt3A_288 = arith.cmpi sgt, %get3A_286, %gt3A_287 : vector<16xi32>
        %mul3A_289 = arith.constant 16 : i32
        %mul3A_290 = arith.muli %scan3A_22, %mul3A_289 : i32
        %get3A_291 = arith.index_cast %mul3A_290 : i32 to index
        %get3A_292 = tpu.vector_load %arg12[%get3A_291] {strides = array<i32>} : memref<512xi32, #tpu.memory_space<vmem>>, vector<16xi32>,
        %select_n3A_293 = arith.select %gt3A_288, %gather3A_282, %get3A_292 : vector<16xi1>, vector<16xi32>
        %mul3A_294 = arith.constant 16 : i32
        %mul3A_295 = arith.muli %scan3A_22, %mul3A_294 : i32
        %swap3A = arith.index_cast %mul3A_295 : i32 to index
        %swap3A_296 = tpu.vector_load %arg13[%swap3A] {strides = array<i32>} : memref<512xi32, #tpu.memory_space<vmem>>, vector<16xi32>,
        tpu.vector_store %arg13[%swap3A], %select_n3A_293 {strides = array<i32>} : memref<512xi32, #tpu.memory_space<vmem>>, vector<16xi32>,
        %scan3A_297 = arith.constant 0 : i32
        scf.yield %scan3A_297 : i32
      }
      %scan3A_20 = arith.constant 32 : i32
      "tpu.region"() ({
        %run_scoped3A = tpu.sem_alloc : memref<!tpu.dma_semaphore, #tpu.memory_space<semaphore_mem>>
        %dma_start3A = tpu.memref_slice %arg7[%add3A_13] : memref<163840xi32, #tpu.memory_space<hbm>> -> memref<512xi32, #tpu.memory_space<hbm>>
        %dma_start3A_22 = tpu.memref_slice %arg7[%add3A_13] : memref<163840xi32, #tpu.memory_space<hbm>> -> memref<512xi32, #tpu.memory_space<hbm>>
        tpu.enqueue_dma source(%arg13 : memref<512xi32, #tpu.memory_space<vmem>>) target(%dma_start3A_22 : memref<512xi32, #tpu.memory_space<hbm>>) target_semaphore(%run_scoped3A : memref<!tpu.dma_semaphore, #tpu.memory_space<semaphore_mem>>)
        %dma_wait3A = tpu.memref_slice %arg7[%add3A_13] : memref<163840xi32, #tpu.memory_space<hbm>> -> memref<512xi32, #tpu.memory_space<hbm>>
        %dma_wait3A_23 = tpu.memref_slice %arg7[%add3A_13] : memref<163840xi32, #tpu.memory_space<hbm>> -> memref<512xi32, #tpu.memory_space<hbm>>
        tpu.wait_dma2 semaphore(%run_scoped3A : memref<!tpu.dma_semaphore, #tpu.memory_space<semaphore_mem>>) src(%arg13 : memref<512xi32, #tpu.memory_space<vmem>>) dst(%dma_wait3A_23 : memref<512xi32, #tpu.memory_space<hbm>>)
        tpu.yield
      }) : () -> ()
      %scan3A_21 = arith.constant 0 : i32
      scf.yield %scan3A_21 : i32
    }
    %scan3A_8 = arith.constant 10 : i32
    return
  }
}

#map = affine_map<(d0, d1) -> (0)>
module attributes {stable_mosaic.version = 14 : i64} {
  func.func @_exist_body(%arg0: i32, %arg1: i32, %arg2: memref<10240xf32, #tpu.memory_space<hbm>>, %arg3: memref<20480xi32, #tpu.memory_space<hbm>>, %arg4: memref<20480xi32, #tpu.memory_space<hbm>>, %arg5: memref<20480xf32, #tpu.memory_space<hbm>>, %arg6: memref<10240xf32, #tpu.memory_space<vmem>>, %arg7: memref<640xi32, #tpu.memory_space<vmem>>, %arg8: memref<640xi32, #tpu.memory_space<vmem>>, %arg9: memref<640xf32, #tpu.memory_space<vmem>>, %arg10: memref<!tpu.dma_semaphore, #tpu.memory_space<semaphore_mem>>) attributes {dimension_semantics = [#tpu.dimension_semantics<core_parallel>, #tpu.dimension_semantics<subcore_parallel>], iteration_bounds = array<i64: 2, 16>, scalar_prefetch = 0 : i64, scratch_operands = 5 : i64, tpu.core_type = #tpu.core_type<sc_vector_subcore>, window_params = [{transform_indices = #map}, {transform_indices = #map}, {transform_indices = #map}, {transform_indices = #map}]} {
    %mul3A = arith.constant 2 : i32
    %mul3A_0 = arith.muli %arg1, %mul3A : i32
    %add3A = arith.addi %mul3A_0, %arg0 : i32
    %mul3A_1 = arith.constant 640 : i32
    %mul3A_2 = arith.muli %add3A, %mul3A_1 : i32
    tpu.enqueue_dma source(%arg2 : memref<10240xf32, #tpu.memory_space<hbm>>) target(%arg6 : memref<10240xf32, #tpu.memory_space<vmem>>) target_semaphore(%arg10 : memref<!tpu.dma_semaphore, #tpu.memory_space<semaphore_mem>>)
    tpu.wait_dma2 semaphore(%arg10 : memref<!tpu.dma_semaphore, #tpu.memory_space<semaphore_mem>>) src(%arg2 : memref<10240xf32, #tpu.memory_space<hbm>>) dst(%arg6 : memref<10240xf32, #tpu.memory_space<vmem>>)
    "tpu.region"() ({
      %run_scoped3A = tpu.sem_alloc : memref<!tpu.dma_semaphore, #tpu.memory_space<semaphore_mem>>
      %dma_start3A = tpu.memref_slice %arg3[%mul3A_2] : memref<20480xi32, #tpu.memory_space<hbm>> -> memref<640xi32, #tpu.memory_space<hbm>>
      %dma_start3A_9 = tpu.memref_slice %arg3[%mul3A_2] : memref<20480xi32, #tpu.memory_space<hbm>> -> memref<640xi32, #tpu.memory_space<hbm>>
      tpu.enqueue_dma source(%dma_start3A_9 : memref<640xi32, #tpu.memory_space<hbm>>) target(%arg7 : memref<640xi32, #tpu.memory_space<vmem>>) target_semaphore(%run_scoped3A : memref<!tpu.dma_semaphore, #tpu.memory_space<semaphore_mem>>)
      %dma_wait3A = tpu.memref_slice %arg3[%mul3A_2] : memref<20480xi32, #tpu.memory_space<hbm>> -> memref<640xi32, #tpu.memory_space<hbm>>
      %dma_wait3A_10 = tpu.memref_slice %arg3[%mul3A_2] : memref<20480xi32, #tpu.memory_space<hbm>> -> memref<640xi32, #tpu.memory_space<hbm>>
      tpu.wait_dma2 semaphore(%run_scoped3A : memref<!tpu.dma_semaphore, #tpu.memory_space<semaphore_mem>>) src(%dma_wait3A_10 : memref<640xi32, #tpu.memory_space<hbm>>) dst(%arg7 : memref<640xi32, #tpu.memory_space<vmem>>)
      tpu.yield
    }) : () -> ()
    "tpu.region"() ({
      %run_scoped3A = tpu.sem_alloc : memref<!tpu.dma_semaphore, #tpu.memory_space<semaphore_mem>>
      %dma_start3A = tpu.memref_slice %arg4[%mul3A_2] : memref<20480xi32, #tpu.memory_space<hbm>> -> memref<640xi32, #tpu.memory_space<hbm>>
      %dma_start3A_9 = tpu.memref_slice %arg4[%mul3A_2] : memref<20480xi32, #tpu.memory_space<hbm>> -> memref<640xi32, #tpu.memory_space<hbm>>
      tpu.enqueue_dma source(%dma_start3A_9 : memref<640xi32, #tpu.memory_space<hbm>>) target(%arg8 : memref<640xi32, #tpu.memory_space<vmem>>) target_semaphore(%run_scoped3A : memref<!tpu.dma_semaphore, #tpu.memory_space<semaphore_mem>>)
      %dma_wait3A = tpu.memref_slice %arg4[%mul3A_2] : memref<20480xi32, #tpu.memory_space<hbm>> -> memref<640xi32, #tpu.memory_space<hbm>>
      %dma_wait3A_10 = tpu.memref_slice %arg4[%mul3A_2] : memref<20480xi32, #tpu.memory_space<hbm>> -> memref<640xi32, #tpu.memory_space<hbm>>
      tpu.wait_dma2 semaphore(%run_scoped3A : memref<!tpu.dma_semaphore, #tpu.memory_space<semaphore_mem>>) src(%dma_wait3A_10 : memref<640xi32, #tpu.memory_space<hbm>>) dst(%arg8 : memref<640xi32, #tpu.memory_space<vmem>>)
      tpu.yield
    }) : () -> ()
    %scan3A = arith.constant 0 : i32
    %scan3A_3 = arith.constant 0 : i32
    %scan3A_4 = arith.constant 40 : i32
    %scan3A_5 = arith.addi %scan3A_3, %scan3A_4 : i32
    %scan3A_6 = arith.constant 1 : i32
    %scan3A_7 = scf.for %scan3A_9 = %scan3A_3 to %scan3A_5 step %scan3A_6 iter_args(%scan3A_10 = %scan3A) -> (i32)  : i32 {
      %mul3A_11 = arith.constant 16 : i32
      %mul3A_12 = arith.muli %scan3A_9, %mul3A_11 : i32
      %get3A = arith.index_cast %mul3A_12 : i32 to index
      %get3A_13 = tpu.vector_load %arg7[%get3A] {strides = array<i32>} : memref<640xi32, #tpu.memory_space<vmem>>, vector<16xi32>,
      %mul3A_14 = arith.constant 16 : i32
      %mul3A_15 = arith.muli %scan3A_9, %mul3A_14 : i32
      %get3A_16 = arith.index_cast %mul3A_15 : i32 to index
      %get3A_17 = tpu.vector_load %arg8[%get3A_16] {strides = array<i32>} : memref<640xi32, #tpu.memory_space<vmem>>, vector<16xi32>,
      %gather3A = tpu.vector_load_idx %arg6[%get3A_13] : memref<10240xf32, #tpu.memory_space<vmem>>[vector<16xi32>], vector<16xf32>,
      %gather3A_18 = tpu.vector_load_idx %arg6[%get3A_17] : memref<10240xf32, #tpu.memory_space<vmem>>[vector<16xi32>], vector<16xf32>,
      %add3A_19 = arith.addf %gather3A, %gather3A_18 : vector<16xf32>
      %mul3A_20 = arith.constant 16 : i32
      %mul3A_21 = arith.muli %scan3A_9, %mul3A_20 : i32
      %swap3A = arith.index_cast %mul3A_21 : i32 to index
      %swap3A_22 = tpu.vector_load %arg9[%swap3A] {strides = array<i32>} : memref<640xf32, #tpu.memory_space<vmem>>, vector<16xf32>,
      tpu.vector_store %arg9[%swap3A], %add3A_19 {strides = array<i32>} : memref<640xf32, #tpu.memory_space<vmem>>, vector<16xf32>,
      %scan3A_23 = arith.constant 0 : i32
      scf.yield %scan3A_23 : i32
    }
    %scan3A_8 = arith.constant 40 : i32
    "tpu.region"() ({
      %run_scoped3A = tpu.sem_alloc : memref<!tpu.dma_semaphore, #tpu.memory_space<semaphore_mem>>
      %dma_start3A = tpu.memref_slice %arg5[%mul3A_2] : memref<20480xf32, #tpu.memory_space<hbm>> -> memref<640xf32, #tpu.memory_space<hbm>>
      %dma_start3A_9 = tpu.memref_slice %arg5[%mul3A_2] : memref<20480xf32, #tpu.memory_space<hbm>> -> memref<640xf32, #tpu.memory_space<hbm>>
      tpu.enqueue_dma source(%arg9 : memref<640xf32, #tpu.memory_space<vmem>>) target(%dma_start3A_9 : memref<640xf32, #tpu.memory_space<hbm>>) target_semaphore(%run_scoped3A : memref<!tpu.dma_semaphore, #tpu.memory_space<semaphore_mem>>)
      %dma_wait3A = tpu.memref_slice %arg5[%mul3A_2] : memref<20480xf32, #tpu.memory_space<hbm>> -> memref<640xf32, #tpu.memory_space<hbm>>
      %dma_wait3A_10 = tpu.memref_slice %arg5[%mul3A_2] : memref<20480xf32, #tpu.memory_space<hbm>> -> memref<640xf32, #tpu.memory_space<hbm>>
      tpu.wait_dma2 semaphore(%run_scoped3A : memref<!tpu.dma_semaphore, #tpu.memory_space<semaphore_mem>>) src(%arg9 : memref<640xf32, #tpu.memory_space<vmem>>) dst(%dma_wait3A_10 : memref<640xf32, #tpu.memory_space<hbm>>)
      tpu.yield
    }) : () -> ()
    return
  }
}

#map = affine_map<(d0, d1) -> (0, 0)>
#map1 = affine_map<(d0, d1) -> (0)>
module attributes {stable_mosaic.version = 14 : i64} {
  func.func @_supgather_body(%arg0: i32, %arg1: i32, %arg2: memref<10000x256xf32, #tpu.memory_space<hbm>>, %arg3: memref<10000x256xf32, #tpu.memory_space<hbm>>, %arg4: memref<20480xi32, #tpu.memory_space<hbm>>, %arg5: memref<20480xi32, #tpu.memory_space<hbm>>, %arg6: memref<20480x256xf32, #tpu.memory_space<hbm>>, %arg7: memref<20480x256xf32, #tpu.memory_space<hbm>>, %arg8: memref<20480x256xf32, #tpu.memory_space<hbm>>, %arg9: memref<20480x256xf32, #tpu.memory_space<hbm>>, %arg10: memref<64xi32, #tpu.memory_space<vmem>>, %arg11: memref<64xi32, #tpu.memory_space<vmem>>, %arg12: memref<64x256xf32, #tpu.memory_space<vmem>>, %arg13: memref<64x256xf32, #tpu.memory_space<vmem>>, %arg14: memref<64x256xf32, #tpu.memory_space<vmem>>, %arg15: memref<64x256xf32, #tpu.memory_space<vmem>>, %arg16: memref<!tpu.dma_semaphore, #tpu.memory_space<semaphore_mem>>, %arg17: memref<!tpu.dma_semaphore, #tpu.memory_space<semaphore_mem>>, %arg18: memref<!tpu.dma_semaphore, #tpu.memory_space<semaphore_mem>>, %arg19: memref<!tpu.dma_semaphore, #tpu.memory_space<semaphore_mem>>) attributes {dimension_semantics = [#tpu.dimension_semantics<core_parallel>, #tpu.dimension_semantics<subcore_parallel>], iteration_bounds = array<i64: 2, 16>, scalar_prefetch = 0 : i64, scratch_operands = 10 : i64, tpu.core_type = #tpu.core_type<sc_vector_subcore>, window_params = [{transform_indices = #map}, {transform_indices = #map}, {transform_indices = #map1}, {transform_indices = #map1}, {transform_indices = #map}, {transform_indices = #map}, {transform_indices = #map}, {transform_indices = #map}]} {
    %mul3A = arith.constant 2 : i32
    %mul3A_0 = arith.muli %arg1, %mul3A : i32
    %add3A = arith.addi %mul3A_0, %arg0 : i32
    %mul3A_1 = arith.constant 640 : i32
    %mul3A_2 = arith.muli %add3A, %mul3A_1 : i32
    %scan3A = arith.constant 0 : i32
    %scan3A_3 = arith.constant 0 : i32
    %scan3A_4 = arith.constant 10 : i32
    %scan3A_5 = arith.addi %scan3A_3, %scan3A_4 : i32
    %scan3A_6 = arith.constant 1 : i32
    %scan3A_7 = scf.for %scan3A_9 = %scan3A_3 to %scan3A_5 step %scan3A_6 iter_args(%scan3A_10 = %scan3A) -> (i32)  : i32 {
      %mul3A_11 = arith.constant 64 : i32
      %mul3A_12 = arith.muli %scan3A_9, %mul3A_11 : i32
      %add3A_13 = arith.addi %mul3A_2, %mul3A_12 : i32
      "tpu.region"() ({
        %run_scoped3A = tpu.sem_alloc : memref<!tpu.dma_semaphore, #tpu.memory_space<semaphore_mem>>
        %dma_start3A_69 = tpu.memref_slice %arg4[%add3A_13] : memref<20480xi32, #tpu.memory_space<hbm>> -> memref<64xi32, #tpu.memory_space<hbm>>
        %dma_start3A_70 = tpu.memref_slice %arg4[%add3A_13] : memref<20480xi32, #tpu.memory_space<hbm>> -> memref<64xi32, #tpu.memory_space<hbm>>
        tpu.enqueue_dma source(%dma_start3A_70 : memref<64xi32, #tpu.memory_space<hbm>>) target(%arg10 : memref<64xi32, #tpu.memory_space<vmem>>) target_semaphore(%run_scoped3A : memref<!tpu.dma_semaphore, #tpu.memory_space<semaphore_mem>>)
        %dma_wait3A_71 = tpu.memref_slice %arg4[%add3A_13] : memref<20480xi32, #tpu.memory_space<hbm>> -> memref<64xi32, #tpu.memory_space<hbm>>
        %dma_wait3A_72 = tpu.memref_slice %arg4[%add3A_13] : memref<20480xi32, #tpu.memory_space<hbm>> -> memref<64xi32, #tpu.memory_space<hbm>>
        tpu.wait_dma2 semaphore(%run_scoped3A : memref<!tpu.dma_semaphore, #tpu.memory_space<semaphore_mem>>) src(%dma_wait3A_72 : memref<64xi32, #tpu.memory_space<hbm>>) dst(%arg10 : memref<64xi32, #tpu.memory_space<vmem>>)
        tpu.yield
      }) : () -> ()
      "tpu.region"() ({
        %run_scoped3A = tpu.sem_alloc : memref<!tpu.dma_semaphore, #tpu.memory_space<semaphore_mem>>
        %dma_start3A_69 = tpu.memref_slice %arg5[%add3A_13] : memref<20480xi32, #tpu.memory_space<hbm>> -> memref<64xi32, #tpu.memory_space<hbm>>
        %dma_start3A_70 = tpu.memref_slice %arg5[%add3A_13] : memref<20480xi32, #tpu.memory_space<hbm>> -> memref<64xi32, #tpu.memory_space<hbm>>
        tpu.enqueue_dma source(%dma_start3A_70 : memref<64xi32, #tpu.memory_space<hbm>>) target(%arg11 : memref<64xi32, #tpu.memory_space<vmem>>) target_semaphore(%run_scoped3A : memref<!tpu.dma_semaphore, #tpu.memory_space<semaphore_mem>>)
        %dma_wait3A_71 = tpu.memref_slice %arg5[%add3A_13] : memref<20480xi32, #tpu.memory_space<hbm>> -> memref<64xi32, #tpu.memory_space<hbm>>
        %dma_wait3A_72 = tpu.memref_slice %arg5[%add3A_13] : memref<20480xi32, #tpu.memory_space<hbm>> -> memref<64xi32, #tpu.memory_space<hbm>>
        tpu.wait_dma2 semaphore(%run_scoped3A : memref<!tpu.dma_semaphore, #tpu.memory_space<semaphore_mem>>) src(%dma_wait3A_72 : memref<64xi32, #tpu.memory_space<hbm>>) dst(%arg11 : memref<64xi32, #tpu.memory_space<vmem>>)
        tpu.yield
      }) : () -> ()
      %dma_start3A = arith.constant 0 : i32
      %dma_start3A_14 = arith.constant 0 : i32
      %dma_start3A_15 = tpu.memref_slice %arg2[%dma_start3A, %dma_start3A_14] : memref<10000x256xf32, #tpu.memory_space<hbm>> -> memref<10000x256xf32, #tpu.memory_space<hbm>>
      tpu.enqueue_indirect_dma source(%dma_start3A_15 : memref<10000x256xf32, #tpu.memory_space<hbm>>) target(%arg12 : memref<64x256xf32, #tpu.memory_space<vmem>>) offsets(%arg10 : memref<64xi32, #tpu.memory_space<vmem>>) semaphore(%arg16 : memref<!tpu.dma_semaphore, #tpu.memory_space<semaphore_mem>>)
      %dma_start3A_16 = arith.constant 0 : i32
      %dma_start3A_17 = arith.constant 0 : i32
      %dma_start3A_18 = tpu.memref_slice %arg3[%dma_start3A_16, %dma_start3A_17] : memref<10000x256xf32, #tpu.memory_space<hbm>> -> memref<10000x256xf32, #tpu.memory_space<hbm>>
      tpu.enqueue_indirect_dma source(%dma_start3A_18 : memref<10000x256xf32, #tpu.memory_space<hbm>>) target(%arg14 : memref<64x256xf32, #tpu.memory_space<vmem>>) offsets(%arg10 : memref<64xi32, #tpu.memory_space<vmem>>) semaphore(%arg16 : memref<!tpu.dma_semaphore, #tpu.memory_space<semaphore_mem>>)
      %dma_start3A_19 = arith.constant 0 : i32
      %dma_start3A_20 = arith.constant 0 : i32
      %dma_start3A_21 = tpu.memref_slice %arg2[%dma_start3A_19, %dma_start3A_20] : memref<10000x256xf32, #tpu.memory_space<hbm>> -> memref<10000x256xf32, #tpu.memory_space<hbm>>
      tpu.enqueue_indirect_dma source(%dma_start3A_21 : memref<10000x256xf32, #tpu.memory_space<hbm>>) target(%arg13 : memref<64x256xf32, #tpu.memory_space<vmem>>) offsets(%arg11 : memref<64xi32, #tpu.memory_space<vmem>>) semaphore(%arg17 : memref<!tpu.dma_semaphore, #tpu.memory_space<semaphore_mem>>)
      %dma_start3A_22 = arith.constant 0 : i32
      %dma_start3A_23 = arith.constant 0 : i32
      %dma_start3A_24 = tpu.memref_slice %arg3[%dma_start3A_22, %dma_start3A_23] : memref<10000x256xf32, #tpu.memory_space<hbm>> -> memref<10000x256xf32, #tpu.memory_space<hbm>>
      tpu.enqueue_indirect_dma source(%dma_start3A_24 : memref<10000x256xf32, #tpu.memory_space<hbm>>) target(%arg15 : memref<64x256xf32, #tpu.memory_space<vmem>>) offsets(%arg11 : memref<64xi32, #tpu.memory_space<vmem>>) semaphore(%arg17 : memref<!tpu.dma_semaphore, #tpu.memory_space<semaphore_mem>>)
      %dma_wait3A = arith.constant 0 : i32
      %dma_wait3A_25 = arith.constant 0 : i32
      %dma_wait3A_26 = tpu.memref_slice %arg2[%dma_wait3A, %dma_wait3A_25] : memref<10000x256xf32, #tpu.memory_space<hbm>> -> memref<10000x256xf32, #tpu.memory_space<hbm>>
      tpu.wait_indirect_dma semaphore(%arg16 : memref<!tpu.dma_semaphore, #tpu.memory_space<semaphore_mem>>) src(%dma_wait3A_26 : memref<10000x256xf32, #tpu.memory_space<hbm>>) dst(%arg12 : memref<64x256xf32, #tpu.memory_space<vmem>>)
      %dma_wait3A_27 = arith.constant 0 : i32
      %dma_wait3A_28 = arith.constant 0 : i32
      %dma_wait3A_29 = tpu.memref_slice %arg3[%dma_wait3A_27, %dma_wait3A_28] : memref<10000x256xf32, #tpu.memory_space<hbm>> -> memref<10000x256xf32, #tpu.memory_space<hbm>>
      tpu.wait_indirect_dma semaphore(%arg16 : memref<!tpu.dma_semaphore, #tpu.memory_space<semaphore_mem>>) src(%dma_wait3A_29 : memref<10000x256xf32, #tpu.memory_space<hbm>>) dst(%arg14 : memref<64x256xf32, #tpu.memory_space<vmem>>)
      %dma_start3A_30 = arith.constant 0 : i32
      %dma_start3A_31 = tpu.memref_slice %arg6[%add3A_13, %dma_start3A_30] : memref<20480x256xf32, #tpu.memory_space<hbm>> -> memref<64x256xf32, #tpu.memory_space<hbm>>
      %dma_start3A_32 = arith.constant 0 : i32
      %dma_start3A_33 = tpu.memref_slice %arg6[%add3A_13, %dma_start3A_32] : memref<20480x256xf32, #tpu.memory_space<hbm>> -> memref<64x256xf32, #tpu.memory_space<hbm>>
      tpu.enqueue_dma source(%arg12 : memref<64x256xf32, #tpu.memory_space<vmem>>) target(%dma_start3A_33 : memref<64x256xf32, #tpu.memory_space<hbm>>) target_semaphore(%arg18 : memref<!tpu.dma_semaphore, #tpu.memory_space<semaphore_mem>>)
      %dma_start3A_34 = arith.constant 0 : i32
      %dma_start3A_35 = tpu.memref_slice %arg8[%add3A_13, %dma_start3A_34] : memref<20480x256xf32, #tpu.memory_space<hbm>> -> memref<64x256xf32, #tpu.memory_space<hbm>>
      %dma_start3A_36 = arith.constant 0 : i32
      %dma_start3A_37 = tpu.memref_slice %arg8[%add3A_13, %dma_start3A_36] : memref<20480x256xf32, #tpu.memory_space<hbm>> -> memref<64x256xf32, #tpu.memory_space<hbm>>
      tpu.enqueue_dma source(%arg14 : memref<64x256xf32, #tpu.memory_space<vmem>>) target(%dma_start3A_37 : memref<64x256xf32, #tpu.memory_space<hbm>>) target_semaphore(%arg18 : memref<!tpu.dma_semaphore, #tpu.memory_space<semaphore_mem>>)
      %dma_wait3A_38 = arith.constant 0 : i32
      %dma_wait3A_39 = arith.constant 0 : i32
      %dma_wait3A_40 = tpu.memref_slice %arg2[%dma_wait3A_38, %dma_wait3A_39] : memref<10000x256xf32, #tpu.memory_space<hbm>> -> memref<10000x256xf32, #tpu.memory_space<hbm>>
      tpu.wait_indirect_dma semaphore(%arg17 : memref<!tpu.dma_semaphore, #tpu.memory_space<semaphore_mem>>) src(%dma_wait3A_40 : memref<10000x256xf32, #tpu.memory_space<hbm>>) dst(%arg13 : memref<64x256xf32, #tpu.memory_space<vmem>>)
      %dma_wait3A_41 = arith.constant 0 : i32
      %dma_wait3A_42 = arith.constant 0 : i32
      %dma_wait3A_43 = tpu.memref_slice %arg3[%dma_wait3A_41, %dma_wait3A_42] : memref<10000x256xf32, #tpu.memory_space<hbm>> -> memref<10000x256xf32, #tpu.memory_space<hbm>>
      tpu.wait_indirect_dma semaphore(%arg17 : memref<!tpu.dma_semaphore, #tpu.memory_space<semaphore_mem>>) src(%dma_wait3A_43 : memref<10000x256xf32, #tpu.memory_space<hbm>>) dst(%arg15 : memref<64x256xf32, #tpu.memory_space<vmem>>)
      %dma_start3A_44 = arith.constant 0 : i32
      %dma_start3A_45 = tpu.memref_slice %arg7[%add3A_13, %dma_start3A_44] : memref<20480x256xf32, #tpu.memory_space<hbm>> -> memref<64x256xf32, #tpu.memory_space<hbm>>
      %dma_start3A_46 = arith.constant 0 : i32
      %dma_start3A_47 = tpu.memref_slice %arg7[%add3A_13, %dma_start3A_46] : memref<20480x256xf32, #tpu.memory_space<hbm>> -> memref<64x256xf32, #tpu.memory_space<hbm>>
      tpu.enqueue_dma source(%arg13 : memref<64x256xf32, #tpu.memory_space<vmem>>) target(%dma_start3A_47 : memref<64x256xf32, #tpu.memory_space<hbm>>) target_semaphore(%arg19 : memref<!tpu.dma_semaphore, #tpu.memory_space<semaphore_mem>>)
      %dma_start3A_48 = arith.constant 0 : i32
      %dma_start3A_49 = tpu.memref_slice %arg9[%add3A_13, %dma_start3A_48] : memref<20480x256xf32, #tpu.memory_space<hbm>> -> memref<64x256xf32, #tpu.memory_space<hbm>>
      %dma_start3A_50 = arith.constant 0 : i32
      %dma_start3A_51 = tpu.memref_slice %arg9[%add3A_13, %dma_start3A_50] : memref<20480x256xf32, #tpu.memory_space<hbm>> -> memref<64x256xf32, #tpu.memory_space<hbm>>
      tpu.enqueue_dma source(%arg15 : memref<64x256xf32, #tpu.memory_space<vmem>>) target(%dma_start3A_51 : memref<64x256xf32, #tpu.memory_space<hbm>>) target_semaphore(%arg19 : memref<!tpu.dma_semaphore, #tpu.memory_space<semaphore_mem>>)
      %dma_wait3A_52 = arith.constant 0 : i32
      %dma_wait3A_53 = tpu.memref_slice %arg6[%add3A_13, %dma_wait3A_52] : memref<20480x256xf32, #tpu.memory_space<hbm>> -> memref<64x256xf32, #tpu.memory_space<hbm>>
      %dma_wait3A_54 = arith.constant 0 : i32
      %dma_wait3A_55 = tpu.memref_slice %arg6[%add3A_13, %dma_wait3A_54] : memref<20480x256xf32, #tpu.memory_space<hbm>> -> memref<64x256xf32, #tpu.memory_space<hbm>>
      tpu.wait_dma2 semaphore(%arg18 : memref<!tpu.dma_semaphore, #tpu.memory_space<semaphore_mem>>) src(%arg12 : memref<64x256xf32, #tpu.memory_space<vmem>>) dst(%dma_wait3A_55 : memref<64x256xf32, #tpu.memory_space<hbm>>)
      %dma_wait3A_56 = arith.constant 0 : i32
      %dma_wait3A_57 = tpu.memref_slice %arg8[%add3A_13, %dma_wait3A_56] : memref<20480x256xf32, #tpu.memory_space<hbm>> -> memref<64x256xf32, #tpu.memory_space<hbm>>
      %dma_wait3A_58 = arith.constant 0 : i32
      %dma_wait3A_59 = tpu.memref_slice %arg8[%add3A_13, %dma_wait3A_58] : memref<20480x256xf32, #tpu.memory_space<hbm>> -> memref<64x256xf32, #tpu.memory_space<hbm>>
      tpu.wait_dma2 semaphore(%arg18 : memref<!tpu.dma_semaphore, #tpu.memory_space<semaphore_mem>>) src(%arg14 : memref<64x256xf32, #tpu.memory_space<vmem>>) dst(%dma_wait3A_59 : memref<64x256xf32, #tpu.memory_space<hbm>>)
      %dma_wait3A_60 = arith.constant 0 : i32
      %dma_wait3A_61 = tpu.memref_slice %arg7[%add3A_13, %dma_wait3A_60] : memref<20480x256xf32, #tpu.memory_space<hbm>> -> memref<64x256xf32, #tpu.memory_space<hbm>>
      %dma_wait3A_62 = arith.constant 0 : i32
      %dma_wait3A_63 = tpu.memref_slice %arg7[%add3A_13, %dma_wait3A_62] : memref<20480x256xf32, #tpu.memory_space<hbm>> -> memref<64x256xf32, #tpu.memory_space<hbm>>
      tpu.wait_dma2 semaphore(%arg19 : memref<!tpu.dma_semaphore, #tpu.memory_space<semaphore_mem>>) src(%arg13 : memref<64x256xf32, #tpu.memory_space<vmem>>) dst(%dma_wait3A_63 : memref<64x256xf32, #tpu.memory_space<hbm>>)
      %dma_wait3A_64 = arith.constant 0 : i32
      %dma_wait3A_65 = tpu.memref_slice %arg9[%add3A_13, %dma_wait3A_64] : memref<20480x256xf32, #tpu.memory_space<hbm>> -> memref<64x256xf32, #tpu.memory_space<hbm>>
      %dma_wait3A_66 = arith.constant 0 : i32
      %dma_wait3A_67 = tpu.memref_slice %arg9[%add3A_13, %dma_wait3A_66] : memref<20480x256xf32, #tpu.memory_space<hbm>> -> memref<64x256xf32, #tpu.memory_space<hbm>>
      tpu.wait_dma2 semaphore(%arg19 : memref<!tpu.dma_semaphore, #tpu.memory_space<semaphore_mem>>) src(%arg15 : memref<64x256xf32, #tpu.memory_space<vmem>>) dst(%dma_wait3A_67 : memref<64x256xf32, #tpu.memory_space<hbm>>)
      %scan3A_68 = arith.constant 0 : i32
      scf.yield %scan3A_68 : i32
    }
    %scan3A_8 = arith.constant 10 : i32
    return
  }
}

module attributes {stable_mosaic.version = 14 : i64} {
  func.func @_normalize_body(%arg0: i32, %arg1: memref<2000x256xf32, #tpu.memory_space<vmem>>, %arg2: memref<2000x256xf32, #tpu.memory_space<vmem>>) attributes {dimension_semantics = [#tpu.dimension_semantics<arbitrary>], iteration_bounds = array<i64: 5>, scalar_prefetch = 0 : i64, scratch_operands = 0 : i64, tpu.core_type = #tpu.core_type<tc>, window_params = [{transform_indices = @transform_0, window_bounds = array<i64: 2000, 256>}, {transform_indices = @transform_1, window_bounds = array<i64: 2000, 256>}]} {
    %get3A = arith.constant 0 : index
    %get3A_0 = arith.constant 0 : index
    %get3A_1 = vector.load %arg1[%get3A, %get3A_0] : memref<2000x256xf32, #tpu.memory_space<vmem>>, vector<2000x256xf32>
    %mul3A = arith.mulf %get3A_1, %get3A_1 : vector<2000x256xf32>
    %reduce_sum3A = arith.constant dense<0.000000e+00> : vector<2000xf32>
    %reduce_sum3A_2 = vector.multi_reduction <add>, %mul3A, %reduce_sum3A [1] : vector<2000x256xf32> to vector<2000xf32>
    %broadcast_in_dim3A = vector.shape_cast %reduce_sum3A_2 : vector<2000xf32> to vector<2000x1xf32>
    %sqrt3A = math.sqrt %broadcast_in_dim3A : vector<2000x1xf32>
    %max3A = arith.constant 9.99999993E-9 : f32
    %max3A_3 = vector.broadcast %max3A : f32 to vector<2000x1xf32>
    %max3A_4 = arith.maximumf %sqrt3A, %max3A_3 : vector<2000x1xf32>
    %div3A = vector.broadcast %max3A_4 : vector<2000x1xf32> to vector<2000x256xf32>
    %div3A_5 = arith.divf %get3A_1, %div3A : vector<2000x256xf32>
    %swap3A = arith.constant 0 : index
    %swap3A_6 = arith.constant 0 : index
    %swap3A_7 = vector.load %arg2[%swap3A, %swap3A_6] : memref<2000x256xf32, #tpu.memory_space<vmem>>, vector<2000x256xf32>
    tpu.vector_store %arg2[%swap3A, %swap3A_6], %div3A_5 {strides = array<i32>} : memref<2000x256xf32, #tpu.memory_space<vmem>>, vector<2000x256xf32>,
    return
  }
  func.func @transform_0(%arg0: i32) -> (i32, i32) {
    %c0_i32 = arith.constant 0 : i32
    %c0_i32_0 = arith.constant 0 : i32
    return %arg0, %c0_i32 : i32, i32
  }
  func.func @transform_1(%arg0: i32) -> (i32, i32) {
    %c0_i32 = arith.constant 0 : i32
    %c0_i32_0 = arith.constant 0 : i32
    return %arg0, %c0_i32 : i32, i32
  }
}

module attributes {stable_mosaic.version = 14 : i64} {
  func.func @_combine_body(%arg0: i32, %arg1: memref<3x32x1024xf32, #tpu.memory_space<vmem>>, %arg2: memref<1024xf32, #tpu.memory_space<vmem>>) attributes {dimension_semantics = [#tpu.dimension_semantics<arbitrary>], iteration_bounds = array<i64: 10>, scalar_prefetch = 0 : i64, scratch_operands = 0 : i64, tpu.core_type = #tpu.core_type<tc>, window_params = [{transform_indices = @transform_0, window_bounds = array<i64: 3, 32, 1024>}, {transform_indices = @transform_1, window_bounds = array<i64: 1024>}]} {
    %get3A = arith.constant 0 : index
    %get3A_0 = arith.constant 0 : index
    %get3A_1 = arith.constant 0 : index
    %get3A_2 = vector.load %arg1[%get3A, %get3A_0, %get3A_1] : memref<3x32x1024xf32, #tpu.memory_space<vmem>>, vector<3x32x1024xf32>
    %reduce_sum3A = arith.constant dense<0.000000e+00> : vector<3x1024xf32>
    %reduce_sum3A_3 = vector.multi_reduction <add>, %get3A_2, %reduce_sum3A [1] : vector<3x32x1024xf32> to vector<3x1024xf32>
    %slice3A = vector.extract_strided_slice %reduce_sum3A_3 {offsets = [0, 0], sizes = [1, 1024], strides = [1, 1]} : vector<3x1024xf32> to vector<1x1024xf32>
    %squeeze3A = vector.shape_cast %slice3A : vector<1x1024xf32> to vector<1024xf32>
    %slice3A_4 = vector.extract_strided_slice %reduce_sum3A_3 {offsets = [1, 0], sizes = [1, 1024], strides = [1, 1]} : vector<3x1024xf32> to vector<1x1024xf32>
    %squeeze3A_5 = vector.shape_cast %slice3A_4 : vector<1x1024xf32> to vector<1024xf32>
    %slice3A_6 = vector.extract_strided_slice %reduce_sum3A_3 {offsets = [2, 0], sizes = [1, 1024], strides = [1, 1]} : vector<3x1024xf32> to vector<1x1024xf32>
    %squeeze3A_7 = vector.shape_cast %slice3A_6 : vector<1x1024xf32> to vector<1024xf32>
    %gt3A = arith.constant 5.000000e-01 : f32
    %gt3A_8 = vector.broadcast %gt3A : f32 to vector<1024xf32>
    %gt3A_9 = arith.cmpf ogt, %squeeze3A_7, %gt3A_8 : vector<1024xf32>
    %max3A = arith.constant 1.000000e+00 : f32
    %max3A_10 = vector.broadcast %max3A : f32 to vector<1024xf32>
    %max3A_11 = arith.maximumf %squeeze3A_7, %max3A_10 : vector<1024xf32>
    %mul3A = arith.mulf %squeeze3A_5, %max3A_11 : vector<1024xf32>
    %div3A = arith.divf %squeeze3A, %mul3A : vector<1024xf32>
    %jit3A = arith.constant 0.000000e+00 : f32
    %broadcast_in_dim3A = vector.broadcast %jit3A : f32 to vector<1024xf32>
    %select_n3A = arith.select %gt3A_9, %div3A, %broadcast_in_dim3A : vector<1024xi1>, vector<1024xf32>
    %swap3A = arith.constant 0 : index
    %swap3A_12 = vector.load %arg2[%swap3A] : memref<1024xf32, #tpu.memory_space<vmem>>, vector<1024xf32>
    tpu.vector_store %arg2[%swap3A], %select_n3A {strides = array<i32>} : memref<1024xf32, #tpu.memory_space<vmem>>, vector<1024xf32>,
    return
  }
  func.func @transform_0(%arg0: i32) -> (i32, i32, i32) {
    %c0_i32 = arith.constant 0 : i32
    %c0_i32_0 = arith.constant 0 : i32
    %c0_i32_1 = arith.constant 0 : i32
    return %c0_i32, %c0_i32_0, %arg0 : i32, i32, i32
  }
  func.func @transform_1(%arg0: i32) -> i32 {
    %c0_i32 = arith.constant 0 : i32
    return %arg0 : i32
  }
}

module attributes {stable_mosaic.version = 14 : i64} {
  func.func @_mlp_body(%arg0: i32, %arg1: memref<512x256xf32, #tpu.memory_space<vmem>>, %arg2: memref<512x256xf32, #tpu.memory_space<vmem>>, %arg3: memref<512x256xf32, #tpu.memory_space<vmem>>, %arg4: memref<512x256xf32, #tpu.memory_space<vmem>>, %arg5: memref<512x1xf32, #tpu.memory_space<vmem>>, %arg6: memref<256x512xf32, #tpu.memory_space<vmem>>, %arg7: memref<256x512xf32, #tpu.memory_space<vmem>>, %arg8: memref<1x512xf32, #tpu.memory_space<vmem>>, %arg9: memref<1x512xf32, #tpu.memory_space<vmem>>, %arg10: memref<1x512xf32, #tpu.memory_space<vmem>>, %arg11: memref<512x256xf32, #tpu.memory_space<vmem>>, %arg12: memref<1x256xf32, #tpu.memory_space<vmem>>, %arg13: memref<1x256xf32, #tpu.memory_space<vmem>>, %arg14: memref<1x256xf32, #tpu.memory_space<vmem>>, %arg15: memref<256x1xf32, #tpu.memory_space<vmem>>, %arg16: memref<256x1xf32, #tpu.memory_space<vmem>>, %arg17: memref<7xf32, #tpu.memory_space<smem>>, %arg18: memref<512x3xf32, #tpu.memory_space<vmem>>, %arg19: memref<512x1xf32, #tpu.memory_space<vmem>>) attributes {dimension_semantics = [#tpu.dimension_semantics<arbitrary>], iteration_bounds = array<i64: 40>, scalar_prefetch = 0 : i64, scratch_operands = 0 : i64, tpu.core_type = #tpu.core_type<tc>, window_params = [{transform_indices = @transform_0, window_bounds = array<i64: 512, 256>}, {transform_indices = @transform_1, window_bounds = array<i64: 512, 256>}, {transform_indices = @transform_2, window_bounds = array<i64: 512, 256>}, {transform_indices = @transform_3, window_bounds = array<i64: 512, 256>}, {transform_indices = @transform_4, window_bounds = array<i64: 512, 1>}, {pipeline_mode = #tpu.pipeline_mode<synchronous>, transform_indices = @transform_5, window_bounds = array<i64: 256, 512>}, {pipeline_mode = #tpu.pipeline_mode<synchronous>, transform_indices = @transform_6, window_bounds = array<i64: 256, 512>}, {pipeline_mode = #tpu.pipeline_mode<synchronous>, transform_indices = @transform_7, window_bounds = array<i64: 1, 512>}, {pipeline_mode = #tpu.pipeline_mode<synchronous>, transform_indices = @transform_8, window_bounds = array<i64: 1, 512>}, {pipeline_mode = #tpu.pipeline_mode<synchronous>, transform_indices = @transform_9, window_bounds = array<i64: 1, 512>}, {pipeline_mode = #tpu.pipeline_mode<synchronous>, transform_indices = @transform_10, window_bounds = array<i64: 512, 256>}, {pipeline_mode = #tpu.pipeline_mode<synchronous>, transform_indices = @transform_11, window_bounds = array<i64: 1, 256>}, {pipeline_mode = #tpu.pipeline_mode<synchronous>, transform_indices = @transform_12, window_bounds = array<i64: 1, 256>}, {pipeline_mode = #tpu.pipeline_mode<synchronous>, transform_indices = @transform_13, window_bounds = array<i64: 1, 256>}, {pipeline_mode = #tpu.pipeline_mode<synchronous>, transform_indices = @transform_14, window_bounds = array<i64: 256, 1>}, {pipeline_mode = #tpu.pipeline_mode<synchronous>, transform_indices = @transform_15, window_bounds = array<i64: 256, 1>}, {transform_indices = @transform_16, window_bounds = array<i64: 7>}, {transform_indices = @transform_17, window_bounds = array<i64: 512, 3>}, {transform_indices = @transform_18, window_bounds = array<i64: 512, 1>}]} {
    %get3A = arith.constant 0 : index
    %get3A_0 = arith.constant 0 : index
    %get3A_1 = vector.load %arg1[%get3A, %get3A_0] : memref<512x256xf32, #tpu.memory_space<vmem>>, vector<512x256xf32>
    %get3A_2 = arith.constant 0 : index
    %get3A_3 = arith.constant 0 : index
    %get3A_4 = vector.load %arg2[%get3A_2, %get3A_3] : memref<512x256xf32, #tpu.memory_space<vmem>>, vector<512x256xf32>
    %add3A = arith.addf %get3A_1, %get3A_4 : vector<512x256xf32>
    %mul3A = arith.mulf %get3A_1, %get3A_4 : vector<512x256xf32>
    %get3A_5 = arith.constant 0 : index
    %get3A_6 = arith.constant 0 : index
    %get3A_7 = vector.load %arg6[%get3A_5, %get3A_6] : memref<256x512xf32, #tpu.memory_space<vmem>>, vector<256x512xf32>
    %dot_general3A = arith.constant dense<0.000000e+00> : vector<512x512xf32>
    %dot_general3A_8 = tpu.matmul %add3A, %get3A_7, %dot_general3A {dimension_numbers = #tpu.dot_dimension_numbers<[1], [0], [0], [1], [0, 0, 1, 1], [], []>, transpose_lhs_hint = false} : vector<512x256xf32>, vector<256x512xf32>, vector<512x512xf32> -> vector<512x512xf32>
    %get3A_9 = arith.constant 0 : index
    %get3A_10 = arith.constant 0 : index
    %get3A_11 = vector.load %arg7[%get3A_9, %get3A_10] : memref<256x512xf32, #tpu.memory_space<vmem>>, vector<256x512xf32>
    %dot_general3A_12 = arith.constant dense<0.000000e+00> : vector<512x512xf32>
    %dot_general3A_13 = tpu.matmul %mul3A, %get3A_11, %dot_general3A_12 {dimension_numbers = #tpu.dot_dimension_numbers<[1], [0], [0], [1], [0, 0, 1, 1], [], []>, transpose_lhs_hint = false} : vector<512x256xf32>, vector<256x512xf32>, vector<512x512xf32> -> vector<512x512xf32>
    %add3A_14 = arith.addf %dot_general3A_8, %dot_general3A_13 : vector<512x512xf32>
    %get3A_15 = arith.constant 0 : index
    %get3A_16 = arith.constant 0 : index
    %get3A_17 = vector.load %arg8[%get3A_15, %get3A_16] : memref<1x512xf32, #tpu.memory_space<vmem>>, vector<1x512xf32>
    %add3A_18 = vector.broadcast %get3A_17 : vector<1x512xf32> to vector<512x512xf32>
    %add3A_19 = arith.addf %add3A_14, %add3A_18 : vector<512x512xf32>
    %reduce_sum3A = arith.constant dense<0.000000e+00> : vector<512xf32>
    %reduce_sum3A_20 = vector.multi_reduction <add>, %add3A_19, %reduce_sum3A [1] : vector<512x512xf32> to vector<512xf32>
    %broadcast_in_dim3A = vector.shape_cast %reduce_sum3A_20 : vector<512xf32> to vector<512x1xf32>
    %div3A = arith.constant 5.120000e+02 : f32
    %div3A_21 = vector.broadcast %div3A : f32 to vector<512x1xf32>
    %div3A_22 = arith.divf %broadcast_in_dim3A, %div3A_21 : vector<512x1xf32>
    %sub3A = vector.broadcast %div3A_22 : vector<512x1xf32> to vector<512x512xf32>
    %sub3A_23 = arith.subf %add3A_19, %sub3A : vector<512x512xf32>
    %sub3A_24 = vector.broadcast %div3A_22 : vector<512x1xf32> to vector<512x512xf32>
    %sub3A_25 = arith.subf %add3A_19, %sub3A_24 : vector<512x512xf32>
    %mul3A_26 = arith.mulf %sub3A_23, %sub3A_25 : vector<512x512xf32>
    %reduce_sum3A_27 = arith.constant dense<0.000000e+00> : vector<512xf32>
    %reduce_sum3A_28 = vector.multi_reduction <add>, %mul3A_26, %reduce_sum3A_27 [1] : vector<512x512xf32> to vector<512xf32>
    %broadcast_in_dim3A_29 = vector.shape_cast %reduce_sum3A_28 : vector<512xf32> to vector<512x1xf32>
    %div3A_30 = arith.constant 5.120000e+02 : f32
    %div3A_31 = vector.broadcast %div3A_30 : f32 to vector<512x1xf32>
    %div3A_32 = arith.divf %broadcast_in_dim3A_29, %div3A_31 : vector<512x1xf32>
    %sub3A_33 = vector.broadcast %div3A_22 : vector<512x1xf32> to vector<512x512xf32>
    %sub3A_34 = arith.subf %add3A_19, %sub3A_33 : vector<512x512xf32>
    %add3A_35 = arith.constant 9.99999974E-6 : f32
    %add3A_36 = vector.broadcast %add3A_35 : f32 to vector<512x1xf32>
    %add3A_37 = arith.addf %div3A_32, %add3A_36 : vector<512x1xf32>
    %sqrt3A = math.sqrt %add3A_37 : vector<512x1xf32>
    %div3A_38 = vector.broadcast %sqrt3A : vector<512x1xf32> to vector<512x512xf32>
    %div3A_39 = arith.divf %sub3A_34, %div3A_38 : vector<512x512xf32>
    %get3A_40 = arith.constant 0 : index
    %get3A_41 = arith.constant 0 : index
    %get3A_42 = vector.load %arg9[%get3A_40, %get3A_41] : memref<1x512xf32, #tpu.memory_space<vmem>>, vector<1x512xf32>
    %mul3A_43 = vector.broadcast %get3A_42 : vector<1x512xf32> to vector<512x512xf32>
    %mul3A_44 = arith.mulf %div3A_39, %mul3A_43 : vector<512x512xf32>
    %get3A_45 = arith.constant 0 : index
    %get3A_46 = arith.constant 0 : index
    %get3A_47 = vector.load %arg10[%get3A_45, %get3A_46] : memref<1x512xf32, #tpu.memory_space<vmem>>, vector<1x512xf32>
    %add3A_48 = vector.broadcast %get3A_47 : vector<1x512xf32> to vector<512x512xf32>
    %add3A_49 = arith.addf %mul3A_44, %add3A_48 : vector<512x512xf32>
    %max3A = arith.constant 0.000000e+00 : f32
    %max3A_50 = vector.broadcast %max3A : f32 to vector<512x512xf32>
    %max3A_51 = arith.maximumf %add3A_49, %max3A_50 : vector<512x512xf32>
    %get3A_52 = arith.constant 0 : index
    %get3A_53 = arith.constant 0 : index
    %get3A_54 = vector.load %arg11[%get3A_52, %get3A_53] : memref<512x256xf32, #tpu.memory_space<vmem>>, vector<512x256xf32>
    %dot_general3A_55 = arith.constant dense<0.000000e+00> : vector<512x256xf32>
    %dot_general3A_56 = tpu.matmul %max3A_51, %get3A_54, %dot_general3A_55 {dimension_numbers = #tpu.dot_dimension_numbers<[1], [0], [0], [1], [0, 0, 1, 1], [], []>, transpose_lhs_hint = false} : vector<512x512xf32>, vector<512x256xf32>, vector<512x256xf32> -> vector<512x256xf32>
    %get3A_57 = arith.constant 0 : index
    %get3A_58 = arith.constant 0 : index
    %get3A_59 = vector.load %arg12[%get3A_57, %get3A_58] : memref<1x256xf32, #tpu.memory_space<vmem>>, vector<1x256xf32>
    %add3A_60 = vector.broadcast %get3A_59 : vector<1x256xf32> to vector<512x256xf32>
    %add3A_61 = arith.addf %dot_general3A_56, %add3A_60 : vector<512x256xf32>
    %reduce_sum3A_62 = arith.constant dense<0.000000e+00> : vector<512xf32>
    %reduce_sum3A_63 = vector.multi_reduction <add>, %add3A_61, %reduce_sum3A_62 [1] : vector<512x256xf32> to vector<512xf32>
    %broadcast_in_dim3A_64 = vector.shape_cast %reduce_sum3A_63 : vector<512xf32> to vector<512x1xf32>
    %div3A_65 = arith.constant 2.560000e+02 : f32
    %div3A_66 = vector.broadcast %div3A_65 : f32 to vector<512x1xf32>
    %div3A_67 = arith.divf %broadcast_in_dim3A_64, %div3A_66 : vector<512x1xf32>
    %sub3A_68 = vector.broadcast %div3A_67 : vector<512x1xf32> to vector<512x256xf32>
    %sub3A_69 = arith.subf %add3A_61, %sub3A_68 : vector<512x256xf32>
    %sub3A_70 = vector.broadcast %div3A_67 : vector<512x1xf32> to vector<512x256xf32>
    %sub3A_71 = arith.subf %add3A_61, %sub3A_70 : vector<512x256xf32>
    %mul3A_72 = arith.mulf %sub3A_69, %sub3A_71 : vector<512x256xf32>
    %reduce_sum3A_73 = arith.constant dense<0.000000e+00> : vector<512xf32>
    %reduce_sum3A_74 = vector.multi_reduction <add>, %mul3A_72, %reduce_sum3A_73 [1] : vector<512x256xf32> to vector<512xf32>
    %broadcast_in_dim3A_75 = vector.shape_cast %reduce_sum3A_74 : vector<512xf32> to vector<512x1xf32>
    %div3A_76 = arith.constant 2.560000e+02 : f32
    %div3A_77 = vector.broadcast %div3A_76 : f32 to vector<512x1xf32>
    %div3A_78 = arith.divf %broadcast_in_dim3A_75, %div3A_77 : vector<512x1xf32>
    %sub3A_79 = vector.broadcast %div3A_67 : vector<512x1xf32> to vector<512x256xf32>
    %sub3A_80 = arith.subf %add3A_61, %sub3A_79 : vector<512x256xf32>
    %add3A_81 = arith.constant 9.99999974E-6 : f32
    %add3A_82 = vector.broadcast %add3A_81 : f32 to vector<512x1xf32>
    %add3A_83 = arith.addf %div3A_78, %add3A_82 : vector<512x1xf32>
    %sqrt3A_84 = math.sqrt %add3A_83 : vector<512x1xf32>
    %div3A_85 = vector.broadcast %sqrt3A_84 : vector<512x1xf32> to vector<512x256xf32>
    %div3A_86 = arith.divf %sub3A_80, %div3A_85 : vector<512x256xf32>
    %get3A_87 = arith.constant 0 : index
    %get3A_88 = arith.constant 0 : index
    %get3A_89 = vector.load %arg13[%get3A_87, %get3A_88] : memref<1x256xf32, #tpu.memory_space<vmem>>, vector<1x256xf32>
    %mul3A_90 = vector.broadcast %get3A_89 : vector<1x256xf32> to vector<512x256xf32>
    %mul3A_91 = arith.mulf %div3A_86, %mul3A_90 : vector<512x256xf32>
    %get3A_92 = arith.constant 0 : index
    %get3A_93 = arith.constant 0 : index
    %get3A_94 = vector.load %arg14[%get3A_92, %get3A_93] : memref<1x256xf32, #tpu.memory_space<vmem>>, vector<1x256xf32>
    %add3A_95 = vector.broadcast %get3A_94 : vector<1x256xf32> to vector<512x256xf32>
    %add3A_96 = arith.addf %mul3A_91, %add3A_95 : vector<512x256xf32>
    %max3A_97 = arith.constant 0.000000e+00 : f32
    %max3A_98 = vector.broadcast %max3A_97 : f32 to vector<512x256xf32>
    %max3A_99 = arith.maximumf %add3A_96, %max3A_98 : vector<512x256xf32>
    %get3A_100 = arith.constant 0 : index
    %get3A_101 = arith.constant 0 : index
    %get3A_102 = vector.load %arg3[%get3A_100, %get3A_101] : memref<512x256xf32, #tpu.memory_space<vmem>>, vector<512x256xf32>
    %get3A_103 = arith.constant 0 : index
    %get3A_104 = arith.constant 0 : index
    %get3A_105 = vector.load %arg4[%get3A_103, %get3A_104] : memref<512x256xf32, #tpu.memory_space<vmem>>, vector<512x256xf32>
    %mul3A_106 = arith.mulf %get3A_102, %get3A_105 : vector<512x256xf32>
    %reduce_sum3A_107 = arith.constant dense<0.000000e+00> : vector<512xf32>
    %reduce_sum3A_108 = vector.multi_reduction <add>, %mul3A_106, %reduce_sum3A_107 [1] : vector<512x256xf32> to vector<512xf32>
    %broadcast_in_dim3A_109 = vector.shape_cast %reduce_sum3A_108 : vector<512xf32> to vector<512x1xf32>
    %get3A_110 = arith.constant 0 : index
    %get3A_111 = memref.load %arg17[%get3A_110] : memref<7xf32, #tpu.memory_space<smem>>
    %get3A_112 = arith.constant 1 : index
    %get3A_113 = memref.load %arg17[%get3A_112] : memref<7xf32, #tpu.memory_space<smem>>
    %get3A_114 = arith.constant 2 : index
    %get3A_115 = memref.load %arg17[%get3A_114] : memref<7xf32, #tpu.memory_space<smem>>
    %get3A_116 = arith.constant 3 : index
    %get3A_117 = memref.load %arg17[%get3A_116] : memref<7xf32, #tpu.memory_space<smem>>
    %get3A_118 = arith.constant 4 : index
    %get3A_119 = memref.load %arg17[%get3A_118] : memref<7xf32, #tpu.memory_space<smem>>
    %get3A_120 = arith.constant 5 : index
    %get3A_121 = memref.load %arg17[%get3A_120] : memref<7xf32, #tpu.memory_space<smem>>
    %get3A_122 = arith.constant 6 : index
    %get3A_123 = memref.load %arg17[%get3A_122] : memref<7xf32, #tpu.memory_space<smem>>
    %get3A_124 = arith.constant 0 : index
    %get3A_125 = arith.constant 0 : index
    %get3A_126 = vector.load %arg15[%get3A_124, %get3A_125] : memref<256x1xf32, #tpu.memory_space<vmem>>, vector<256x1xf32>
    %dot_general3A_127 = arith.constant dense<0.000000e+00> : vector<512x1xf32>
    %dot_general3A_128 = tpu.matmul %max3A_99, %get3A_126, %dot_general3A_127 {dimension_numbers = #tpu.dot_dimension_numbers<[1], [0], [0], [1], [0, 0, 1, 1], [], []>, transpose_lhs_hint = false} : vector<512x256xf32>, vector<256x1xf32>, vector<512x1xf32> -> vector<512x1xf32>
    %add3A_129 = vector.broadcast %get3A_119 : f32 to vector<512x1xf32>
    %add3A_130 = arith.addf %dot_general3A_128, %add3A_129 : vector<512x1xf32>
    %mul3A_131 = vector.broadcast %get3A_111 : f32 to vector<512x1xf32>
    %mul3A_132 = arith.mulf %mul3A_131, %broadcast_in_dim3A_109 : vector<512x1xf32>
    %add3A_133 = vector.broadcast %get3A_113 : f32 to vector<512x1xf32>
    %add3A_134 = arith.addf %mul3A_132, %add3A_133 : vector<512x1xf32>
    %get3A_135 = arith.constant 0 : index
    %get3A_136 = arith.constant 0 : index
    %get3A_137 = vector.load %arg5[%get3A_135, %get3A_136] : memref<512x1xf32, #tpu.memory_space<vmem>>, vector<512x1xf32>
    %mul3A_138 = vector.broadcast %get3A_115 : f32 to vector<512x1xf32>
    %mul3A_139 = arith.mulf %mul3A_138, %get3A_137 : vector<512x1xf32>
    %add3A_140 = vector.broadcast %get3A_117 : f32 to vector<512x1xf32>
    %add3A_141 = arith.addf %mul3A_139, %add3A_140 : vector<512x1xf32>
    %concatenate3A = tpu.concatenate %add3A_130, %add3A_134, %add3A_141 in 1 : vector<512x1xf32>, vector<512x1xf32>, vector<512x1xf32> -> vector<512x3xf32>
    %swap3A = arith.constant 0 : index
    %swap3A_142 = arith.constant 0 : index
    %swap3A_143 = vector.load %arg18[%swap3A, %swap3A_142] : memref<512x3xf32, #tpu.memory_space<vmem>>, vector<512x3xf32>
    tpu.vector_store %arg18[%swap3A, %swap3A_142], %concatenate3A {strides = array<i32>} : memref<512x3xf32, #tpu.memory_space<vmem>>, vector<512x3xf32>,
    %get3A_144 = arith.constant 0 : index
    %get3A_145 = arith.constant 0 : index
    %get3A_146 = vector.load %arg16[%get3A_144, %get3A_145] : memref<256x1xf32, #tpu.memory_space<vmem>>, vector<256x1xf32>
    %dot_general3A_147 = arith.constant dense<0.000000e+00> : vector<512x1xf32>
    %dot_general3A_148 = tpu.matmul %max3A_99, %get3A_146, %dot_general3A_147 {dimension_numbers = #tpu.dot_dimension_numbers<[1], [0], [0], [1], [0, 0, 1, 1], [], []>, transpose_lhs_hint = false} : vector<512x256xf32>, vector<256x1xf32>, vector<512x1xf32> -> vector<512x1xf32>
    %mul3A_149 = vector.broadcast %get3A_123 : f32 to vector<512x1xf32>
    %mul3A_150 = arith.mulf %broadcast_in_dim3A_109, %mul3A_149 : vector<512x1xf32>
    %add3A_151 = arith.addf %dot_general3A_148, %mul3A_150 : vector<512x1xf32>
    %add3A_152 = vector.broadcast %get3A_121 : f32 to vector<512x1xf32>
    %add3A_153 = arith.addf %add3A_151, %add3A_152 : vector<512x1xf32>
    %max3A_154 = arith.constant 0.000000e+00 : f32
    %max3A_155 = vector.broadcast %max3A_154 : f32 to vector<512x1xf32>
    %max3A_156 = arith.maximumf %add3A_153, %max3A_155 : vector<512x1xf32>
    %swap3A_157 = arith.constant 0 : index
    %swap3A_158 = arith.constant 0 : index
    %swap3A_159 = vector.load %arg19[%swap3A_157, %swap3A_158] : memref<512x1xf32, #tpu.memory_space<vmem>>, vector<512x1xf32>
    tpu.vector_store %arg19[%swap3A_157, %swap3A_158], %max3A_156 {strides = array<i32>} : memref<512x1xf32, #tpu.memory_space<vmem>>, vector<512x1xf32>,
    return
  }
  func.func @transform_0(%arg0: i32) -> (i32, i32) {
    %c0_i32 = arith.constant 0 : i32
    %c0_i32_0 = arith.constant 0 : i32
    return %arg0, %c0_i32 : i32, i32
  }
  func.func @transform_1(%arg0: i32) -> (i32, i32) {
    %c0_i32 = arith.constant 0 : i32
    %c0_i32_0 = arith.constant 0 : i32
    return %arg0, %c0_i32 : i32, i32
  }
  func.func @transform_2(%arg0: i32) -> (i32, i32) {
    %c0_i32 = arith.constant 0 : i32
    %c0_i32_0 = arith.constant 0 : i32
    return %arg0, %c0_i32 : i32, i32
  }
  func.func @transform_3(%arg0: i32) -> (i32, i32) {
    %c0_i32 = arith.constant 0 : i32
    %c0_i32_0 = arith.constant 0 : i32
    return %arg0, %c0_i32 : i32, i32
  }
  func.func @transform_4(%arg0: i32) -> (i32, i32) {
    %c0_i32 = arith.constant 0 : i32
    %c0_i32_0 = arith.constant 0 : i32
    return %arg0, %c0_i32 : i32, i32
  }
  func.func @transform_5(%arg0: i32) -> (i32, i32) {
    %c0_i32 = arith.constant 0 : i32
    %c0_i32_0 = arith.constant 0 : i32
    %c0_i32_1 = arith.constant 0 : i32
    return %c0_i32, %c0_i32_0 : i32, i32
  }
  func.func @transform_6(%arg0: i32) -> (i32, i32) {
    %c0_i32 = arith.constant 0 : i32
    %c0_i32_0 = arith.constant 0 : i32
    %c0_i32_1 = arith.constant 0 : i32
    return %c0_i32, %c0_i32_0 : i32, i32
  }
  func.func @transform_7(%arg0: i32) -> (i32, i32) {
    %c0_i32 = arith.constant 0 : i32
    %c0_i32_0 = arith.constant 0 : i32
    %c0_i32_1 = arith.constant 0 : i32
    return %c0_i32, %c0_i32_0 : i32, i32
  }
  func.func @transform_8(%arg0: i32) -> (i32, i32) {
    %c0_i32 = arith.constant 0 : i32
    %c0_i32_0 = arith.constant 0 : i32
    %c0_i32_1 = arith.constant 0 : i32
    return %c0_i32, %c0_i32_0 : i32, i32
  }
  func.func @transform_9(%arg0: i32) -> (i32, i32) {
    %c0_i32 = arith.constant 0 : i32
    %c0_i32_0 = arith.constant 0 : i32
    %c0_i32_1 = arith.constant 0 : i32
    return %c0_i32, %c0_i32_0 : i32, i32
  }
  func.func @transform_10(%arg0: i32) -> (i32, i32) {
    %c0_i32 = arith.constant 0 : i32
    %c0_i32_0 = arith.constant 0 : i32
    %c0_i32_1 = arith.constant 0 : i32
    return %c0_i32, %c0_i32_0 : i32, i32
  }
  func.func @transform_11(%arg0: i32) -> (i32, i32) {
    %c0_i32 = arith.constant 0 : i32
    %c0_i32_0 = arith.constant 0 : i32
    %c0_i32_1 = arith.constant 0 : i32
    return %c0_i32, %c0_i32_0 : i32, i32
  }
  func.func @transform_12(%arg0: i32) -> (i32, i32) {
    %c0_i32 = arith.constant 0 : i32
    %c0_i32_0 = arith.constant 0 : i32
    %c0_i32_1 = arith.constant 0 : i32
    return %c0_i32, %c0_i32_0 : i32, i32
  }
  func.func @transform_13(%arg0: i32) -> (i32, i32) {
    %c0_i32 = arith.constant 0 : i32
    %c0_i32_0 = arith.constant 0 : i32
    %c0_i32_1 = arith.constant 0 : i32
    return %c0_i32, %c0_i32_0 : i32, i32
  }
  func.func @transform_14(%arg0: i32) -> (i32, i32) {
    %c0_i32 = arith.constant 0 : i32
    %c0_i32_0 = arith.constant 0 : i32
    %c0_i32_1 = arith.constant 0 : i32
    return %c0_i32, %c0_i32_0 : i32, i32
  }
  func.func @transform_15(%arg0: i32) -> (i32, i32) {
    %c0_i32 = arith.constant 0 : i32
    %c0_i32_0 = arith.constant 0 : i32
    %c0_i32_1 = arith.constant 0 : i32
    return %c0_i32, %c0_i32_0 : i32, i32
  }
  func.func @transform_16(%arg0: i32) -> i32 {
    %c0_i32 = arith.constant 0 : i32
    %c0_i32_0 = arith.constant 0 : i32
    return %c0_i32 : i32
  }
  func.func @transform_17(%arg0: i32) -> (i32, i32) {
    %c0_i32 = arith.constant 0 : i32
    %c0_i32_0 = arith.constant 0 : i32
    return %arg0, %c0_i32 : i32, i32
  }
  func.func @transform_18(%arg0: i32) -> (i32, i32) {
    %c0_i32 = arith.constant 0 : i32
    %c0_i32_0 = arith.constant 0 : i32
    return %arg0, %c0_i32 : i32, i32
  }
}

</mosaic_0001>

<sc_bundles>
// kernel: kernel.10.cloned.1.call-start
scs
__scs_entry_jumppad:
0x0: {  	(pc) =	sbr.rel $0x88, $3  }
0x1: {  	(tag) =	ssettag $0x0;
	lr =	simm.s32 $0x1  }
0x2: {  	[smem:$0x3F8E] =	sst lr;
	_ =	strace $0xD0000000  }
0x3: {  	_ = 	snop  }
0x4: {  	_ = 	snop  }
0x5: {  	_ = 	snop  }
0x6: {  	_ = 	snop  }
0x7: {  	_ = 	snop  }
__scs_overlays_trampoline_lowered:
0x8: {  	[smem:$0x3F9D] =	sst s0  }
0x9: {  	[smem:$0x3F9E] =	sst s1  }
0xa: {  	[smem:$0x3F9F] =	sst s2  }
0xb: {  	[smem:$0x3FA0] =	sst s3  }
0xc: {  	[smem:$0x3FA1] =	sst s4  }
0xd: {  	[smem:$0x3FA2] =	sst s5  }
0xe: {  	[smem:$0x3FA3] =	sst s6  }
0xf: {  	[smem:$0x3FA4] =	sst s7  }
0x10: {  	[smem:$0x3FA5] =	sst s8  }
0x11: {  	[smem:$0x3FA6] =	sst s9;
	s0 =	simm.s32 @!p0 $0x0  }
0x12: {  	s1 =	sld [smem:$0x3F8C];
	s0 =	simm.s32 @p0 $0x1  }
0x13: {  	[smem:$0x3FA7] =	sst s0;
	s0 =	simm.s32 @!p1 $0x0  }
0x14: {  	s2 =	sld [smem:$0x3F8B];
	s0 =	simm.s32 @p1 $0x1  }
0x15: {  	[smem:$0x3FA8] =	sst s0;
	s0 =	simm.s32 @!p2 $0x0  }
0x16: {  	s3 =	sld [smem:$0x3FDB];
	s0 =	simm.s32 @p2 $0x1  }
0x17: {  	s4 =	simm.s32 $0x1BF5;
	[smem:$0x3FAA] =	sst s0  }
0x18: {  	s0 =	sld [smem:$0x3F8D];
	_ =	swait.ge [sflag:s4], $0x0  }
0x19: {  	s7 =	sld [smem:$0x3F8E]  }
0x1a: {  	s8 =	sadd.s32 $0xFFFFE003, lr  }
0x1b: {  	s9 =	sadd.s32 $0xFFFFFEF7, lr;
	s5 =	simm.s32 $0xFFFFFFFF;
	p2 =	slt.u32 s8, $0xFFFFF086  }
0x1c: {  	p1 =	slt.u32 s9, $0xF7A;
	s5 =	simm.s32 @!p2 $0x0  }
0x1d: {  	s5 =	simm.s32 @p1 $0x1;
	p0 =	seq.s32 s7, s2  }
0x1e: {  	s7 =	smul.u32 @!p0 $0xF7A, s2;
	p2 =	seq.s32 @!p0 s5, $0x0  }
0x1f: {  	s9 =	smul.u32 $0xF7A, s1;
	s8 =	simm.s32 @!p0 $0x1BF5;
	p2 =	por !p2, p0  }
0x20: {  	[sflag:s8] =	ssyncset.s32 @!p0 $0xFFFFF086;
	s6 =	sadd.s32 @!p0 s3, s7;
	s7 =	simm.s32 @!p0 $0x108  }
0x21: {  	s3 =	sadd.s32 s3, s9;
	s6 =	sadd.s32 @!p0 $0x88, s6;
	s7 =	simm.s32 @p2 $0x1082  }
0x22: {  	[simem:s7], [sflag:s8] =	dma.local @!p0 [hbm:s6], $0xF7A  }
0x23: {  	s9 =	sor.u32 $0xD0000000, s2;
	s6 =	simm.s32 $0x108;
	_ =	swait.ge @!p0 [sflag:s8], $0x0  }
0x24: {  	s3 =	sadd.s32 $0x88, s3;
	s6 =	simm.s32 @!p1 $0x1082;
	[sflag:s4] =	ssyncset.s32 $0xFFFFF086  }
0x25: {  	[simem:s6], [sflag:s4] =	dma.local [hbm:s3], $0xF7A  }
0x26: {  	[smem:$0x3F8E] =	sst s1;
	(tag) =	ssettag s2;
	_ =	strace s9  }
0x27: {  	s1 =	sld [smem:$0x3F9E]  }
0x28: {  	s2 =	sld [smem:$0x3F9F]  }
0x29: {  	s4 =	sld [smem:$0x3FA1]  }
0x2a: {  	p0 =	seq.s32 s5, $0x0;
	s5 =	sld [smem:$0x3FA2]  }
0x2b: {  	s6 =	sld [smem:$0x3FA3]  }
0x2c: {  	s7 =	sld [smem:$0x3FA4]  }
0x2d: {  	s3 =	simm.s32 $0x108;
	s8 =	sld [smem:$0x3FA5]  }
0x2e: {  	s3 =	simm.s32 @!p0 $0x1082;
	s9 =	sld [smem:$0x3FA6]  }
0x2f: {  	lr =	sadd.s32 s0, s3;
	s0 =	sld [smem:$0x3F9D]  }
0x30: {  	s3 =	sld [smem:$0x3FA0]  }
0x31: {  	[smem:$0x3FA9] =	sst s10  }
0x32: {  	s10 =	sld [smem:$0x3FA7];
	_ =	sdelay $0x3  }
0x33: {  	p0 =	seq.s32 s10, $0x1;
	s10 =	sld [smem:$0x3FA9];
	_ =	sdelay $0x3  }
0x34: {  	[smem:$0x3FA9] =	sst s10  }
0x35: {  	s10 =	sld [smem:$0x3FA8];
	_ =	sdelay $0x3  }
0x36: {  	p1 =	seq.s32 s10, $0x1;
	s10 =	sld [smem:$0x3FA9];
	_ =	sdelay $0x3  }
0x37: {  	[smem:$0x3FA9] =	sst s10  }
0x38: {  	s10 =	sld [smem:$0x3FAA]  }
0x39: {  	_ = 	snop;
	(pc) =	sbr.ind lr, $3  }
0x3a: {  	_ = 	snop  }
0x3b: {  	_ = 	snop  }
0x3c: {  	p2 =	seq.s32 s10, $0x1;
	s10 =	sld [smem:$0x3FA9]  }
0x3d: {  	_ =	shalt  }
0x3e: {  	_ =	shalt  }
0x3f: {  	_ =	shalt  }
0x40: {  	_ =	shalt  }
0x41: {  	_ =	shalt  }
0x42: {  	_ =	shalt  }
0x43: {  	_ =	shalt  }
0x44: {  	_ =	shalt  }
0x45: {  	_ =	shalt  }
0x46: {  	_ =	shalt  }
0x47: {  	_ =	shalt  }
0x48: {  	_ =	shalt  }
0x49: {  	_ =	shalt  }
0x4a: {  	_ =	shalt  }
0x4b: {  	_ =	shalt  }
0x4c: {  	_ =	shalt  }
0x4d: {  	_ =	shalt  }
0x4e: {  	_ =	shalt  }
0x4f: {  	_ =	shalt  }
0x50: {  	_ =	shalt  }
0x51: {  	_ =	shalt  }
0x52: {  	_ =	shalt  }
0x53: {  	_ =	shalt  }
0x54: {  	_ =	shalt  }
0x55: {  	_ =	shalt  }
0x56: {  	_ =	shalt  }
0x57: {  	_ =	shalt  }
0x58: {  	_ =	shalt  }
0x59: {  	_ =	shalt  }
0x5a: {  	_ =	shalt  }
0x5b: {  	_ =	shalt  }
0x5c: {  	_ =	shalt  }
0x5d: {  	_ =	shalt  }
0x5e: {  	_ =	shalt  }
0x5f: {  	_ =	shalt  }
0x60: {  	_ =	shalt  }
0x61: {  	_ =	shalt  }
0x62: {  	_ =	shalt  }
0x63: {  	_ =	shalt  }
0x64: {  	_ =	shalt  }
0x65: {  	_ =	shalt  }
0x66: {  	_ =	shalt  }
0x67: {  	_ =	shalt  }
0x68: {  	_ =	shalt  }
0x69: {  	_ =	shalt  }
0x6a: {  	_ =	shalt  }
0x6b: {  	_ =	shalt  }
0x6c: {  	_ =	shalt  }
0x6d: {  	_ =	shalt  }
0x6e: {  	_ =	shalt  }
0x6f: {  	_ =	shalt  }
0x70: {  	_ =	shalt  }
0x71: {  	_ =	shalt  }
0x72: {  	_ =	shalt  }
0x73: {  	_ =	shalt  }
0x74: {  	_ =	shalt  }
0x75: {  	_ =	shalt  }
0x76: {  	_ =	shalt  }
0x77: {  	_ =	shalt  }
0x78: {  	_ =	shalt  }
0x79: {  	_ =	shalt  }
0x7a: {  	_ =	shalt  }
0x7b: {  	_ =	shalt  }
0x7c: {  	_ =	shalt  }
0x7d: {  	_ =	shalt  }
0x7e: {  	_ =	shalt  }
0x7f: {  	_ =	shalt  }
0x80: {  	_ =	shalt  }
0x81: {  	_ =	shalt  }
0x82: {  	_ =	shalt  }
0x83: {  	_ =	shalt  }
0x84: {  	_ =	shalt  }
0x85: {  	_ =	shalt  }
0x86: {  	_ =	shalt  }
0x87: {  	_ =	shalt  }
.Lfunc_end0:
.L_simem_size_0:
called_computation.1_lowered:
.L_overlay_start_0:
0x88: {  	s2 =	sld [smem:$0x3FD9]  }
0x89: {  	s3 =	sld [smem:$0x3FFE];
	_ =	sdelay $0x1  }
0x8a: {  	s1 =	srdreg.scid  }
0x8b: {  	s0 =	sand.u32 $0x1, s1  }
0x8c: {  	s14 =	sshll.u32 s0, $0xA;
	s2 =	sadd.s32 s3, s2  }
0x8d: {  	s2 =	sadd.s32 s2, s14  }
0x8e: {  	[smem:$0x3FB5] =	sst s2  }
0x8f: {  	_ = 	snop  }
0x90: {  	s2 =	sld [smem:$0x3FD0];
	_ =	sdelay $0x2  }
0x91: {  	s15 =	simm.s32 $0xB;
	s4 =	simm.s32 $0x10  }
0x92: {  	[smem:s4], [sflag:s15] =	dma.local [hbm:s2], $0x1  }
0x93: {  	_ =	swait.eq [sflag:s15], $0x1  }
0x94: {  	[sflag:s15] =	ssyncset.done $0x0  }
0x95: {  	s16 =	sld [smem:$0x10];
	[sflag:s15] =	ssyncadd.s32 $0xFFFFFFFF  }
0x96: {  	s17 =	sld [smem:$0x11];
	(tm) =	ssettm $0x1  }
0x97: {  	s18 =	sld [smem:$0x3FFB];
	_ =	sdelay $0x3  }
0x98: {  	_ =	strace s18  }
0x99: {  	s4 =	sld [smem:$0x3FFC];
	_ =	sdelay $0x3  }
0x9a: {  	_ =	strace s4  }
0x9b: {  	s4 =	sld [smem:$0x3FFD];
	_ =	sdelay $0x3  }
0x9c: {  	_ =	strace s4  }
0x9d: {  	_ =	strace $0x8FFFFFFF  }
0x9e: {  	s19 =	sld [smem:$0x3FDB];
	_ =	sdelay $0x1  }
0x9f: {  	s5 =	simm.s32 $_scs_section_size  }
0xa0: {  	s6 =	simm.s32 $_size__tile_overlayer_lowered;
	s7 =	simm.s32 $_tile_overlayer_lowered  }
0xa1: {  	s22 =	simm.s32 $0x1BFF;
	s21 =	sshll.u32 s7, $0x1;
	s4 =	sadd.s32 s5, s19  }
0xa2: {  	s8 =	simm.s32 $0x0;
	s20 =	sshll.u32 s6, $0x1;
	s6 =	sadd.s32 s21, s4  }
0xa3: {  	[timem:s8], [sflag:s22] =	dma.local [hbm:s6], s20  }
0xa4: {  	_ =	swait.ge [sflag:s22], s20  }
0xa5: {  	s5 =	ssub.s32 $0x0, s20;
	[sflag:s22] =	ssyncset.done $0x0  }
0xa6: {  	[sflag:s22] =	ssyncadd.s32 s5;
	_ =	sdelay $0x1  }
0xa7: {  	s23 =	simm.s32 $0x1B8B  }
0xa8: {  	_ =	swait.ge [sflag:s23], $0x1  }
0xa9: {  	[sflag:s23] =	ssyncset.done $0x0  }
0xaa: {  	s25 =	simm.s32 $0x1B8E;
	s24 =	sld [smem:$0x3FFE];
	[sflag:s23] =	ssyncadd.s32 $0xFFFFFFFF  }
0xab: {  	s26 =	simm.s32 $execute0_lowered;
	[smem:$0x3FD2] =	sst s25  }
0xac: {  	s6 =	sshll.u32 s26, $0x1;
	_ =	strace $0x80000046;
	[dreg:$0x1] =	wrdreg $0xFFFFFFFF  }
0xad: {  	s28 =	simm.s32 $_size_execute0_lowered;
	s4 =	sadd.s32 s4, s6;
	[dreg:$0x0] =	wrdreg $0x0  }
0xae: {  	s6 =	sshll.u32 s28, $0x1;
	[dreg:$0x2] =	wrdreg s4  }
0xaf: {  	[dreg:$0x3] =	wrdreg s6  }
0xb0: {  	[dreg:$0x4] =	wrdreg $0xC0  }
0xb1: {  	_ =	task [dreg:s8], $0x5FFFF  }
0xb2: {  	[dreg:$0x1] =	wrdreg $0xFFFFFFFF  }
0xb3: {  	[dreg:$0x0] =	wrdreg $0x60  }
0xb4: {  	[dreg:$0x2] =	wrdreg s17  }
0xb5: {  	[dreg:$0x3] =	wrdreg s16  }
0xb6: {  	[dreg:$0x4] =	wrdreg s24  }
0xb7: {  	[dreg:$0x5] =	wrdreg $0x9  }
0xb8: {  	_ =	task.clear_ibuf [dreg:s8], $0x6FFFF;
	_ =	strace $0x90000046  }
0xb9: {  	s29 =	simm.s32 $0x9;
	_ =	strace $0x80000048  }
0xba: {  	_ =	swait.ge [sflag:s29], $0x1  }
0xbb: {  	[sflag:s29] =	ssyncadd.s32 $0xFFFFFFFF  }
0xbc: {  	_ =	strace $0x90000048  }
0xbd: {  	_ =	sfence  }
0xbe: {  	s30 =	sld [smem:$0x0];
	_ =	sdelay $0x2  }
0xbf: {  	s31 =	sshll.u32 s1, $0xD;
	s1 =	sshrl.u32 s1, $0x2  }
0xc0: {  	s3 =	sand.u32 $0x4000, s31;
	s1 =	sadd.s32 s1, s30  }
0xc1: {  	s0 =	sor.u32 s3, s0;
	s1 =	sshll.u32 s1, $0x11  }
0xc2: {  	s0 =	sor.u32 s1, s0  }
0xc3: {  	s0 =	sadd.s32 $0x8F2B, s0  }
0xc4: {  	[sflag:s0] =	ssyncadd.remote.s32 $0x1  }
0xc5: {  	_ =	sfence.sel $0xFFFF  }
0xc6: {  	[dreg:$0x0] =	wrdreg $0xFFFFFFFF;
	(pc) =	sbr.abs _section_cstart, $3  }
0xc7: {  	[dreg:$0x1] =	wrdreg $0xFFFFFFFF  }
0xc8: {  	_ =	task.clear_ibuf [dreg:s8], $0x2FFFF;
	_ =	strace $0x9FFFFFFF  }
0xc9: {  	(tm) =	ssettm $0x7FFFFFFF  }
tec
execute0_lowered:
.L_overlay_start_1:
0x0: {  	(tag) =	ssettag $0x1  }
0x1: {  	s1 =	rddreg [dreg:$0x0]  }
0x2: {  	s2 =	rddreg [dreg:$0x1]  }
0x3: {  	s7 =	rddreg [dreg:$0x2]  }
0x4: {  	s0 =	rddreg [dreg:$0x3];
	s3 =	simm.s32 $0x0  }
0x5: {  	s4 =	srdreg.scid;
	s12 =	simm.s32 $0x4E20;
	s13 =	simm.s32 $0x5020  }
0x6: {  	s14 =	simm.s32 $0x5220;
	s15 =	simm.s32 $0x0;
	[smem:$0x7FF] =	sst s3  }
0x7: {  	s8 =	sand.u32 $0x1, s4;
	s4 =	stileid.u32;
	s5 =	sadd.s32 $0x1400, s7  }
0x8: {  	s6 =	sadd.s32 $0x10400, s7;
	s7 =	sadd.s32 $0xB400, s7;
	s9 =	ssub.s32 $0x2, s8  }
0x9: {  	_ =	strace $0x80000047;
	s11 =	sshll.u32 s4, $0x1;
	s10 =	sshrl.u32 s9, $0x1  }
0xa: {  	s8 =	sor.u32 s8, s11;
	s11 =	simm.s32 $0x2710;
	s9 =	ssub.s32 s9, s10  }
0xb: {  	s8 =	smul.u32 $0x1400, s8;
	s10 =	simm.s32 $0x1;
	s9 =	smax.u32 s9, $0x1  }
.LBB2_1:
0xc: {  	[tilespmem:s3], [sflag:$0x1] =	stream.linear.gather [hbm4b:s1+s3], $0x2710, $0x38;
	[tilespmem:$0x5420] =	vst v63  }
0xd: {  	_ =	swait.ge [sflag:s10], $0x2710  }
0xe: {  	[sflag:s10] =	ssyncset.done $0x0  }
0xf: {  	[sflag:s10] =	ssyncadd.s32 $0xFFFFD8F0  }
0x10: {  	[tilespmem:s11], [sflag:$0x1] =	stream.linear.gather [hbm4b:s2+s3], $0x2710, $0x38;
	[tilespmem:$0x5420] =	vst v63  }
0x11: {  	_ =	swait.ge [sflag:s10], $0x2710  }
0x12: {  	[sflag:s10] =	ssyncset.done $0x0  }
0x13: {  	s16 =	simm.s32 $0x0;
	[sflag:s10] =	ssyncadd.s32 $0xFFFFD8F0  }
.LBB2_2:
0x14: {  	s17 =	sshll.u32 s16, $0x9  }
0x15: {  	s17 =	sadd.s32 s8, s17  }
0x16: {  	s17 =	sshrl.u32 s17, $0x3  }
0x17: {  	s19 =	simm.s32 $0x0;
	s18 =	sadd.s32 s5, s17  }
0x18: {  	[tilespmem:s12], [sflag:$0x1] =	stream.linear.gather [hbm4b:s18+s19], $0x200, $0x38;
	[tilespmem:$0x5420] =	vst v63  }
0x19: {  	_ =	swait.ge [sflag:s10], $0x200  }
0x1a: {  	[sflag:s10] =	ssyncset.done $0x0  }
0x1b: {  	s18 =	simm.s32 $0x0;
	[sflag:s10] =	ssyncadd.s32 $0xFFFFFE00  }
0x1c: {  	v0 =	vld [tilespmem:s18+$0x4E20];
	_ =	sdelay $0x7  }
0x1d: {  	v1 =	vld.idx.msk [tilespmem:v0+s3+$0x0], $0xffff;
	_ =	sdelay $0x3  }
0x1e: {  	s20 =	simm.s32 $0x80;
	s19 =	simm.s32 $0x10  }
.LBB2_3:
0x1f: {  	p0 =	sne.s32 s20, $0x7C0;
	v2 =	vld [tilespmem:s19+$0x4E20];
	[tilespmem:s18+$0x5020] =	vst v1  }
0x20: {  	v1 =	vld.idx.msk [tilespmem:v0+s11+$0x0], $0xffff;
	_ =	sdelay $0x3  }
0x21: {  	v0 =	vmov v2;
	_ =	sdelay $0x1  }
0x22: {  	[tilespmem:s18+$0x5220] =	vst v1;
	s18 =	smov.u32 s19  }
0x23: {  	v1 =	vld.idx.msk [tilespmem:v2+s3+$0x0], $0xffff  }
.Ltmp0:
0x24: {  	(pc) =	sbr.rel @p0 .LBB2_3-.Ltmp0, $2  }
0x25: {  	_ =	sdelay $0x2  }
0x26: {  	s19 =	sshra.s32 s20, $0x2;
	s20 =	sadd.s32 $0x40, s20  }
0x27: {  	_ =	sdelay $0x1  }
0x28: {  	v2 =	vld [tilespmem:s19+$0x4E20]  }
0x29: {  	[tilespmem:s18+$0x5020] =	vst v1  }
0x2a: {  	v0 =	vld.idx.msk [tilespmem:v0+s11+$0x0], $0xffff;
	_ =	sdelay $0x4  }
0x2b: {  	[tilespmem:s18+$0x5220] =	vst v0  }
0x2c: {  	v0 =	vld.idx.msk [tilespmem:v2+s3+$0x0], $0xffff;
	_ =	sdelay $0x4  }
0x2d: {  	[tilespmem:s19+$0x5020] =	vst v0  }
0x2e: {  	v0 =	vld.idx.msk [tilespmem:v2+s11+$0x0], $0xffff;
	_ =	sdelay $0x4  }
0x2f: {  	s30 =	sadd.s32 s6, s17;
	[tilespmem:s19+$0x5220] =	vst v0  }
0x30: {  	[hbm4b:s30+s3] =	stream.linear.scatter [tilespmem:s13], [sflag:$0x1], $0x200, $0x38;
	[tilespmem:$0x5420] =	vst v63  }
0x31: {  	s16 =	sadd.s32 $0x1, s16;
	_ =	swait.ge [sflag:s10], $0x200  }
0x32: {  	p0 =	sne.s32 s16, $0xA;
	[sflag:s10] =	ssyncset.done $0x0  }
.Ltmp1:
0x33: {  	s31 =	sadd.s32 s7, s17;
	[sflag:s10] =	ssyncadd.s32 $0xFFFFFE00;
	(pc) =	sbr.rel @p0 .LBB2_2-.Ltmp1, $4  }
0x34: {  	[hbm4b:s31+s3] =	stream.linear.scatter [tilespmem:s14], [sflag:$0x1], $0x200, $0x38;
	[tilespmem:$0x5420] =	vst v63  }
0x35: {  	_ =	swait.ge [sflag:s10], $0x200  }
0x36: {  	[sflag:s10] =	ssyncset.done $0x0  }
0x37: {  	[sflag:s10] =	ssyncadd.s32 $0xFFFFFE00  }
0x38: {  	s15 =	sadd.s32 $0x1, s15  }
0x39: {  	p0 =	sne.s32 s15, s9  }
.Ltmp2:
0x3a: {  	_ = 	snop;
	(pc) =	sbr.rel @p0 .LBB2_1-.Ltmp2, $1  }
0x3b: {  	_ =	sdelay $0x3  }
0x3c: {  	_ =	sfence.sel $0x180000  }
0x3d: {  	[bflag:$0x0] =	sbarrier.arrive $0xFFFF  }
0x3e: {  	p0 =	sne.s32 s4, $0x0;
	_ =	strace $0x90000047  }
0x3f: {  	s0 =	sadd.s32 @!p0 $0x100000, s0;
	[bflag:$0x2] =	sbarrier.arrive $0xFFFF  }
0x40: {  	[sflag:s0] =	ssyncadd.tile.s32 @!p0 $0x1;
	_ =	shalt  }
.Lfunc_end2:
_tile_overlayer_lowered:
.L_overlay_start_2:
0x41: {  	(tag) =	ssettag $0x2  }
0x42: {  	s0 =	rddreg [dreg:$0x0];
	s2 =	stileid.u32  }
0x43: {  	s1 =	rddreg [dreg:$0x1];
	p0 =	sne.s32 s2, $0x0  }
0x44: {  	s3 =	rddreg [dreg:$0x2];
	[bflag:$0x3] =	sbarrier.arrive $0xFFFF;
	s2 =	simm.s32 @!p0 $0x1C01  }
0x45: {  	[timem:s3], [sflag:s2] =	dma.local @!p0 [hbm:s0], s1  }
0x46: {  	s0 =	simm.s32 @!p0 $0x1  }
0x47: {  	_ =	swait.ge @!p0 [sflag:s0], s1  }
0x48: {  	s1 =	ssub.s32 @!p0 $0x0, s1;
	[sflag:s0] =	ssyncset.done @!p0 $0x0  }
0x49: {  	[sflag:s0] =	ssyncadd.s32 @!p0 s1  }
0x4a: {  	[bflag:$0x3] =	sbarrier.arrive $0xFFFF  }
0x4b: {  	_ =	shalt  }

// kernel: kernel.13.cloned.1.call-start
scs
__scs_entry_jumppad:
0x0: {  	(pc) =	sbr.rel $0x88, $3  }
0x1: {  	(tag) =	ssettag $0x0;
	lr =	simm.s32 $0x1  }
0x2: {  	[smem:$0x3F8E] =	sst lr;
	_ =	strace $0xD0000000  }
0x3: {  	_ = 	snop  }
0x4: {  	_ = 	snop  }
0x5: {  	_ = 	snop  }
0x6: {  	_ = 	snop  }
0x7: {  	_ = 	snop  }
__scs_overlays_trampoline_lowered:
0x8: {  	[smem:$0x3F9D] =	sst s0  }
0x9: {  	[smem:$0x3F9E] =	sst s1  }
0xa: {  	[smem:$0x3F9F] =	sst s2  }
0xb: {  	[smem:$0x3FA0] =	sst s3  }
0xc: {  	[smem:$0x3FA1] =	sst s4  }
0xd: {  	[smem:$0x3FA2] =	sst s5  }
0xe: {  	[smem:$0x3FA3] =	sst s6  }
0xf: {  	[smem:$0x3FA4] =	sst s7  }
0x10: {  	[smem:$0x3FA5] =	sst s8  }
0x11: {  	[smem:$0x3FA6] =	sst s9;
	s0 =	simm.s32 @!p0 $0x0  }
0x12: {  	s1 =	sld [smem:$0x3F8C];
	s0 =	simm.s32 @p0 $0x1  }
0x13: {  	[smem:$0x3FA7] =	sst s0;
	s0 =	simm.s32 @!p1 $0x0  }
0x14: {  	s2 =	sld [smem:$0x3F8B];
	s0 =	simm.s32 @p1 $0x1  }
0x15: {  	[smem:$0x3FA8] =	sst s0;
	s0 =	simm.s32 @!p2 $0x0  }
0x16: {  	s3 =	sld [smem:$0x3FDB];
	s0 =	simm.s32 @p2 $0x1  }
0x17: {  	s4 =	simm.s32 $0x1BF5;
	[smem:$0x3FAA] =	sst s0  }
0x18: {  	s0 =	sld [smem:$0x3F8D];
	_ =	swait.ge [sflag:s4], $0x0  }
0x19: {  	s7 =	sld [smem:$0x3F8E]  }
0x1a: {  	s8 =	sadd.s32 $0xFFFFE003, lr  }
0x1b: {  	s9 =	sadd.s32 $0xFFFFFEF7, lr;
	s5 =	simm.s32 $0xFFFFFFFF;
	p2 =	slt.u32 s8, $0xFFFFF086  }
0x1c: {  	p1 =	slt.u32 s9, $0xF7A;
	s5 =	simm.s32 @!p2 $0x0  }
0x1d: {  	s5 =	simm.s32 @p1 $0x1;
	p0 =	seq.s32 s7, s2  }
0x1e: {  	s7 =	smul.u32 @!p0 $0xF7A, s2;
	p2 =	seq.s32 @!p0 s5, $0x0  }
0x1f: {  	s9 =	smul.u32 $0xF7A, s1;
	s8 =	simm.s32 @!p0 $0x1BF5;
	p2 =	por !p2, p0  }
0x20: {  	[sflag:s8] =	ssyncset.s32 @!p0 $0xFFFFF086;
	s6 =	sadd.s32 @!p0 s3, s7;
	s7 =	simm.s32 @!p0 $0x108  }
0x21: {  	s3 =	sadd.s32 s3, s9;
	s6 =	sadd.s32 @!p0 $0x88, s6;
	s7 =	simm.s32 @p2 $0x1082  }
0x22: {  	[simem:s7], [sflag:s8] =	dma.local @!p0 [hbm:s6], $0xF7A  }
0x23: {  	s9 =	sor.u32 $0xD0000000, s2;
	s6 =	simm.s32 $0x108;
	_ =	swait.ge @!p0 [sflag:s8], $0x0  }
0x24: {  	s3 =	sadd.s32 $0x88, s3;
	s6 =	simm.s32 @!p1 $0x1082;
	[sflag:s4] =	ssyncset.s32 $0xFFFFF086  }
0x25: {  	[simem:s6], [sflag:s4] =	dma.local [hbm:s3], $0xF7A  }
0x26: {  	[smem:$0x3F8E] =	sst s1;
	(tag) =	ssettag s2;
	_ =	strace s9  }
0x27: {  	s1 =	sld [smem:$0x3F9E]  }
0x28: {  	s2 =	sld [smem:$0x3F9F]  }
0x29: {  	s4 =	sld [smem:$0x3FA1]  }
0x2a: {  	p0 =	seq.s32 s5, $0x0;
	s5 =	sld [smem:$0x3FA2]  }
0x2b: {  	s6 =	sld [smem:$0x3FA3]  }
0x2c: {  	s7 =	sld [smem:$0x3FA4]  }
0x2d: {  	s3 =	simm.s32 $0x108;
	s8 =	sld [smem:$0x3FA5]  }
0x2e: {  	s3 =	simm.s32 @!p0 $0x1082;
	s9 =	sld [smem:$0x3FA6]  }
0x2f: {  	lr =	sadd.s32 s0, s3;
	s0 =	sld [smem:$0x3F9D]  }
0x30: {  	s3 =	sld [smem:$0x3FA0]  }
0x31: {  	[smem:$0x3FA9] =	sst s10  }
0x32: {  	s10 =	sld [smem:$0x3FA7];
	_ =	sdelay $0x3  }
0x33: {  	p0 =	seq.s32 s10, $0x1;
	s10 =	sld [smem:$0x3FA9];
	_ =	sdelay $0x3  }
0x34: {  	[smem:$0x3FA9] =	sst s10  }
0x35: {  	s10 =	sld [smem:$0x3FA8];
	_ =	sdelay $0x3  }
0x36: {  	p1 =	seq.s32 s10, $0x1;
	s10 =	sld [smem:$0x3FA9];
	_ =	sdelay $0x3  }
0x37: {  	[smem:$0x3FA9] =	sst s10  }
0x38: {  	s10 =	sld [smem:$0x3FAA]  }
0x39: {  	_ = 	snop;
	(pc) =	sbr.ind lr, $3  }
0x3a: {  	_ = 	snop  }
0x3b: {  	_ = 	snop  }
0x3c: {  	p2 =	seq.s32 s10, $0x1;
	s10 =	sld [smem:$0x3FA9]  }
0x3d: {  	_ =	shalt  }
0x3e: {  	_ =	shalt  }
0x3f: {  	_ =	shalt  }
0x40: {  	_ =	shalt  }
0x41: {  	_ =	shalt  }
0x42: {  	_ =	shalt  }
0x43: {  	_ =	shalt  }
0x44: {  	_ =	shalt  }
0x45: {  	_ =	shalt  }
0x46: {  	_ =	shalt  }
0x47: {  	_ =	shalt  }
0x48: {  	_ =	shalt  }
0x49: {  	_ =	shalt  }
0x4a: {  	_ =	shalt  }
0x4b: {  	_ =	shalt  }
0x4c: {  	_ =	shalt  }
0x4d: {  	_ =	shalt  }
0x4e: {  	_ =	shalt  }
0x4f: {  	_ =	shalt  }
0x50: {  	_ =	shalt  }
0x51: {  	_ =	shalt  }
0x52: {  	_ =	shalt  }
0x53: {  	_ =	shalt  }
0x54: {  	_ =	shalt  }
0x55: {  	_ =	shalt  }
0x56: {  	_ =	shalt  }
0x57: {  	_ =	shalt  }
0x58: {  	_ =	shalt  }
0x59: {  	_ =	shalt  }
0x5a: {  	_ =	shalt  }
0x5b: {  	_ =	shalt  }
0x5c: {  	_ =	shalt  }
0x5d: {  	_ =	shalt  }
0x5e: {  	_ =	shalt  }
0x5f: {  	_ =	shalt  }
0x60: {  	_ =	shalt  }
0x61: {  	_ =	shalt  }
0x62: {  	_ =	shalt  }
0x63: {  	_ =	shalt  }
0x64: {  	_ =	shalt  }
0x65: {  	_ =	shalt  }
0x66: {  	_ =	shalt  }
0x67: {  	_ =	shalt  }
0x68: {  	_ =	shalt  }
0x69: {  	_ =	shalt  }
0x6a: {  	_ =	shalt  }
0x6b: {  	_ =	shalt  }
0x6c: {  	_ =	shalt  }
0x6d: {  	_ =	shalt  }
0x6e: {  	_ =	shalt  }
0x6f: {  	_ =	shalt  }
0x70: {  	_ =	shalt  }
0x71: {  	_ =	shalt  }
0x72: {  	_ =	shalt  }
0x73: {  	_ =	shalt  }
0x74: {  	_ =	shalt  }
0x75: {  	_ =	shalt  }
0x76: {  	_ =	shalt  }
0x77: {  	_ =	shalt  }
0x78: {  	_ =	shalt  }
0x79: {  	_ =	shalt  }
0x7a: {  	_ =	shalt  }
0x7b: {  	_ =	shalt  }
0x7c: {  	_ =	shalt  }
0x7d: {  	_ =	shalt  }
0x7e: {  	_ =	shalt  }
0x7f: {  	_ =	shalt  }
0x80: {  	_ =	shalt  }
0x81: {  	_ =	shalt  }
0x82: {  	_ =	shalt  }
0x83: {  	_ =	shalt  }
0x84: {  	_ =	shalt  }
0x85: {  	_ =	shalt  }
0x86: {  	_ =	shalt  }
0x87: {  	_ =	shalt  }
.Lfunc_end0:
.L_simem_size_0:
called_computation.2_lowered:
.L_overlay_start_0:
0x88: {  	s2 =	sld [smem:$0x3FD9]  }
0x89: {  	s3 =	sld [smem:$0x3FFE];
	_ =	sdelay $0x1  }
0x8a: {  	s1 =	srdreg.scid  }
0x8b: {  	s0 =	sand.u32 $0x1, s1  }
0x8c: {  	s14 =	sshll.u32 s0, $0xA;
	s2 =	sadd.s32 s3, s2  }
0x8d: {  	s2 =	sadd.s32 s2, s14  }
0x8e: {  	[smem:$0x3FB5] =	sst s2  }
0x8f: {  	_ = 	snop  }
0x90: {  	s2 =	sld [smem:$0x3FD0];
	_ =	sdelay $0x2  }
0x91: {  	s15 =	simm.s32 $0xB;
	s4 =	simm.s32 $0x10  }
0x92: {  	[smem:s4], [sflag:s15] =	dma.local [hbm:s2], $0x1  }
0x93: {  	_ =	swait.eq [sflag:s15], $0x1  }
0x94: {  	[sflag:s15] =	ssyncset.done $0x0  }
0x95: {  	[sflag:s15] =	ssyncadd.s32 $0xFFFFFFFF  }
0x96: {  	s16 =	sld [smem:$0x10];
	(tm) =	ssettm $0x1  }
0x97: {  	s17 =	sld [smem:$0x3FFB];
	_ =	sdelay $0x3  }
0x98: {  	_ =	strace s17  }
0x99: {  	s3 =	sld [smem:$0x3FFC];
	_ =	sdelay $0x3  }
0x9a: {  	_ =	strace s3  }
0x9b: {  	s3 =	sld [smem:$0x3FFD];
	_ =	sdelay $0x3  }
0x9c: {  	_ =	strace s3  }
0x9d: {  	_ =	strace $0x8FFFFFFF  }
0x9e: {  	s18 =	sld [smem:$0x3FDB];
	_ =	sdelay $0x1  }
0x9f: {  	s19 =	simm.s32 $_scs_section_size  }
0xa0: {  	s5 =	simm.s32 $_size__tile_overlayer_lowered;
	s6 =	simm.s32 $_tile_overlayer_lowered  }
0xa1: {  	s22 =	simm.s32 $0x1BFF;
	s21 =	sshll.u32 s6, $0x1;
	s3 =	sadd.s32 s19, s18  }
0xa2: {  	s7 =	simm.s32 $0x0;
	s20 =	sshll.u32 s5, $0x1;
	s5 =	sadd.s32 s21, s3  }
0xa3: {  	[timem:s7], [sflag:s22] =	dma.local [hbm:s5], s20  }
0xa4: {  	_ =	swait.ge [sflag:s22], s20  }
0xa5: {  	s4 =	ssub.s32 $0x0, s20;
	[sflag:s22] =	ssyncset.done $0x0  }
0xa6: {  	[sflag:s22] =	ssyncadd.s32 s4;
	_ =	sdelay $0x1  }
0xa7: {  	s23 =	simm.s32 $0x1B8B  }
0xa8: {  	_ =	swait.ge [sflag:s23], $0x1  }
0xa9: {  	[sflag:s23] =	ssyncset.done $0x0  }
0xaa: {  	s25 =	simm.s32 $0x1B8E;
	s24 =	sld [smem:$0x3FFE];
	[sflag:s23] =	ssyncadd.s32 $0xFFFFFFFF  }
0xab: {  	s26 =	simm.s32 $execute0_lowered;
	[smem:$0x3FD2] =	sst s25  }
0xac: {  	s5 =	sshll.u32 s26, $0x1;
	_ =	strace $0x8000004C;
	[dreg:$0x1] =	wrdreg $0xFFFFFFFF  }
0xad: {  	s28 =	simm.s32 $_size_execute0_lowered;
	s3 =	sadd.s32 s3, s5;
	[dreg:$0x0] =	wrdreg $0x0  }
0xae: {  	s5 =	sshll.u32 s28, $0x1;
	[dreg:$0x2] =	wrdreg s3  }
0xaf: {  	[dreg:$0x3] =	wrdreg s5  }
0xb0: {  	[dreg:$0x4] =	wrdreg $0xC0  }
0xb1: {  	_ =	task [dreg:s7], $0x5FFFF  }
0xb2: {  	[dreg:$0x1] =	wrdreg $0xFFFFFFFF  }
0xb3: {  	[dreg:$0x0] =	wrdreg $0x60  }
0xb4: {  	[dreg:$0x2] =	wrdreg s16  }
0xb5: {  	[dreg:$0x3] =	wrdreg s24  }
0xb6: {  	[dreg:$0x4] =	wrdreg $0x9  }
0xb7: {  	_ =	task.clear_ibuf [dreg:s7], $0x5FFFF;
	_ =	strace $0x9000004C  }
0xb8: {  	s29 =	simm.s32 $0x9;
	_ =	strace $0x8000004E  }
0xb9: {  	_ =	swait.ge [sflag:s29], $0x1  }
0xba: {  	[sflag:s29] =	ssyncadd.s32 $0xFFFFFFFF  }
0xbb: {  	_ =	strace $0x9000004E  }
0xbc: {  	_ =	sfence  }
0xbd: {  	s30 =	sld [smem:$0x0];
	_ =	sdelay $0x2  }
0xbe: {  	s31 =	sshll.u32 s1, $0xD;
	s1 =	sshrl.u32 s1, $0x2  }
0xbf: {  	s3 =	sand.u32 $0x4000, s31;
	s1 =	sadd.s32 s1, s30  }
0xc0: {  	s0 =	sor.u32 s3, s0;
	s1 =	sshll.u32 s1, $0x11  }
0xc1: {  	s0 =	sor.u32 s1, s0  }
0xc2: {  	s0 =	sadd.s32 $0x8F2B, s0  }
0xc3: {  	[sflag:s0] =	ssyncadd.remote.s32 $0x1  }
0xc4: {  	_ =	sfence.sel $0xFFFF  }
0xc5: {  	[dreg:$0x0] =	wrdreg $0xFFFFFFFF;
	(pc) =	sbr.abs _section_cstart, $3  }
0xc6: {  	[dreg:$0x1] =	wrdreg $0xFFFFFFFF  }
0xc7: {  	_ =	task.clear_ibuf [dreg:s7], $0x2FFFF;
	_ =	strace $0x9FFFFFFF  }
0xc8: {  	(tm) =	ssettm $0x7FFFFFFF  }
0xc9: {  	_ =	shalt  }
tec
execute0_lowered:
.L_overlay_start_1:
0x0: {  	(tag) =	ssettag $0x1  }
0x1: {  	s1 =	rddreg [dreg:$0x0]  }
0x2: {  	s8 =	rddreg [dreg:$0x1]  }
0x3: {  	s0 =	rddreg [dreg:$0x2];
	s2 =	simm.s32 $0x0  }
0x4: {  	s3 =	srdreg.scid;
	s13 =	simm.s32 $0x13880;
	s14 =	simm.s32 $0x13A80  }
0x5: {  	s15 =	simm.s32 $0x13C80;
	s16 =	simm.s32 $0x13E80;
	s17 =	simm.s32 $0x0  }
0x6: {  	[smem:$0x7FF] =	sst s2;
	s4 =	sadd.s32 $0x15400, s8;
	s5 =	sadd.s32 $0xB400, s8  }
0x7: {  	v0 =	vimm.s32 $0x7FFF;
	s9 =	sand.u32 $0x1, s3;
	s6 =	sadd.s32 $0x10400, s8;
	s3 =	stileid.u32  }
0x8: {  	s7 =	sadd.s32 $0x1400, s8;
	s8 =	sadd.s32 $0x16800, s8;
	s10 =	ssub.s32 $0x2, s9  }
0x9: {  	_ =	strace $0x8000004D;
	s12 =	sshll.u32 s3, $0x1;
	s11 =	sshrl.u32 s10, $0x1  }
0xa: {  	s9 =	sor.u32 s9, s12;
	s12 =	simm.s32 $0x9C40;
	s10 =	ssub.s32 s10, s11  }
0xb: {  	v1 =	vimm.s32 $0x8000;
	s9 =	smul.u32 $0x1400, s9;
	s11 =	simm.s32 $0x1;
	s10 =	smax.u32 s10, $0x1  }
.LBB2_1:
0xc: {  	[tilespmem:s2], [sflag:$0x1] =	stream.linear.gather [hbm4b:s1+s2], $0x9C40, $0x38;
	[tilespmem:$0x14080] =	vst v63  }
0xd: {  	_ =	swait.ge [sflag:s11], $0x9C40  }
0xe: {  	[sflag:s11] =	ssyncset.done $0x0  }
0xf: {  	[sflag:s11] =	ssyncadd.s32 $0xFFFF63C0  }
0x10: {  	[tilespmem:s12], [sflag:$0x1] =	stream.linear.gather [hbm4b:s4+s2], $0x9C40, $0x38;
	[tilespmem:$0x14080] =	vst v63  }
0x11: {  	_ =	swait.ge [sflag:s11], $0x9C40  }
0x12: {  	[sflag:s11] =	ssyncset.done $0x0  }
0x13: {  	s18 =	simm.s32 $0x0;
	[sflag:s11] =	ssyncadd.s32 $0xFFFF63C0  }
.LBB2_2:
0x14: {  	s19 =	sshll.u32 s18, $0x9  }
0x15: {  	s19 =	sadd.s32 s9, s19  }
0x16: {  	s19 =	sshrl.u32 s19, $0x3  }
0x17: {  	s20 =	simm.s32 $0x0;
	s21 =	sadd.s32 s5, s19  }
0x18: {  	[tilespmem:s13], [sflag:$0x1] =	stream.linear.gather [hbm4b:s21+s20], $0x200, $0x38;
	[tilespmem:$0x14080] =	vst v63  }
0x19: {  	_ =	swait.ge [sflag:s11], $0x200  }
0x1a: {  	[sflag:s11] =	ssyncset.done $0x0  }
0x1b: {  	s30 =	sadd.s32 s6, s19;
	[sflag:s11] =	ssyncadd.s32 $0xFFFFFE00  }
0x1c: {  	[tilespmem:s14], [sflag:$0x1] =	stream.linear.gather [hbm4b:s30+s20], $0x200, $0x38;
	[tilespmem:$0x14080] =	vst v63  }
0x1d: {  	_ =	swait.ge [sflag:s11], $0x200  }
0x1e: {  	[sflag:s11] =	ssyncset.done $0x0  }
0x1f: {  	s31 =	sadd.s32 s7, s19;
	[sflag:s11] =	ssyncadd.s32 $0xFFFFFE00  }
0x20: {  	[tilespmem:s15], [sflag:$0x1] =	stream.linear.gather [hbm4b:s31+s20], $0x200, $0x38;
	[tilespmem:$0x14080] =	vst v63  }
0x21: {  	_ =	swait.ge [sflag:s11], $0x200  }
0x22: {  	[sflag:s11] =	ssyncset.done $0x0  }
0x23: {  	[sflag:s11] =	ssyncadd.s32 $0xFFFFFE00  }
.LBB2_3:
0x24: {  	s21 =	sshra.s32 s20, $0x2;
	v3 =	vld.idx.msk [tilespmem:v0+s2+$0x0], $0xffff  }
0x25: {  	v2 =	vld [tilespmem:s21+$0x13880];
	_ =	sdelay $0x4  }
0x26: {  	vm0 =	vgt.s32 v3, v2  }
0x27: {  	v3 =	vsel vm0, $0x0, v1  }
0x28: {  	v4 =	vor.u32 $0x4000, v3  }
0x29: {  	v5 =	vmin.u32 v4, $0x9C40  }
0x2a: {  	v5 =	vadd.s32 $0xFFFFFFFF, v5;
	_ =	sdelay $0x4  }
0x2b: {  	v5 =	vld.idx.msk [tilespmem:v5+s2+$0x0], $0xffff;
	_ =	sdelay $0x4  }
0x2c: {  	vm10 =	vlt.u32 v4, $0x9C41;
	vm1 =	vle.s32 v5, v2  }
0x2d: {  	vm0 =	vmand vm1, vm10  }
0x2e: {  	v3 =	vsel vm0, v4, v3  }
0x2f: {  	v4 =	vor.u32 $0x2000, v3  }
0x30: {  	v49 =	vmin.u32 v4, $0x9C40  }
0x31: {  	v5 =	vadd.s32 $0xFFFFFFFF, v49;
	_ =	sdelay $0x4  }
0x32: {  	v5 =	vld.idx.msk [tilespmem:v5+s2+$0x0], $0xffff;
	_ =	sdelay $0x4  }
0x33: {  	vm11 =	vlt.u32 v4, $0x9C41;
	vm12 =	vle.s32 v5, v2  }
0x34: {  	vm0 =	vmand vm12, vm11  }
0x35: {  	v3 =	vsel vm0, v4, v3  }
0x36: {  	v4 =	vor.u32 $0x1000, v3  }
0x37: {  	v50 =	vmin.u32 v4, $0x9C40  }
0x38: {  	v5 =	vadd.s32 $0xFFFFFFFF, v50;
	_ =	sdelay $0x4  }
0x39: {  	v5 =	vld.idx.msk [tilespmem:v5+s2+$0x0], $0xffff;
	_ =	sdelay $0x4  }
0x3a: {  	vm13 =	vlt.u32 v4, $0x9C41;
	vm14 =	vle.s32 v5, v2  }
0x3b: {  	vm0 =	vmand vm14, vm13  }
0x3c: {  	v3 =	vsel vm0, v4, v3  }
0x3d: {  	v4 =	vadd.s32 $0x800, v3  }
0x3e: {  	v51 =	vmin.u32 v4, $0x9C40  }
0x3f: {  	v5 =	vadd.s32 $0xFFFFFFFF, v51;
	_ =	sdelay $0x4  }
0x40: {  	v5 =	vld.idx.msk [tilespmem:v5+s2+$0x0], $0xffff;
	_ =	sdelay $0x4  }
0x41: {  	vm0 =	vlt.u32 v3, $0x9441;
	vm15 =	vle.s32 v5, v2  }
0x42: {  	vm0 =	vmand vm15, vm0  }
0x43: {  	v3 =	vsel vm0, v4, v3  }
0x44: {  	v4 =	vadd.s32 $0x400, v3  }
0x45: {  	v52 =	vmin.u32 v4, $0x9C40  }
0x46: {  	v5 =	vadd.s32 $0xFFFFFFFF, v52;
	_ =	sdelay $0x4  }
0x47: {  	v5 =	vld.idx.msk [tilespmem:v5+s2+$0x0], $0xffff;
	_ =	sdelay $0x4  }
0x48: {  	vm0 =	vlt.u32 v3, $0x9841;
	vm4 =	vle.s32 v5, v2  }
0x49: {  	vm0 =	vmand vm4, vm0  }
0x4a: {  	v3 =	vsel vm0, v4, v3  }
0x4b: {  	v4 =	vadd.s32 $0x200, v3  }
0x4c: {  	v53 =	vmin.u32 v4, $0x9C40  }
0x4d: {  	v5 =	vadd.s32 $0xFFFFFFFF, v53;
	_ =	sdelay $0x4  }
0x4e: {  	v5 =	vld.idx.msk [tilespmem:v5+s2+$0x0], $0xffff;
	_ =	sdelay $0x4  }
0x4f: {  	vm0 =	vlt.u32 v3, $0x9A41;
	vm5 =	vle.s32 v5, v2  }
0x50: {  	vm0 =	vmand vm5, vm0  }
0x51: {  	v3 =	vsel vm0, v4, v3  }
0x52: {  	v4 =	vadd.s32 $0x100, v3  }
0x53: {  	v54 =	vmin.u32 v4, $0x9C40  }
0x54: {  	v5 =	vadd.s32 $0xFFFFFFFF, v54;
	_ =	sdelay $0x4  }
0x55: {  	v5 =	vld.idx.msk [tilespmem:v5+s2+$0x0], $0xffff;
	_ =	sdelay $0x4  }
0x56: {  	vm0 =	vlt.u32 v3, $0x9B41;
	vm6 =	vle.s32 v5, v2  }
0x57: {  	vm0 =	vmand vm6, vm0  }
0x58: {  	v3 =	vsel vm0, v4, v3  }
0x59: {  	v4 =	vadd.s32 $0x80, v3  }
0x5a: {  	v55 =	vmin.u32 v4, $0x9C40  }
0x5b: {  	v5 =	vadd.s32 $0xFFFFFFFF, v55;
	_ =	sdelay $0x4  }
0x5c: {  	v5 =	vld.idx.msk [tilespmem:v5+s2+$0x0], $0xffff;
	_ =	sdelay $0x4  }
0x5d: {  	vm0 =	vlt.u32 v3, $0x9BC1;
	vm7 =	vle.s32 v5, v2  }
0x5e: {  	vm0 =	vmand vm7, vm0  }
0x5f: {  	v3 =	vsel vm0, v4, v3  }
0x60: {  	v4 =	vadd.s32 $0x40, v3  }
0x61: {  	v56 =	vmin.u32 v4, $0x9C40  }
0x62: {  	v5 =	vadd.s32 $0xFFFFFFFF, v56;
	_ =	sdelay $0x4  }
0x63: {  	v5 =	vld.idx.msk [tilespmem:v5+s2+$0x0], $0xffff;
	_ =	sdelay $0x4  }
0x64: {  	vm0 =	vlt.u32 v3, $0x9C01;
	vm8 =	vle.s32 v5, v2  }
0x65: {  	vm0 =	vmand vm8, vm0  }
0x66: {  	v3 =	vsel vm0, v4, v3  }
0x67: {  	v4 =	vadd.s32 $0x20, v3  }
0x68: {  	v57 =	vmin.u32 v4, $0x9C40  }
0x69: {  	v5 =	vadd.s32 $0xFFFFFFFF, v57;
	_ =	sdelay $0x4  }
0x6a: {  	v5 =	vld.idx.msk [tilespmem:v5+s2+$0x0], $0xffff;
	_ =	sdelay $0x4  }
0x6b: {  	vm0 =	vlt.u32 v3, $0x9C21;
	vm9 =	vle.s32 v5, v2  }
0x6c: {  	vm0 =	vmand vm9, vm0  }
0x6d: {  	v3 =	vsel vm0, v4, v3  }
0x6e: {  	v4 =	vadd.s32 $0x10, v3  }
0x6f: {  	v58 =	vmin.u32 v4, $0x9C40  }
0x70: {  	v5 =	vadd.s32 $0xFFFFFFFF, v58;
	_ =	sdelay $0x4  }
0x71: {  	v5 =	vld.idx.msk [tilespmem:v5+s2+$0x0], $0xffff;
	_ =	sdelay $0x4  }
0x72: {  	vm0 =	vlt.u32 v3, $0x9C31;
	vm10 =	vle.s32 v5, v2  }
0x73: {  	vm0 =	vmand vm10, vm0  }
0x74: {  	v3 =	vsel vm0, v4, v3  }
0x75: {  	v4 =	vadd.s32 $0x8, v3  }
0x76: {  	v59 =	vmin.u32 v4, $0x9C40  }
0x77: {  	v5 =	vadd.s32 $0xFFFFFFFF, v59;
	_ =	sdelay $0x4  }
0x78: {  	v5 =	vld.idx.msk [tilespmem:v5+s2+$0x0], $0xffff;
	_ =	sdelay $0x4  }
0x79: {  	vm0 =	vlt.u32 v3, $0x9C39;
	vm11 =	vle.s32 v5, v2  }
0x7a: {  	vm0 =	vmand vm11, vm0  }
0x7b: {  	v3 =	vsel vm0, v4, v3  }
0x7c: {  	v4 =	vadd.s32 $0x4, v3  }
0x7d: {  	v60 =	vmin.u32 v4, $0x9C40  }
0x7e: {  	v5 =	vadd.s32 $0xFFFFFFFF, v60;
	_ =	sdelay $0x4  }
0x7f: {  	v5 =	vld.idx.msk [tilespmem:v5+s2+$0x0], $0xffff;
	_ =	sdelay $0x4  }
0x80: {  	vm0 =	vlt.u32 v3, $0x9C3D;
	vm12 =	vle.s32 v5, v2  }
0x81: {  	vm0 =	vmand vm12, vm0  }
0x82: {  	v3 =	vsel vm0, v4, v3  }
0x83: {  	v4 =	vadd.s32 $0x2, v3  }
0x84: {  	v61 =	vmin.u32 v4, $0x9C40  }
0x85: {  	v5 =	vadd.s32 $0xFFFFFFFF, v61;
	_ =	sdelay $0x4  }
0x86: {  	v5 =	vld.idx.msk [tilespmem:v5+s2+$0x0], $0xffff;
	_ =	sdelay $0x4  }
0x87: {  	vm0 =	vlt.u32 v3, $0x9C3F;
	vm13 =	vle.s32 v5, v2  }
0x88: {  	vm0 =	vmand vm13, vm0  }
0x89: {  	v3 =	vsel vm0, v4, v3  }
0x8a: {  	v4 =	vadd.s32 $0x1, v3  }
0x8b: {  	v62 =	vmin.u32 v4, $0x9C40  }
0x8c: {  	v5 =	vadd.s32 $0xFFFFFFFF, v62;
	_ =	sdelay $0x4  }
0x8d: {  	v5 =	vld.idx.msk [tilespmem:v5+s2+$0x0], $0xffff;
	_ =	sdelay $0x4  }
0x8e: {  	vm0 =	vlt.u32 v3, $0x9C40;
	vm14 =	vle.s32 v5, v2  }
0x8f: {  	vm0 =	vmand vm14, vm0  }
0x90: {  	v2 =	vsel vm0, v4, v3  }
0x91: {  	v2 =	vmin.u32 v2, $0x9C3F;
	_ =	sdelay $0x2  }
0x92: {  	v63 =	vld [tilespmem:s21+$0x13C80]  }
0x93: {  	v3 =	vld [tilespmem:s21+$0x13A80]  }
0x94: {  	v2 =	vld.idx.msk [tilespmem:v2+s12+$0x0], $0xffff  }
0x95: {  	p0 =	sne.s32 s20, $0x7C0  }
.Ltmp0:
0x96: {  	_ = 	snop;
	(pc) =	sbr.rel @p0 .LBB2_3-.Ltmp0, $4  }
0x97: {  	_ = 	snop  }
0x98: {  	vm15 =	vgt.s32 v3, $0x0  }
0x99: {  	v2 =	vsel vm15, v2, v63  }
0x9a: {  	s20 =	sadd.s32 $0x40, s20;
	[tilespmem:s21+$0x13E80] =	vst v2  }
0x9b: {  	s18 =	sadd.s32 $0x1, s18  }
0x9c: {  	p0 =	sne.s32 s18, $0xA  }
.Ltmp1:
0x9d: {  	s19 =	sadd.s32 s8, s19;
	(pc) =	sbr.rel @p0 .LBB2_2-.Ltmp1, $4  }
0x9e: {  	[hbm4b:s19+s2] =	stream.linear.scatter [tilespmem:s16], [sflag:$0x1], $0x200, $0x38;
	[tilespmem:$0x14080] =	vst v63  }
0x9f: {  	_ =	swait.ge [sflag:s11], $0x200  }
0xa0: {  	[sflag:s11] =	ssyncset.done $0x0  }
0xa1: {  	[sflag:s11] =	ssyncadd.s32 $0xFFFFFE00  }
0xa2: {  	s17 =	sadd.s32 $0x1, s17  }
0xa3: {  	p0 =	sne.s32 s17, s10  }
.Ltmp2:
0xa4: {  	_ = 	snop;
	(pc) =	sbr.rel @p0 .LBB2_1-.Ltmp2, $1  }
0xa5: {  	_ =	sdelay $0x3  }
0xa6: {  	_ =	sfence.sel $0x180000  }
0xa7: {  	[bflag:$0x0] =	sbarrier.arrive $0xFFFF  }
0xa8: {  	p0 =	sne.s32 s3, $0x0;
	_ =	strace $0x9000004D  }
0xa9: {  	s0 =	sadd.s32 @!p0 $0x100000, s0;
	[bflag:$0x2] =	sbarrier.arrive $0xFFFF  }
0xaa: {  	[sflag:s0] =	ssyncadd.tile.s32 @!p0 $0x1;
	_ =	shalt  }
.Lfunc_end2:
_tile_overlayer_lowered:
.L_overlay_start_2:
0xab: {  	(tag) =	ssettag $0x2  }
0xac: {  	s0 =	rddreg [dreg:$0x0];
	s2 =	stileid.u32  }
0xad: {  	s1 =	rddreg [dreg:$0x1];
	p0 =	sne.s32 s2, $0x0  }
0xae: {  	s3 =	rddreg [dreg:$0x2];
	[bflag:$0x3] =	sbarrier.arrive $0xFFFF;
	s2 =	simm.s32 @!p0 $0x1C01  }
0xaf: {  	[timem:s3], [sflag:s2] =	dma.local @!p0 [hbm:s0], s1  }
0xb0: {  	s0 =	simm.s32 @!p0 $0x1  }
0xb1: {  	_ =	swait.ge @!p0 [sflag:s0], s1  }
0xb2: {  	s1 =	ssub.s32 @!p0 $0x0, s1;
	[sflag:s0] =	ssyncset.done @!p0 $0x0  }
0xb3: {  	[sflag:s0] =	ssyncadd.s32 @!p0 s1  }
0xb4: {  	[bflag:$0x3] =	sbarrier.arrive $0xFFFF  }
0xb5: {  	_ =	shalt  }

// kernel: kernel.16.cloned.1.call-start
scs
__scs_entry_jumppad:
0x0: {  	(pc) =	sbr.rel $0x88, $3  }
0x1: {  	(tag) =	ssettag $0x0;
	lr =	simm.s32 $0x1  }
0x2: {  	[smem:$0x3F8E] =	sst lr;
	_ =	strace $0xD0000000  }
0x3: {  	_ = 	snop  }
0x4: {  	_ = 	snop  }
0x5: {  	_ = 	snop  }
0x6: {  	_ = 	snop  }
0x7: {  	_ = 	snop  }
__scs_overlays_trampoline_lowered:
0x8: {  	[smem:$0x3F9D] =	sst s0  }
0x9: {  	[smem:$0x3F9E] =	sst s1  }
0xa: {  	[smem:$0x3F9F] =	sst s2  }
0xb: {  	[smem:$0x3FA0] =	sst s3  }
0xc: {  	[smem:$0x3FA1] =	sst s4  }
0xd: {  	[smem:$0x3FA2] =	sst s5  }
0xe: {  	[smem:$0x3FA3] =	sst s6  }
0xf: {  	[smem:$0x3FA4] =	sst s7  }
0x10: {  	[smem:$0x3FA5] =	sst s8  }
0x11: {  	[smem:$0x3FA6] =	sst s9;
	s0 =	simm.s32 @!p0 $0x0  }
0x12: {  	s1 =	sld [smem:$0x3F8C];
	s0 =	simm.s32 @p0 $0x1  }
0x13: {  	[smem:$0x3FA7] =	sst s0;
	s0 =	simm.s32 @!p1 $0x0  }
0x14: {  	s2 =	sld [smem:$0x3F8B];
	s0 =	simm.s32 @p1 $0x1  }
0x15: {  	[smem:$0x3FA8] =	sst s0;
	s0 =	simm.s32 @!p2 $0x0  }
0x16: {  	s3 =	sld [smem:$0x3FDB];
	s0 =	simm.s32 @p2 $0x1  }
0x17: {  	s4 =	simm.s32 $0x1BF5;
	[smem:$0x3FAA] =	sst s0  }
0x18: {  	s0 =	sld [smem:$0x3F8D];
	_ =	swait.ge [sflag:s4], $0x0  }
0x19: {  	s7 =	sld [smem:$0x3F8E]  }
0x1a: {  	s8 =	sadd.s32 $0xFFFFE003, lr  }
0x1b: {  	s9 =	sadd.s32 $0xFFFFFEF7, lr;
	s5 =	simm.s32 $0xFFFFFFFF;
	p2 =	slt.u32 s8, $0xFFFFF086  }
0x1c: {  	p1 =	slt.u32 s9, $0xF7A;
	s5 =	simm.s32 @!p2 $0x0  }
0x1d: {  	s5 =	simm.s32 @p1 $0x1;
	p0 =	seq.s32 s7, s2  }
0x1e: {  	s7 =	smul.u32 @!p0 $0xF7A, s2;
	p2 =	seq.s32 @!p0 s5, $0x0  }
0x1f: {  	s9 =	smul.u32 $0xF7A, s1;
	s8 =	simm.s32 @!p0 $0x1BF5;
	p2 =	por !p2, p0  }
0x20: {  	[sflag:s8] =	ssyncset.s32 @!p0 $0xFFFFF086;
	s6 =	sadd.s32 @!p0 s3, s7;
	s7 =	simm.s32 @!p0 $0x108  }
0x21: {  	s3 =	sadd.s32 s3, s9;
	s6 =	sadd.s32 @!p0 $0x88, s6;
	s7 =	simm.s32 @p2 $0x1082  }
0x22: {  	[simem:s7], [sflag:s8] =	dma.local @!p0 [hbm:s6], $0xF7A  }
0x23: {  	s9 =	sor.u32 $0xD0000000, s2;
	s6 =	simm.s32 $0x108;
	_ =	swait.ge @!p0 [sflag:s8], $0x0  }
0x24: {  	s3 =	sadd.s32 $0x88, s3;
	s6 =	simm.s32 @!p1 $0x1082;
	[sflag:s4] =	ssyncset.s32 $0xFFFFF086  }
0x25: {  	[simem:s6], [sflag:s4] =	dma.local [hbm:s3], $0xF7A  }
0x26: {  	[smem:$0x3F8E] =	sst s1;
	(tag) =	ssettag s2;
	_ =	strace s9  }
0x27: {  	s1 =	sld [smem:$0x3F9E]  }
0x28: {  	s2 =	sld [smem:$0x3F9F]  }
0x29: {  	s4 =	sld [smem:$0x3FA1]  }
0x2a: {  	p0 =	seq.s32 s5, $0x0;
	s5 =	sld [smem:$0x3FA2]  }
0x2b: {  	s6 =	sld [smem:$0x3FA3]  }
0x2c: {  	s7 =	sld [smem:$0x3FA4]  }
0x2d: {  	s3 =	simm.s32 $0x108;
	s8 =	sld [smem:$0x3FA5]  }
0x2e: {  	s3 =	simm.s32 @!p0 $0x1082;
	s9 =	sld [smem:$0x3FA6]  }
0x2f: {  	lr =	sadd.s32 s0, s3;
	s0 =	sld [smem:$0x3F9D]  }
0x30: {  	s3 =	sld [smem:$0x3FA0]  }
0x31: {  	[smem:$0x3FA9] =	sst s10  }
0x32: {  	s10 =	sld [smem:$0x3FA7];
	_ =	sdelay $0x3  }
0x33: {  	p0 =	seq.s32 s10, $0x1;
	s10 =	sld [smem:$0x3FA9];
	_ =	sdelay $0x3  }
0x34: {  	[smem:$0x3FA9] =	sst s10  }
0x35: {  	s10 =	sld [smem:$0x3FA8];
	_ =	sdelay $0x3  }
0x36: {  	p1 =	seq.s32 s10, $0x1;
	s10 =	sld [smem:$0x3FA9];
	_ =	sdelay $0x3  }
0x37: {  	[smem:$0x3FA9] =	sst s10  }
0x38: {  	s10 =	sld [smem:$0x3FAA]  }
0x39: {  	_ = 	snop;
	(pc) =	sbr.ind lr, $3  }
0x3a: {  	_ = 	snop  }
0x3b: {  	_ = 	snop  }
0x3c: {  	p2 =	seq.s32 s10, $0x1;
	s10 =	sld [smem:$0x3FA9]  }
0x3d: {  	_ =	shalt  }
0x3e: {  	_ =	shalt  }
0x3f: {  	_ =	shalt  }
0x40: {  	_ =	shalt  }
0x41: {  	_ =	shalt  }
0x42: {  	_ =	shalt  }
0x43: {  	_ =	shalt  }
0x44: {  	_ =	shalt  }
0x45: {  	_ =	shalt  }
0x46: {  	_ =	shalt  }
0x47: {  	_ =	shalt  }
0x48: {  	_ =	shalt  }
0x49: {  	_ =	shalt  }
0x4a: {  	_ =	shalt  }
0x4b: {  	_ =	shalt  }
0x4c: {  	_ =	shalt  }
0x4d: {  	_ =	shalt  }
0x4e: {  	_ =	shalt  }
0x4f: {  	_ =	shalt  }
0x50: {  	_ =	shalt  }
0x51: {  	_ =	shalt  }
0x52: {  	_ =	shalt  }
0x53: {  	_ =	shalt  }
0x54: {  	_ =	shalt  }
0x55: {  	_ =	shalt  }
0x56: {  	_ =	shalt  }
0x57: {  	_ =	shalt  }
0x58: {  	_ =	shalt  }
0x59: {  	_ =	shalt  }
0x5a: {  	_ =	shalt  }
0x5b: {  	_ =	shalt  }
0x5c: {  	_ =	shalt  }
0x5d: {  	_ =	shalt  }
0x5e: {  	_ =	shalt  }
0x5f: {  	_ =	shalt  }
0x60: {  	_ =	shalt  }
0x61: {  	_ =	shalt  }
0x62: {  	_ =	shalt  }
0x63: {  	_ =	shalt  }
0x64: {  	_ =	shalt  }
0x65: {  	_ =	shalt  }
0x66: {  	_ =	shalt  }
0x67: {  	_ =	shalt  }
0x68: {  	_ =	shalt  }
0x69: {  	_ =	shalt  }
0x6a: {  	_ =	shalt  }
0x6b: {  	_ =	shalt  }
0x6c: {  	_ =	shalt  }
0x6d: {  	_ =	shalt  }
0x6e: {  	_ =	shalt  }
0x6f: {  	_ =	shalt  }
0x70: {  	_ =	shalt  }
0x71: {  	_ =	shalt  }
0x72: {  	_ =	shalt  }
0x73: {  	_ =	shalt  }
0x74: {  	_ =	shalt  }
0x75: {  	_ =	shalt  }
0x76: {  	_ =	shalt  }
0x77: {  	_ =	shalt  }
0x78: {  	_ =	shalt  }
0x79: {  	_ =	shalt  }
0x7a: {  	_ =	shalt  }
0x7b: {  	_ =	shalt  }
0x7c: {  	_ =	shalt  }
0x7d: {  	_ =	shalt  }
0x7e: {  	_ =	shalt  }
0x7f: {  	_ =	shalt  }
0x80: {  	_ =	shalt  }
0x81: {  	_ =	shalt  }
0x82: {  	_ =	shalt  }
0x83: {  	_ =	shalt  }
0x84: {  	_ =	shalt  }
0x85: {  	_ =	shalt  }
0x86: {  	_ =	shalt  }
0x87: {  	_ =	shalt  }
.Lfunc_end0:
.L_simem_size_0:
called_computation.3_lowered:
.L_overlay_start_0:
0x88: {  	s2 =	sld [smem:$0x3FD9]  }
0x89: {  	s3 =	sld [smem:$0x3FFE];
	_ =	sdelay $0x1  }
0x8a: {  	s1 =	srdreg.scid  }
0x8b: {  	s0 =	sand.u32 $0x1, s1  }
0x8c: {  	s16 =	sshll.u32 s0, $0xA;
	s2 =	sadd.s32 s3, s2  }
0x8d: {  	s2 =	sadd.s32 s2, s16  }
0x8e: {  	[smem:$0x3FB5] =	sst s2  }
0x8f: {  	_ = 	snop  }
0x90: {  	(tm) =	ssettm $0x1  }
0x91: {  	s17 =	sld [smem:$0x3FFB];
	_ =	sdelay $0x3  }
0x92: {  	_ =	strace s17  }
0x93: {  	s2 =	sld [smem:$0x3FFC];
	_ =	sdelay $0x3  }
0x94: {  	_ =	strace s2  }
0x95: {  	s2 =	sld [smem:$0x3FFD];
	_ =	sdelay $0x3  }
0x96: {  	_ =	strace s2  }
0x97: {  	_ =	strace $0x8FFFFFFF  }
0x98: {  	s18 =	sld [smem:$0x3FDB];
	_ =	sdelay $0x1  }
0x99: {  	s19 =	simm.s32 $_scs_section_size  }
0x9a: {  	s4 =	simm.s32 $_size__tile_overlayer_lowered;
	s5 =	simm.s32 $_tile_overlayer_lowered  }
0x9b: {  	s22 =	simm.s32 $0x1BFF;
	s21 =	sshll.u32 s5, $0x1;
	s2 =	sadd.s32 s19, s18  }
0x9c: {  	s6 =	simm.s32 $0x0;
	s20 =	sshll.u32 s4, $0x1;
	s4 =	sadd.s32 s21, s2  }
0x9d: {  	[timem:s6], [sflag:s22] =	dma.local [hbm:s4], s20  }
0x9e: {  	_ =	swait.ge [sflag:s22], s20  }
0x9f: {  	s3 =	ssub.s32 $0x0, s20;
	[sflag:s22] =	ssyncset.done $0x0  }
0xa0: {  	[sflag:s22] =	ssyncadd.s32 s3;
	_ =	sdelay $0x1  }
0xa1: {  	s23 =	simm.s32 $0x1B8B  }
0xa2: {  	_ =	swait.ge [sflag:s23], $0x1  }
0xa3: {  	[sflag:s23] =	ssyncset.done $0x0  }
0xa4: {  	s25 =	simm.s32 $0x1B8E;
	s24 =	sld [smem:$0x3FFE];
	[sflag:s23] =	ssyncadd.s32 $0xFFFFFFFF  }
0xa5: {  	s26 =	simm.s32 $execute0_lowered;
	[smem:$0x3FD2] =	sst s25  }
0xa6: {  	s4 =	sshll.u32 s26, $0x1;
	_ =	strace $0x8000004F;
	[dreg:$0x1] =	wrdreg $0xFFFFFFFF  }
0xa7: {  	s28 =	simm.s32 $_size_execute0_lowered;
	s2 =	sadd.s32 s2, s4;
	[dreg:$0x0] =	wrdreg $0x0  }
0xa8: {  	s4 =	sshll.u32 s28, $0x1;
	[dreg:$0x2] =	wrdreg s2  }
0xa9: {  	[dreg:$0x3] =	wrdreg s4  }
0xaa: {  	[dreg:$0x4] =	wrdreg $0xC0  }
0xab: {  	_ =	task [dreg:s6], $0x5FFFF  }
0xac: {  	[dreg:$0x1] =	wrdreg $0xFFFFFFFF  }
0xad: {  	[dreg:$0x0] =	wrdreg $0x60  }
0xae: {  	[dreg:$0x2] =	wrdreg s24  }
0xaf: {  	[dreg:$0x3] =	wrdreg $0x9  }
0xb0: {  	_ =	task.clear_ibuf [dreg:s6], $0x4FFFF;
	_ =	strace $0x9000004F  }
0xb1: {  	s29 =	simm.s32 $0x9;
	_ =	strace $0x80000051  }
0xb2: {  	_ =	swait.ge [sflag:s29], $0x1  }
0xb3: {  	[sflag:s29] =	ssyncadd.s32 $0xFFFFFFFF  }
0xb4: {  	_ =	strace $0x90000051  }
0xb5: {  	_ =	sfence  }
0xb6: {  	s30 =	sld [smem:$0x0];
	_ =	sdelay $0x2  }
0xb7: {  	s31 =	sshll.u32 s1, $0xD;
	s1 =	sshrl.u32 s1, $0x2  }
0xb8: {  	s3 =	sand.u32 $0x4000, s31;
	s1 =	sadd.s32 s1, s30  }
0xb9: {  	s0 =	sor.u32 s3, s0;
	s1 =	sshll.u32 s1, $0x11  }
0xba: {  	s0 =	sor.u32 s1, s0  }
0xbb: {  	s0 =	sadd.s32 $0x8F2B, s0  }
0xbc: {  	[sflag:s0] =	ssyncadd.remote.s32 $0x1  }
0xbd: {  	_ =	sfence.sel $0xFFFF  }
0xbe: {  	[dreg:$0x0] =	wrdreg $0xFFFFFFFF;
	(pc) =	sbr.abs _section_cstart, $3  }
0xbf: {  	[dreg:$0x1] =	wrdreg $0xFFFFFFFF  }
0xc0: {  	_ =	task.clear_ibuf [dreg:s6], $0x2FFFF;
	_ =	strace $0x9FFFFFFF  }
0xc1: {  	(tm) =	ssettm $0x7FFFFFFF  }
tec
execute0_lowered:
.L_overlay_start_1:
0x0: {  	(tag) =	ssettag $0x1  }
0x1: {  	s0 =	rddreg [dreg:$0x0];
	v0 =	vimm.s32 $0xFEDCBA98;
	s2 =	simm.s32 $0x0;
	s3 =	srdreg.scid  }
0x2: {  	s1 =	stileid.u32;
	v1 =	vimm.s32 $0x76543210;
	v2 =	vimm.s32 $0xBA98FEDC;
	v3 =	vimm.s32 $0x32107654;
	s12 =	simm.s32 $0x3;
	s13 =	simm.s32 $0x80  }
0x3: {  	v4 =	vimm.s32 $0xDCFE98BA;
	v5 =	vimm.s32 $0x54761032;
	s14 =	simm.s32 $0x100;
	s15 =	simm.s32 $0x180;
	s16 =	simm.s32 $0x8180  }
0x4: {  	v6 =	vimm.s32 $0xEFCDAB89;
	v7 =	vimm.s32 $0x67452301;
	s17 =	simm.s32 $0x1;
	s18 =	simm.s32 $0x2;
	s19 =	simm.s32 $0x10180  }
0x5: {  	s20 =	simm.s32 $0x12980;
	s21 =	simm.s32 $0x15180;
	s22 =	simm.s32 $0x0;
	v0 =	vunpack.c.l.s4.s8 v0;
	v1 =	vunpack.c.l.s4.s8 v1;
	v2 =	vunpack.c.l.s4.s8 v2  }
0x6: {  	[smem:$0x7FF] =	sst s2;
	s6 =	sand.u32 $0x1, s3;
	s31 =	sshll.u32 s1, $0x1;
	v3 =	vunpack.c.l.s4.s8 v3;
	v4 =	vunpack.c.l.s4.s8 v4;
	v5 =	vunpack.c.l.s4.s8 v5  }
0x7: {  	s3 =	sadd.s32 $0x25800, s0;
	s4 =	sadd.s32 $0x16800, s0;
	v6 =	vunpack.c.l.s4.s8 v6;
	v7 =	vunpack.c.l.s4.s8 v7;
	s7 =	sor.u32 s6, s31;
	v0 =	vunpack.c.0.s8.s32 v0  }
0x8: {  	s5 =	sadd.s32 $0x6400, s0;
	s9 =	ssub.s32 $0x2, s6;
	s8 =	smul.u32 $0x2800, s7;
	v1 =	vunpack.c.0.s8.s32 v1;
	v2 =	vunpack.c.0.s8.s32 v2;
	v3 =	vunpack.c.0.s8.s32 v3  }
0x9: {  	s1 =	simm.s32 $0x0;
	_ =	strace $0x80000050;
	s10 =	sshrl.u32 s9, $0x1;
	v4 =	vunpack.c.0.s8.s32 v4;
	v5 =	vunpack.c.0.s8.s32 v5;
	v0 =	vand.u32 $0xF, v0  }
0xa: {  	s6 =	sadd.s32 $0x20800, s0;
	v6 =	vunpack.c.0.s8.s32 v6;
	v7 =	vunpack.c.0.s8.s32 v7;
	s11 =	ssub.s32 s9, s10;
	s8 =	sshrl.u32 s8, $0x3;
	v0 =	vcombine.low v0, v1  }
0xb: {  	s7 =	smul.u32 $0x1400, s7;
	s11 =	smax.u32 s11, $0x1;
	s0 =	sadd.s32 s8, s0;
	v1 =	vcombine.low v3, v2;
	v2 =	vcombine.low v5, v4  }
0xc: {  	v3 =	vimm.f32 $0.0e+00;
	v4 =	vcombine.low v7, v6;
	v5 =	vlaneseq.u32;
	s8 =	sadd.s32 $0x73A00, s0;
	s9 =	sadd.s32 $0x7DA00, s0;
	s10 =	sadd.s32 $0x87A00, s0  }
.LBB2_1:
0xd: {  	s0 =	simm.s32 $0x40;
	s24 =	simm.s32 $0x0  }
.LBB2_2:
0xe: {  	p0 =	sne.s32 s0, $0x9FC0;
	[tilespmem:s24+$0x15180] =	vst v3;
	s23 =	smov.u32 s0;
	s0 =	sadd.s32 $0x40, s0  }
.Ltmp0:
0xf: {  	[tilespmem:s24+$0x10180] =	vst v3;
	(pc) =	sbr.rel @p0 .LBB2_2-.Ltmp0, $2  }
0x10: {  	[tilespmem:s24+$0x12980] =	vst v3;
	_ =	sdelay $0x2  }
0x11: {  	s24 =	sshra.s32 s23, $0x2  }
0x12: {  	[tilespmem:s24+$0x15180] =	vst v3  }
0x13: {  	[tilespmem:s24+$0x10180] =	vst v3  }
0x14: {  	s23 =	simm.s32 $0x0;
	[tilespmem:s24+$0x12980] =	vst v3;
	s24 =	simm.s32 $0x0  }
.LBB2_4:
0x15: {  	s0 =	sshll.u32 s24, $0x7  }
0x16: {  	s0 =	sadd.s32 s7, s0  }
0x17: {  	s0 =	sshrl.u32 s0, $0x3  }
0x18: {  	s25 =	sadd.s32 s4, s0  }
0x19: {  	[tilespmem:s23], [sflag:$0x3] =	stream.linear.gather [hbm4b:s25+s23], $0x80, $0x38;
	[tilespmem:$0x17980] =	vst v63  }
0x1a: {  	_ =	swait.ge [sflag:s12], $0x80  }
0x1b: {  	[sflag:s12] =	ssyncset.done $0x0  }
0x1c: {  	s31 =	sadd.s32 s5, s0;
	[sflag:s12] =	ssyncadd.s32 $0xFFFFFF80  }
0x1d: {  	[tilespmem:s13], [sflag:$0x3] =	stream.linear.gather [hbm4b:s31+s23], $0x80, $0x38;
	[tilespmem:$0x17980] =	vst v63  }
0x1e: {  	_ =	swait.ge [sflag:s12], $0x80  }
0x1f: {  	[sflag:s12] =	ssyncset.done $0x0  }
0x20: {  	s0 =	sadd.s32 s6, s0;
	[sflag:s12] =	ssyncadd.s32 $0xFFFFFF80  }
0x21: {  	[tilespmem:s14], [sflag:$0x3] =	stream.linear.gather [hbm4b:s0+s23], $0x80, $0x38;
	[tilespmem:$0x17980] =	vst v63  }
0x22: {  	_ =	swait.ge [sflag:s12], $0x80  }
0x23: {  	[sflag:s12] =	ssyncset.done $0x0  }
0x24: {  	[sflag:s12] =	ssyncadd.s32 $0xFFFFFF80  }
0x25: {  	[tilespmem:s15], [sflag:$0x1] =	stream.indirect.gather [hbm4b:s3+s13], $0x100, s23, s13, $0xb8;
	[tilespmem:$0x17980] =	vst v63  }
0x26: {  	_ = 	snop  }
0x27: {  	[tilespmem:s16], [sflag:$0x2] =	stream.indirect.gather [hbm4b:s3+s13], $0x100, s13, s13, $0xb8;
	[tilespmem:$0x17980] =	vst v63  }
0x28: {  	_ =	swait.ge [sflag:s17], $0x8000  }
0x29: {  	[sflag:s17] =	ssyncset.done $0x0  }
0x2a: {  	[sflag:s17] =	ssyncadd.s32 $0xFFFF8000  }
0x2b: {  	_ =	swait.ge [sflag:s18], $0x8000  }
0x2c: {  	s26 =	simm.s32 $0x8200;
	[sflag:s18] =	ssyncset.done $0x0  }
0x2d: {  	s28 =	simm.s32 $0x0;
	s25 =	simm.s32 $0x200;
	[sflag:s18] =	ssyncadd.s32 $0xFFFF8000  }
.LBB2_5:
0x2e: {  	v6 =	vld [tilespmem:s25+$0x40]  }
0x2f: {  	v7 =	vld [tilespmem:s26+$0x40]  }
0x30: {  	v8 =	vld [tilespmem:s25+$0x50]  }
0x31: {  	v9 =	vld [tilespmem:s26+$0x50]  }
0x32: {  	v11 =	vld [tilespmem:s25+$0x60]  }
0x33: {  	v13 =	vld [tilespmem:s26+$0x60]  }
0x34: {  	v10 =	vld [tilespmem:s25+$0x0]  }
0x35: {  	v12 =	vld [tilespmem:s26+$0x0]  }
0x36: {  	v14 =	vld [tilespmem:s25+$0x10]  }
0x37: {  	v15 =	vld [tilespmem:s26+$0x10]  }
0x38: {  	v16 =	vld [tilespmem:s25+$0x20]  }
0x39: {  	v17 =	vld [tilespmem:s26+$0x20]  }
0x3a: {  	v18 =	vld [tilespmem:s25+$0xFFFFFFC0]  }
0x3b: {  	v19 =	vld [tilespmem:s26+$0xFFFFFFC0]  }
0x3c: {  	v20 =	vld [tilespmem:s25+$0xFFFFFFD0]  }
0x3d: {  	v21 =	vld [tilespmem:s26+$0xFFFFFFD0]  }
0x3e: {  	v22 =	vld [tilespmem:s25+$0xFFFFFFE0]  }
0x3f: {  	v23 =	vld [tilespmem:s26+$0xFFFFFFE0]  }
0x40: {  	v24 =	vld [tilespmem:s25+$0xFFFFFF80]  }
0x41: {  	v25 =	vld [tilespmem:s26+$0xFFFFFF80]  }
0x42: {  	v26 =	vld [tilespmem:s25+$0xFFFFFF90]  }
0x43: {  	v27 =	vld [tilespmem:s26+$0xFFFFFF90]  }
0x44: {  	v28 =	vld [tilespmem:s25+$0xFFFFFFA0]  }
0x45: {  	v29 =	vld [tilespmem:s26+$0xFFFFFFA0]  }
0x46: {  	v30 =	vld [tilespmem:s25+$0xFFFFFFB0]  }
0x47: {  	v31 =	vld [tilespmem:s26+$0xFFFFFFB0]  }
0x48: {  	v32 =	vld [tilespmem:s25+$0xFFFFFFF0];
	v33 =	vmul.f32 v7, v6;
	v8 =	vmul.f32 v9, v8  }
0x49: {  	v6 =	vld [tilespmem:s26+$0xFFFFFFF0];
	v7 =	vmul.f32 v12, v10;
	v15 =	vmul.f32 v15, v14  }
0x4a: {  	v14 =	vld [tilespmem:s25+$0x30];
	v12 =	vmul.f32 v19, v18;
	v18 =	vmul.f32 v21, v20  }
0x4b: {  	v19 =	vld [tilespmem:s26+$0x30];
	v9 =	vmul.f32 v25, v24;
	v10 =	vmul.f32 v27, v26  }
0x4c: {  	v20 =	vld [tilespmem:s25+$0x70];
	v21 =	vmul.f32 v29, v28;
	v24 =	vmul.f32 v31, v30  }
0x4d: {  	s29 =	sadd.s32 $0x100, s25;
	v25 =	vld [tilespmem:s26+$0x70];
	v22 =	vmul.f32 v23, v22;
	v26 =	vadd.f32 $0.0e+00, v9;
	v27 =	vadd.f32 $0.0e+00, v10  }
0x4e: {  	s30 =	sadd.s32 $0x100, s26;
	v34 =	vld [tilespmem:s29+$0xFFFFFFB0];
	v21 =	vadd.f32 $0.0e+00, v21;
	v23 =	vadd.f32 $0.0e+00, v24;
	v6 =	vmul.f32 v6, v32  }
0x4f: {  	v35 =	vld [tilespmem:s30+$0xFFFFFFB0];
	v16 =	vmul.f32 v17, v16;
	v24 =	vadd.f32 v12, v26;
	v18 =	vadd.f32 v18, v27  }
0x50: {  	v29 =	vld [tilespmem:s30+$0xFFFFFF80];
	v17 =	vadd.f32 v22, v21;
	v19 =	vmul.f32 v19, v14;
	v21 =	vadd.f32 v6, v23  }
0x51: {  	v11 =	vmul.f32 v13, v11;
	v30 =	vld [tilespmem:s29+$0xFFFFFF90];
	v22 =	vadd.f32 v7, v24;
	v15 =	vadd.f32 v15, v18  }
0x52: {  	v31 =	vld [tilespmem:s29+$0xFFFFFFA0];
	v13 =	vadd.f32 v16, v17;
	v17 =	vmul.f32 v25, v20;
	v16 =	vadd.f32 v19, v21  }
0x53: {  	v9 =	vld [tilespmem:s29+$0x40];
	v18 =	vadd.f32 v33, v22;
	v8 =	vadd.f32 v8, v15  }
0x54: {  	v10 =	vld [tilespmem:s30+$0x40];
	v11 =	vadd.f32 v11, v13;
	v13 =	vadd.f32 v17, v16  }
0x55: {  	v12 =	vld [tilespmem:s29+$0x50]  }
0x56: {  	v26 =	vld [tilespmem:s29+$0xFFFFFF80];
	v8 =	vadd.f32 v8, v18;
	v13 =	vadd.f32 v13, v11  }
0x57: {  	v14 =	vld [tilespmem:s30+$0x50]  }
0x58: {  	v32 =	vld [tilespmem:s30+$0xFFFFFF90];
	v8 =	vadd.f32 v13, v8  }
0x59: {  	v7 =	vld [tilespmem:s30+$0x60]  }
0x5a: {  	v25 =	vld [tilespmem:s30+$0xFFFFFFD0];
	v18 =	vperm.xlane v8, v0  }
0x5b: {  	v20 =	vld [tilespmem:s30+$0xFFFFFFE0]  }
0x5c: {  	v6 =	vld [tilespmem:s29+$0x60];
	v8 =	vadd.f32 v8, v18  }
0x5d: {  	v23 =	vld [tilespmem:s29+$0xFFFFFFD0]  }
0x5e: {  	v15 =	vld [tilespmem:s29+$0x0];
	v24 =	vperm.xlane v8, v1  }
0x5f: {  	v22 =	vld [tilespmem:s30+$0xFFFFFFC0]  }
0x60: {  	v33 =	vld [tilespmem:s30+$0xFFFFFFA0];
	v8 =	vadd.f32 v8, v24  }
0x61: {  	v19 =	vld [tilespmem:s30+$0x10]  }
0x62: {  	v21 =	vld [tilespmem:s29+$0xFFFFFFC0];
	v24 =	vperm.xlane v8, v2  }
0x63: {  	v16 =	vld [tilespmem:s30+$0x0]  }
0x64: {  	v17 =	vld [tilespmem:s29+$0x10];
	v24 =	vadd.f32 v8, v24  }
0x65: {  	v11 =	vld [tilespmem:s29+$0x20]  }
0x66: {  	v13 =	vld [tilespmem:s30+$0x20];
	v27 =	vperm.xlane v24, v4  }
0x67: {  	s31 =	simm.s32 $0x1;
	s0 =	simm.s32 $0x2;
	v28 =	vmov s1;
	v18 =	vld [tilespmem:s29+$0xFFFFFFE0];
	v8 =	vimm.f32 $0.0e+00  }
.LBB2_6:
0x68: {  	p0 =	sne.s32 s0, $0xF;
	v36 =	vld [tilespmem:s29+$0xFFFFFFF0];
	v37 =	vmul.f32 v10, v9;
	v38 =	vmul.f32 v14, v12;
	v9 =	vadd.f32 v24, v27  }
0x69: {  	v15 =	vmul.f32 v16, v15;
	v16 =	vmul.f32 v19, v17;
	vm0 =	veq.s32 v28, v5;
	v10 =	vld [tilespmem:s30+$0xFFFFFFF0]  }
0x6a: {  	v12 =	vmul.f32 v22, v21;
	v14 =	vmul.f32 v25, v23;
	v17 =	vld [tilespmem:s29+$0x30];
	v8 =	vsel vm0, v9, v8  }
0x6b: {  	v19 =	vmul.f32 v32, v30;
	v9 =	vmul.f32 v29, v26;
	v21 =	vld [tilespmem:s30+$0x30]  }
0x6c: {  	v22 =	vmul.f32 v33, v31;
	v23 =	vmul.f32 v35, v34;
	v24 =	vld [tilespmem:s29+$0x70]  }
0x6d: {  	v18 =	vmul.f32 v20, v18;
	v19 =	vadd.f32 $0.0e+00, v19;
	v25 =	vadd.f32 $0.0e+00, v9;
	s29 =	sadd.s32 $0x100, s29;
	v20 =	vld [tilespmem:s30+$0x70]  }
0x6e: {  	v22 =	vadd.f32 $0.0e+00, v22;
	s30 =	sadd.s32 $0x100, s30;
	v9 =	vld [tilespmem:s29+$0x40];
	v23 =	vadd.f32 $0.0e+00, v23;
	v26 =	vmul.f32 v10, v36  }
0x6f: {  	v11 =	vmul.f32 v13, v11;
	v19 =	vadd.f32 v14, v19;
	v25 =	vadd.f32 v12, v25;
	v10 =	vld [tilespmem:s30+$0x40]  }
0x70: {  	v13 =	vadd.f32 v18, v22;
	v12 =	vld [tilespmem:s29+$0x50];
	v18 =	vadd.f32 v26, v23;
	v17 =	vmul.f32 v21, v17  }
0x71: {  	v16 =	vadd.f32 v16, v19;
	v19 =	vmul.f32 v7, v6;
	v15 =	vadd.f32 v15, v25;
	v14 =	vld [tilespmem:s30+$0x50]  }
0x72: {  	v11 =	vadd.f32 v11, v13;
	v6 =	vld [tilespmem:s29+$0x60];
	v13 =	vadd.f32 v17, v18;
	v17 =	vmul.f32 v20, v24  }
0x73: {  	v18 =	vadd.f32 v37, v15;
	v20 =	vadd.f32 v38, v16;
	v7 =	vld [tilespmem:s30+$0x60]  }
0x74: {  	v11 =	vadd.f32 v19, v11;
	v15 =	vld [tilespmem:s29+$0x0];
	v13 =	vadd.f32 v17, v13  }
0x75: {  	v16 =	vld [tilespmem:s30+$0x0]  }
0x76: {  	v18 =	vadd.f32 v20, v18;
	v17 =	vld [tilespmem:s29+$0x10];
	v13 =	vadd.f32 v13, v11  }
0x77: {  	v19 =	vld [tilespmem:s30+$0x10]  }
0x78: {  	v11 =	vld [tilespmem:s29+$0x20];
	v18 =	vadd.f32 v13, v18  }
0x79: {  	v13 =	vld [tilespmem:s30+$0x20]  }
0x7a: {  	v21 =	vld [tilespmem:s29+$0xFFFFFFC0];
	v20 =	vperm.xlane v18, v0  }
0x7b: {  	v22 =	vld [tilespmem:s30+$0xFFFFFFC0]  }
0x7c: {  	v23 =	vld [tilespmem:s29+$0xFFFFFFD0];
	v24 =	vadd.f32 v18, v20  }
0x7d: {  	v25 =	vld [tilespmem:s30+$0xFFFFFFD0]  }
0x7e: {  	v18 =	vld [tilespmem:s29+$0xFFFFFFE0];
	v27 =	vperm.xlane v24, v1  }
0x7f: {  	v20 =	vld [tilespmem:s30+$0xFFFFFFE0]  }
0x80: {  	v26 =	vld [tilespmem:s29+$0xFFFFFF80];
	v24 =	vadd.f32 v24, v27  }
0x81: {  	v29 =	vld [tilespmem:s30+$0xFFFFFF80]  }
0x82: {  	v30 =	vld [tilespmem:s29+$0xFFFFFF90];
	v27 =	vperm.xlane v24, v2  }
.Ltmp1:
0x83: {  	v32 =	vld [tilespmem:s30+$0xFFFFFF90];
	(pc) =	sbr.rel @p0 .LBB2_6-.Ltmp1, $4  }
0x84: {  	v31 =	vld [tilespmem:s29+$0xFFFFFFA0];
	v24 =	vadd.f32 v24, v27  }
0x85: {  	v33 =	vld [tilespmem:s30+$0xFFFFFFA0]  }
0x86: {  	v34 =	vld [tilespmem:s29+$0xFFFFFFB0];
	v27 =	vperm.xlane v24, v4  }
0x87: {  	v28 =	vmov s31;
	s31 =	smov.u32 s0;
	s0 =	sadd.s32 $0x1, s0;
	v35 =	vld [tilespmem:s30+$0xFFFFFFB0]  }
0x88: {  	v36 =	vld [tilespmem:s29+$0xFFFFFFF0];
	v9 =	vmul.f32 v10, v9;
	v42 =	vmul.f32 v14, v12  }
0x89: {  	v43 =	vld [tilespmem:s30+$0xFFFFFFF0];
	v44 =	vmul.f32 v16, v15;
	v45 =	vmul.f32 v19, v17  }
0x8a: {  	v46 =	vmul.f32 v22, v21;
	v47 =	vmul.f32 v25, v23;
	v48 =	vld [tilespmem:s29+$0x30]  }
0x8b: {  	v49 =	vmul.f32 v29, v26;
	v50 =	vmul.f32 v32, v30;
	v51 =	vld [tilespmem:s30+$0x30]  }
0x8c: {  	v54 =	vld [tilespmem:s29+$0x70];
	v52 =	vmul.f32 v33, v31;
	v53 =	vmul.f32 v35, v34  }
0x8d: {  	v18 =	vmul.f32 v20, v18;
	v55 =	vld [tilespmem:s30+$0x70];
	v21 =	vadd.f32 $0.0e+00, v49;
	v22 =	vadd.f32 $0.0e+00, v50  }
0x8e: {  	v25 =	vadd.f32 $0.0e+00, v52;
	v12 =	vmul.f32 v43, v36;
	v26 =	vadd.f32 $0.0e+00, v53  }
0x8f: {  	v11 =	vmul.f32 v13, v11;
	v16 =	vadd.f32 v46, v21;
	v17 =	vadd.f32 v47, v22  }
0x90: {  	v57 =	vmul.f32 v51, v48;
	v56 =	vadd.f32 v18, v25;
	v12 =	vadd.f32 v12, v26  }
0x91: {  	v6 =	vmul.f32 v7, v6;
	v14 =	vadd.f32 v44, v16;
	v15 =	vadd.f32 v45, v17  }
0x92: {  	v59 =	vmul.f32 v55, v54;
	v7 =	vadd.f32 v11, v56;
	v58 =	vadd.f32 v57, v12  }
0x93: {  	v9 =	vadd.f32 v9, v14;
	v10 =	vadd.f32 v42, v15  }
0x94: {  	v6 =	vadd.f32 v6, v7;
	v7 =	vadd.f32 v59, v58;
	_ =	sdelay $0x1  }
0x95: {  	v9 =	vadd.f32 v10, v9;
	v6 =	vadd.f32 v7, v6;
	_ =	sdelay $0x1  }
0x96: {  	v6 =	vadd.f32 v6, v9;
	_ =	sdelay $0x1  }
0x97: {  	v7 =	vperm.xlane v6, v0;
	_ =	sdelay $0x1  }
0x98: {  	v6 =	vadd.f32 v6, v7;
	_ =	sdelay $0x1  }
0x99: {  	v7 =	vperm.xlane v6, v1;
	_ =	sdelay $0x1  }
0x9a: {  	v6 =	vadd.f32 v6, v7;
	_ =	sdelay $0x1  }
0x9b: {  	v7 =	vperm.xlane v6, v2;
	_ =	sdelay $0x1  }
0x9c: {  	v6 =	vadd.f32 v6, v7;
	_ =	sdelay $0x1  }
0x9d: {  	v7 =	vperm.xlane v6, v4  }
0x9e: {  	v60 =	vadd.f32 v24, v27  }
0x9f: {  	vm0 =	veq.s32 v28, v5;
	v61 =	vmov s31;
	v6 =	vadd.f32 v6, v7  }
0xa0: {  	vm15 =	veq.s32 v61, v5;
	v7 =	vsel vm0, v60, v8  }
0xa1: {  	v6 =	vsel vm15, v6, v7  }
0xa2: {  	v7 =	vmul.f32 $1.000000000e+01, v6;
	_ =	sdelay $0x1  }
0xa3: {  	v7 =	vmul.f32 $1.442695020e+00, v7;
	_ =	sdelay $0x1  }
0xa4: {  	(erf) = vpow2.f32 v7;
	_ =	sdelay $0x3  }
0xa5: {  	s0 =	sshll.u32 s28, $0x4  }
0xa6: {  	v7 =	vld [tilespmem:s0+$0x100]  }
0xa7: {  	v62 =	vld [tilespmem:s0+$0x0];
	_ =	sdelay $0x2  }
0xa8: {  	v63 =	vpop (erf)  }
0xa9: {  	s28 =	sadd.s32 $0x1, s28;
	v9 =	vmul.f32 v7, v63  }
0xaa: {  	p0 =	sne.s32 s28, $0x8  }
.Ltmp2:
0xab: {  	v6 =	vmul.f32 v9, v6;
	(pc) =	sbr.rel @p0 .LBB2_5-.Ltmp2, $4  }
0xac: {  	_ = 	snop  }
0xad: {  	[tilespmem:v62+s19+$0x0] =	vst.idx.add.f32.msk $0xffff, v6  }
0xae: {  	[tilespmem:v62+s20+$0x0] =	vst.idx.add.f32.msk $0xffff, v9  }
0xaf: {  	s25 =	sadd.s32 $0x1000, s25;
	s26 =	sadd.s32 $0x1000, s26;
	[tilespmem:v62+s21+$0x0] =	vst.idx.add.f32.msk $0xffff, v7  }
0xb0: {  	s24 =	sadd.s32 $0x1, s24  }
0xb1: {  	p0 =	sne.s32 s24, $0x28  }
.Ltmp3:
0xb2: {  	_ = 	snop;
	(pc) =	sbr.rel @p0 .LBB2_4-.Ltmp3, $1  }
0xb3: {  	_ =	sdelay $0x3  }
0xb4: {  	[hbm4b:s8+s2] =	stream.linear.scatter [tilespmem:s19], [sflag:$0x3], $0x2800, $0x38;
	[tilespmem:$0x17980] =	vst v63  }
0xb5: {  	_ =	swait.ge [sflag:s12], $0x2800  }
0xb6: {  	[sflag:s12] =	ssyncset.done $0x0  }
0xb7: {  	[sflag:s12] =	ssyncadd.s32 $0xFFFFD800  }
0xb8: {  	[hbm4b:s9+s2] =	stream.linear.scatter [tilespmem:s20], [sflag:$0x3], $0x2800, $0x38;
	[tilespmem:$0x17980] =	vst v63  }
0xb9: {  	s22 =	sadd.s32 $0x1, s22;
	_ =	swait.ge [sflag:s12], $0x2800  }
0xba: {  	p0 =	sne.s32 s22, s11;
	[sflag:s12] =	ssyncset.done $0x0  }
.Ltmp4:
0xbb: {  	[sflag:s12] =	ssyncadd.s32 $0xFFFFD800;
	(pc) =	sbr.rel @p0 .LBB2_1-.Ltmp4, $4  }
0xbc: {  	[hbm4b:s10+s2] =	stream.linear.scatter [tilespmem:s21], [sflag:$0x3], $0x2800, $0x38;
	[tilespmem:$0x17980] =	vst v63  }
0xbd: {  	_ =	swait.ge [sflag:s12], $0x2800  }
0xbe: {  	[sflag:s12] =	ssyncset.done $0x0  }
0xbf: {  	[sflag:s12] =	ssyncadd.s32 $0xFFFFD800  }
0xc0: {  	_ =	sfence.sel $0x180000  }
0xc1: {  	[bflag:$0x0] =	sbarrier.arrive $0xFFFF  }
0xc2: {  	_ =	strace $0x90000050  }
0xc3: {  	s0 =	stileid.u32;
	[bflag:$0x2] =	sbarrier.arrive $0xFFFF  }
0xc4: {  	p0 =	sne.s32 s0, $0x0;
	s0 =	rddreg [dreg:$0x1]  }
0xc5: {  	s0 =	sadd.s32 @!p0 $0x100000, s0  }
0xc6: {  	[sflag:s0] =	ssyncadd.tile.s32 @!p0 $0x1;
	_ =	shalt  }
.Lfunc_end2:
_tile_overlayer_lowered:
.L_overlay_start_2:
0xc7: {  	(tag) =	ssettag $0x2  }
0xc8: {  	s0 =	rddreg [dreg:$0x0];
	s2 =	stileid.u32  }
0xc9: {  	s1 =	rddreg [dreg:$0x1];
	p0 =	sne.s32 s2, $0x0  }
0xca: {  	s3 =	rddreg [dreg:$0x2];
	[bflag:$0x3] =	sbarrier.arrive $0xFFFF;
	s2 =	simm.s32 @!p0 $0x1C03  }
0xcb: {  	[timem:s3], [sflag:s2] =	dma.local @!p0 [hbm:s0], s1  }
0xcc: {  	s0 =	simm.s32 @!p0 $0x3  }
0xcd: {  	_ =	swait.ge @!p0 [sflag:s0], s1  }
0xce: {  	s1 =	ssub.s32 @!p0 $0x0, s1;
	[sflag:s0] =	ssyncset.done @!p0 $0x0  }
0xcf: {  	[sflag:s0] =	ssyncadd.s32 @!p0 s1  }
0xd0: {  	[bflag:$0x3] =	sbarrier.arrive $0xFFFF  }
0xd1: {  	_ =	shalt  }

// kernel: kernel.19.cloned.1.call-start
scs
__scs_entry_jumppad:
0x0: {  	(pc) =	sbr.rel $0x88, $3  }
0x1: {  	(tag) =	ssettag $0x0;
	lr =	simm.s32 $0x1  }
0x2: {  	[smem:$0x3F8E] =	sst lr;
	_ =	strace $0xD0000000  }
0x3: {  	_ = 	snop  }
0x4: {  	_ = 	snop  }
0x5: {  	_ = 	snop  }
0x6: {  	_ = 	snop  }
0x7: {  	_ = 	snop  }
__scs_overlays_trampoline_lowered:
0x8: {  	[smem:$0x3F9D] =	sst s0  }
0x9: {  	[smem:$0x3F9E] =	sst s1  }
0xa: {  	[smem:$0x3F9F] =	sst s2  }
0xb: {  	[smem:$0x3FA0] =	sst s3  }
0xc: {  	[smem:$0x3FA1] =	sst s4  }
0xd: {  	[smem:$0x3FA2] =	sst s5  }
0xe: {  	[smem:$0x3FA3] =	sst s6  }
0xf: {  	[smem:$0x3FA4] =	sst s7  }
0x10: {  	[smem:$0x3FA5] =	sst s8  }
0x11: {  	[smem:$0x3FA6] =	sst s9;
	s0 =	simm.s32 @!p0 $0x0  }
0x12: {  	s1 =	sld [smem:$0x3F8C];
	s0 =	simm.s32 @p0 $0x1  }
0x13: {  	[smem:$0x3FA7] =	sst s0;
	s0 =	simm.s32 @!p1 $0x0  }
0x14: {  	s2 =	sld [smem:$0x3F8B];
	s0 =	simm.s32 @p1 $0x1  }
0x15: {  	[smem:$0x3FA8] =	sst s0;
	s0 =	simm.s32 @!p2 $0x0  }
0x16: {  	s3 =	sld [smem:$0x3FDB];
	s0 =	simm.s32 @p2 $0x1  }
0x17: {  	s4 =	simm.s32 $0x1BF5;
	[smem:$0x3FAA] =	sst s0  }
0x18: {  	s0 =	sld [smem:$0x3F8D];
	_ =	swait.ge [sflag:s4], $0x0  }
0x19: {  	s7 =	sld [smem:$0x3F8E]  }
0x1a: {  	s8 =	sadd.s32 $0xFFFFE003, lr  }
0x1b: {  	s9 =	sadd.s32 $0xFFFFFEF7, lr;
	s5 =	simm.s32 $0xFFFFFFFF;
	p2 =	slt.u32 s8, $0xFFFFF086  }
0x1c: {  	p1 =	slt.u32 s9, $0xF7A;
	s5 =	simm.s32 @!p2 $0x0  }
0x1d: {  	s5 =	simm.s32 @p1 $0x1;
	p0 =	seq.s32 s7, s2  }
0x1e: {  	s7 =	smul.u32 @!p0 $0xF7A, s2;
	p2 =	seq.s32 @!p0 s5, $0x0  }
0x1f: {  	s9 =	smul.u32 $0xF7A, s1;
	s8 =	simm.s32 @!p0 $0x1BF5;
	p2 =	por !p2, p0  }
0x20: {  	[sflag:s8] =	ssyncset.s32 @!p0 $0xFFFFF086;
	s6 =	sadd.s32 @!p0 s3, s7;
	s7 =	simm.s32 @!p0 $0x108  }
0x21: {  	s3 =	sadd.s32 s3, s9;
	s6 =	sadd.s32 @!p0 $0x88, s6;
	s7 =	simm.s32 @p2 $0x1082  }
0x22: {  	[simem:s7], [sflag:s8] =	dma.local @!p0 [hbm:s6], $0xF7A  }
0x23: {  	s9 =	sor.u32 $0xD0000000, s2;
	s6 =	simm.s32 $0x108;
	_ =	swait.ge @!p0 [sflag:s8], $0x0  }
0x24: {  	s3 =	sadd.s32 $0x88, s3;
	s6 =	simm.s32 @!p1 $0x1082;
	[sflag:s4] =	ssyncset.s32 $0xFFFFF086  }
0x25: {  	[simem:s6], [sflag:s4] =	dma.local [hbm:s3], $0xF7A  }
0x26: {  	[smem:$0x3F8E] =	sst s1;
	(tag) =	ssettag s2;
	_ =	strace s9  }
0x27: {  	s1 =	sld [smem:$0x3F9E]  }
0x28: {  	s2 =	sld [smem:$0x3F9F]  }
0x29: {  	s4 =	sld [smem:$0x3FA1]  }
0x2a: {  	p0 =	seq.s32 s5, $0x0;
	s5 =	sld [smem:$0x3FA2]  }
0x2b: {  	s6 =	sld [smem:$0x3FA3]  }
0x2c: {  	s7 =	sld [smem:$0x3FA4]  }
0x2d: {  	s3 =	simm.s32 $0x108;
	s8 =	sld [smem:$0x3FA5]  }
0x2e: {  	s3 =	simm.s32 @!p0 $0x1082;
	s9 =	sld [smem:$0x3FA6]  }
0x2f: {  	lr =	sadd.s32 s0, s3;
	s0 =	sld [smem:$0x3F9D]  }
0x30: {  	s3 =	sld [smem:$0x3FA0]  }
0x31: {  	[smem:$0x3FA9] =	sst s10  }
0x32: {  	s10 =	sld [smem:$0x3FA7];
	_ =	sdelay $0x3  }
0x33: {  	p0 =	seq.s32 s10, $0x1;
	s10 =	sld [smem:$0x3FA9];
	_ =	sdelay $0x3  }
0x34: {  	[smem:$0x3FA9] =	sst s10  }
0x35: {  	s10 =	sld [smem:$0x3FA8];
	_ =	sdelay $0x3  }
0x36: {  	p1 =	seq.s32 s10, $0x1;
	s10 =	sld [smem:$0x3FA9];
	_ =	sdelay $0x3  }
0x37: {  	[smem:$0x3FA9] =	sst s10  }
0x38: {  	s10 =	sld [smem:$0x3FAA]  }
0x39: {  	_ = 	snop;
	(pc) =	sbr.ind lr, $3  }
0x3a: {  	_ = 	snop  }
0x3b: {  	_ = 	snop  }
0x3c: {  	p2 =	seq.s32 s10, $0x1;
	s10 =	sld [smem:$0x3FA9]  }
0x3d: {  	_ =	shalt  }
0x3e: {  	_ =	shalt  }
0x3f: {  	_ =	shalt  }
0x40: {  	_ =	shalt  }
0x41: {  	_ =	shalt  }
0x42: {  	_ =	shalt  }
0x43: {  	_ =	shalt  }
0x44: {  	_ =	shalt  }
0x45: {  	_ =	shalt  }
0x46: {  	_ =	shalt  }
0x47: {  	_ =	shalt  }
0x48: {  	_ =	shalt  }
0x49: {  	_ =	shalt  }
0x4a: {  	_ =	shalt  }
0x4b: {  	_ =	shalt  }
0x4c: {  	_ =	shalt  }
0x4d: {  	_ =	shalt  }
0x4e: {  	_ =	shalt  }
0x4f: {  	_ =	shalt  }
0x50: {  	_ =	shalt  }
0x51: {  	_ =	shalt  }
0x52: {  	_ =	shalt  }
0x53: {  	_ =	shalt  }
0x54: {  	_ =	shalt  }
0x55: {  	_ =	shalt  }
0x56: {  	_ =	shalt  }
0x57: {  	_ =	shalt  }
0x58: {  	_ =	shalt  }
0x59: {  	_ =	shalt  }
0x5a: {  	_ =	shalt  }
0x5b: {  	_ =	shalt  }
0x5c: {  	_ =	shalt  }
0x5d: {  	_ =	shalt  }
0x5e: {  	_ =	shalt  }
0x5f: {  	_ =	shalt  }
0x60: {  	_ =	shalt  }
0x61: {  	_ =	shalt  }
0x62: {  	_ =	shalt  }
0x63: {  	_ =	shalt  }
0x64: {  	_ =	shalt  }
0x65: {  	_ =	shalt  }
0x66: {  	_ =	shalt  }
0x67: {  	_ =	shalt  }
0x68: {  	_ =	shalt  }
0x69: {  	_ =	shalt  }
0x6a: {  	_ =	shalt  }
0x6b: {  	_ =	shalt  }
0x6c: {  	_ =	shalt  }
0x6d: {  	_ =	shalt  }
0x6e: {  	_ =	shalt  }
0x6f: {  	_ =	shalt  }
0x70: {  	_ =	shalt  }
0x71: {  	_ =	shalt  }
0x72: {  	_ =	shalt  }
0x73: {  	_ =	shalt  }
0x74: {  	_ =	shalt  }
0x75: {  	_ =	shalt  }
0x76: {  	_ =	shalt  }
0x77: {  	_ =	shalt  }
0x78: {  	_ =	shalt  }
0x79: {  	_ =	shalt  }
0x7a: {  	_ =	shalt  }
0x7b: {  	_ =	shalt  }
0x7c: {  	_ =	shalt  }
0x7d: {  	_ =	shalt  }
0x7e: {  	_ =	shalt  }
0x7f: {  	_ =	shalt  }
0x80: {  	_ =	shalt  }
0x81: {  	_ =	shalt  }
0x82: {  	_ =	shalt  }
0x83: {  	_ =	shalt  }
0x84: {  	_ =	shalt  }
0x85: {  	_ =	shalt  }
0x86: {  	_ =	shalt  }
0x87: {  	_ =	shalt  }
.Lfunc_end0:
.L_simem_size_0:
called_computation.4_lowered:
.L_overlay_start_0:
0x88: {  	s2 =	sld [smem:$0x3FD9]  }
0x89: {  	s3 =	sld [smem:$0x3FFE];
	_ =	sdelay $0x1  }
0x8a: {  	s1 =	srdreg.scid  }
0x8b: {  	s0 =	sand.u32 $0x1, s1  }
0x8c: {  	s15 =	sshll.u32 s0, $0xA;
	s2 =	sadd.s32 s3, s2  }
0x8d: {  	s2 =	sadd.s32 s2, s15  }
0x8e: {  	[smem:$0x3FB5] =	sst s2  }
0x8f: {  	_ = 	snop  }
0x90: {  	s4 =	sld [smem:$0x3FD0];
	_ =	sdelay $0x1  }
0x91: {  	s2 =	sld [smem:$0x3FC9]  }
0x92: {  	s5 =	simm.s32 $0xB;
	s6 =	simm.s32 $0x10;
	s16 =	sld [smem:$0x3FC8]  }
0x93: {  	[smem:s6], [sflag:s5] =	dma.local [hbm:s4], $0x1  }
0x94: {  	_ =	swait.eq [sflag:s5], $0x1  }
0x95: {  	[sflag:s5] =	ssyncset.done $0x0  }
0x96: {  	[sflag:s5] =	ssyncadd.s32 $0xFFFFFFFF  }
0x97: {  	s17 =	sld [smem:$0x10];
	(tm) =	ssettm $0x1  }
0x98: {  	s18 =	sld [smem:$0x3FFB];
	_ =	sdelay $0x3  }
0x99: {  	_ =	strace s18  }
0x9a: {  	s4 =	sld [smem:$0x3FFC];
	_ =	sdelay $0x3  }
0x9b: {  	_ =	strace s4  }
0x9c: {  	s4 =	sld [smem:$0x3FFD];
	_ =	sdelay $0x3  }
0x9d: {  	_ =	strace s4  }
0x9e: {  	_ =	strace $0x8FFFFFFF  }
0x9f: {  	s19 =	sld [smem:$0x3FDB];
	_ =	sdelay $0x1  }
0xa0: {  	s20 =	simm.s32 $_scs_section_size  }
0xa1: {  	s7 =	simm.s32 $_size__tile_overlayer_lowered;
	s8 =	simm.s32 $_tile_overlayer_lowered  }
0xa2: {  	s9 =	simm.s32 $0x1BFF;
	s21 =	sshll.u32 s8, $0x1;
	s6 =	sadd.s32 s20, s19  }
0xa3: {  	s22 =	simm.s32 $0x0;
	s7 =	sshll.u32 s7, $0x1;
	s8 =	sadd.s32 s21, s6  }
0xa4: {  	[timem:s22], [sflag:s9] =	dma.local [hbm:s8], s7  }
0xa5: {  	_ =	swait.ge [sflag:s9], s7  }
0xa6: {  	s7 =	ssub.s32 $0x0, s7;
	[sflag:s9] =	ssyncset.done $0x0  }
0xa7: {  	[sflag:s9] =	ssyncadd.s32 s7;
	_ =	sdelay $0x1  }
0xa8: {  	s23 =	simm.s32 $0x1B8B  }
0xa9: {  	_ =	swait.ge [sflag:s23], $0x1  }
0xaa: {  	[sflag:s23] =	ssyncset.done $0x0  }
0xab: {  	[sflag:s23] =	ssyncadd.s32 $0xFFFFFFFF  }
0xac: {  	s7 =	sld [smem:$0x0]  }
0xad: {  	s8 =	sand.u32 $0xFFFFFFFE, s1  }
0xae: {  	p0 =	sne.s32 s1, s8  }
0xaf: {  	s8 =	sshll.u32 @p0 s8, $0xE  }
0xb0: {  	s8 =	sadd.s32 @p0 $0x11B8D, s8;
	s9 =	sshll.u32 @p0 s7, $0x11  }
0xb1: {  	s8 =	sor.u32 @p0 s9, s8  }
0xb2: {  	[sflag:s8] =	ssyncadd.remote.s32 @p0 $0x1;
	_ =	sdelay $0x1  }
0xb3: {  	s8 =	simm.s32 @p0 $0x1B8D  }
0xb4: {  	_ =	swait.eq @p0 [sflag:s8], $0x1  }
0xb5: {  	[sflag:s8] =	ssyncadd.s32 @p0 $0xFFFFFFFF  }
0xb6: {  	s9 =	sshll.u32 @!p0 s1, $0xE  }
0xb7: {  	s9 =	sor.u32 @!p0 $0x4000, s9;
	s8 =	simm.s32 @!p0 $0x1B8D  }
0xb8: {  	s7 =	sshll.u32 @!p0 s7, $0x11;
	s9 =	sadd.s32 @!p0 $0x11B8D, s9;
	_ =	swait.eq @!p0 [sflag:s8], $0x1  }
0xb9: {  	s7 =	sor.u32 @!p0 s7, s9;
	[sflag:s8] =	ssyncadd.s32 @!p0 $0xFFFFFFFF  }
0xba: {  	s25 =	simm.s32 $0x1B8E;
	s24 =	sld [smem:$0x3FFE];
	[sflag:s7] =	ssyncadd.remote.s32 @!p0 $0x1  }
0xbb: {  	s26 =	simm.s32 $execute0_lowered;
	[smem:$0x3FD2] =	sst s25  }
0xbc: {  	s8 =	sshll.u32 s26, $0x1;
	_ =	strace $0x80000055;
	[dreg:$0x1] =	wrdreg $0xFFFFFFFF  }
0xbd: {  	s28 =	simm.s32 $_size_execute0_lowered;
	s6 =	sadd.s32 s6, s8;
	[dreg:$0x0] =	wrdreg $0x0  }
0xbe: {  	s8 =	sshll.u32 s28, $0x1;
	[dreg:$0x2] =	wrdreg s6  }
0xbf: {  	[dreg:$0x3] =	wrdreg s8  }
0xc0: {  	[dreg:$0x4] =	wrdreg $0xC0  }
0xc1: {  	_ =	task [dreg:s22], $0x5FFFF  }
0xc2: {  	[dreg:$0x1] =	wrdreg $0xFFFFFFFF  }
0xc3: {  	[dreg:$0x0] =	wrdreg $0x60  }
0xc4: {  	[dreg:$0x2] =	wrdreg s2  }
0xc5: {  	[dreg:$0x3] =	wrdreg s16  }
0xc6: {  	[dreg:$0x4] =	wrdreg s24  }
0xc7: {  	[dreg:$0x5] =	wrdreg s17  }
0xc8: {  	[dreg:$0x6] =	wrdreg $0x9  }
0xc9: {  	_ =	task.clear_ibuf [dreg:s22], $0x7FFFF;
	_ =	strace $0x90000055  }
0xca: {  	s29 =	simm.s32 $0x9;
	_ =	strace $0x80000057  }
0xcb: {  	_ =	swait.ge [sflag:s29], $0x1  }
0xcc: {  	[sflag:s29] =	ssyncadd.s32 $0xFFFFFFFF  }
0xcd: {  	_ =	strace $0x90000057  }
0xce: {  	_ =	sfence  }
0xcf: {  	s30 =	sld [smem:$0x0];
	_ =	sdelay $0x2  }
0xd0: {  	s31 =	sshll.u32 s1, $0xD;
	s1 =	sshrl.u32 s1, $0x2  }
0xd1: {  	s3 =	sand.u32 $0x4000, s31;
	s1 =	sadd.s32 s1, s30  }
0xd2: {  	s0 =	sor.u32 s3, s0;
	s1 =	sshll.u32 s1, $0x11  }
0xd3: {  	s0 =	sor.u32 s1, s0  }
0xd4: {  	s0 =	sadd.s32 $0x8F2B, s0  }
0xd5: {  	[sflag:s0] =	ssyncadd.remote.s32 $0x1  }
0xd6: {  	_ =	sfence.sel $0xFFFF  }
0xd7: {  	[dreg:$0x0] =	wrdreg $0xFFFFFFFF;
	(pc) =	sbr.abs _section_cstart, $3  }
0xd8: {  	[dreg:$0x1] =	wrdreg $0xFFFFFFFF  }
0xd9: {  	_ =	task.clear_ibuf [dreg:s22], $0x2FFFF;
	_ =	strace $0x9FFFFFFF  }
0xda: {  	(tm) =	ssettm $0x7FFFFFFF  }
0xdb: {  	_ =	shalt  }
tec
execute0_lowered:
.L_overlay_start_1:
0x0: {  	(tag) =	ssettag $0x1  }
0x1: {  	s1 =	rddreg [dreg:$0x0]  }
0x2: {  	s2 =	rddreg [dreg:$0x1]  }
0x3: {  	s5 =	rddreg [dreg:$0x2]  }
0x4: {  	s8 =	rddreg [dreg:$0x3];
	s4 =	simm.s32 $0x0  }
0x5: {  	s10 =	simm.s32 $0x80;
	[smem:$0x7FF] =	sst s4  }
0x6: {  	s11 =	simm.s32 $0x900;
	_ =	strace $0x80000056;
	[dreg:$0x9] =	wrdreg s10  }
0x7: {  	s12 =	simm.s32 $0x1100;
	[dreg:$0xa] =	wrdreg s11  }
0x8: {  	s13 =	simm.s32 $0x1900;
	[dreg:$0xb] =	wrdreg s12  }
0x9: {  	s15 =	simm.s32 $0x2100;
	[dreg:$0xc] =	wrdreg s13  }
0xa: {  	s16 =	simm.s32 $0x2900;
	[dreg:$0xd] =	wrdreg s15  }
0xb: {  	s17 =	simm.s32 $0x3100;
	[dreg:$0xe] =	wrdreg s16  }
0xc: {  	s18 =	simm.s32 $0x3900;
	[dreg:$0xf] =	wrdreg s17  }
0xd: {  	s3 =	srdreg.scid;
	s19 =	simm.s32 $0x8900;
	[dreg:$0x10] =	wrdreg s18  }
0xe: {  	s0 =	stileid.u32;
	s21 =	simm.s32 $0x9100;
	[dreg:$0x11] =	wrdreg s19  }
0xf: {  	s22 =	simm.s32 $0x9900;
	s24 =	simm.s32 $0xA100;
	[dreg:$0x12] =	wrdreg s21  }
0x10: {  	s25 =	simm.s32 $0xA900;
	s26 =	simm.s32 $0xB100;
	[dreg:$0x13] =	wrdreg s22  }
0x11: {  	s29 =	simm.s32 $0xB900;
	s7 =	smul.u32 $0xA000, s0;
	[dreg:$0x14] =	wrdreg s24  }
0x12: {  	s6 =	sand.u32 $0x1, s3;
	s14 =	smul.u32 $0x500, s0;
	[dreg:$0x15] =	wrdreg s25  }
0x13: {  	s30 =	simm.s32 $0x4900;
	s9 =	smul.u32 $0x5000, s6;
	[dreg:$0x16] =	wrdreg s26  }
0x14: {  	s28 =	simm.s32 $0x0;
	s10 =	smul.u32 $0x280, s6;
	[dreg:$0x17] =	wrdreg s29  }
0x15: {  	s6 =	ssub.s32 $0x2, s6;
	[dreg:$0x18] =	wrdreg s30;
	s11 =	simm.s32 $0x5900  }
0x16: {  	s12 =	simm.s32 $0x6100;
	s13 =	simm.s32 $0x7100;
	s15 =	simm.s32 $0xC100  }
0x17: {  	s16 =	simm.s32 $0xC900;
	s17 =	simm.s32 $0xD100;
	s18 =	simm.s32 $0xD900  }
0x18: {  	s19 =	simm.s32 $0xE100;
	s21 =	simm.s32 $0xF100;
	s22 =	simm.s32 $0xF900  }
0x19: {  	s24 =	simm.s32 $0x2;
	s25 =	simm.s32 $0x3;
	s7 =	sadd.s32 s7, s5  }
0x1a: {  	s26 =	simm.s32 $0x4;
	[dreg:$0x1a] =	wrdreg s11;
	s7 =	sadd.s32 s9, s7  }
0x1b: {  	s23 =	sshrl.u32 s6, $0x1;
	[dreg:$0x1b] =	wrdreg s12;
	s9 =	sadd.s32 $0x1C200, s7  }
0x1c: {  	s11 =	simm.s32 $0x4100;
	s31 =	sadd.s32 $0x15C200, s7;
	[dreg:$0x5] =	wrdreg s9  }
0x1d: {  	s12 =	simm.s32 $0x6900;
	s3 =	sadd.s32 $0xBC200, s7;
	[dreg:$0x6] =	wrdreg s31  }
0x1e: {  	s6 =	ssub.s32 s6, s23;
	s7 =	sadd.s32 $0x1FC200, s7;
	[dreg:$0x7] =	wrdreg s3  }
0x1f: {  	s23 =	simm.s32 $0x1;
	[dreg:$0x8] =	wrdreg s7;
	s9 =	sadd.s32 s10, s14  }
0x20: {  	s31 =	simm.s32 $0x5100;
	s10 =	simm.s32 $0x8100;
	s9 =	sshrl.u32 s9, $0x3  }
0x21: {  	v2 =	vlaneseq.u32;
	s14 =	simm.s32 $0x7900;
	[dreg:$0x19] =	wrdreg s31;
	s20 =	sadd.s32 s9, s5  }
0x22: {  	vm0 =	vmmov $0xffff;
	v1 =	vshrl.u32 v2, $0x3;
	s5 =	smax.u32 s6, $0x1;
	s6 =	sadd.s32 s9, s8;
	s8 =	simm.s32 $0x5  }
0x23: {  	v0 =	vand.u32 $0x7, v2;
	v2 =	vor.u32 $0x8, v2;
	v1 =	vmul.u32 $0x8, v1;
	s9 =	simm.s32 $0x100;
	s7 =	sadd.s32 $0x1B800, s20;
	s20 =	simm.s32 $0xE900  }
.LBB2_1:
0x24: {  	s29 =	smov.u32 s7;
	s30 =	smov.u32 s6;
	s31 =	simm.s32 $0x0  }
.LBB2_2:
0x25: {  	[tilespmem:s4], [sflag:$0x5] =	stream.linear.gather [hbm4b:s29+s4], $0x40, $0x38;
	[tilespmem:$0x10100] =	vst v63  }
0x26: {  	_ =	swait.ge [sflag:s8], $0x40  }
0x27: {  	[sflag:s8] =	ssyncset.done $0x0  }
0x28: {  	s3 =	rddreg [dreg:$0x9];
	[sflag:s8] =	ssyncadd.s32 $0xFFFFFFC0  }
0x29: {  	[tilespmem:s3], [sflag:$0x5] =	stream.linear.gather [hbm4b:s30+s4], $0x40, $0x38;
	[tilespmem:$0x10100] =	vst v63  }
0x2a: {  	_ =	swait.ge [sflag:s8], $0x40  }
0x2b: {  	[sflag:s8] =	ssyncset.done $0x0  }
0x2c: {  	[sflag:s8] =	ssyncadd.s32 $0xFFFFFFC0  }
0x2d: {  	v3 =	vld [tilespmem:$0x0];
	_ =	sdelay $0x4  }
0x2e: {  	v4 =	vshll.u32 v3, $0x1  }
0x2f: {  	v3 =	vand.u32 $0x7, v3;
	v4 =	vand.u32 $0xFFFFFFF0, v4  }
0x30: {  	v3 =	vor.u32 v3, v4  }
0x31: {  	v4 =	vperm.xlane v3, v0;
	_ =	sdelay $0x1  }
0x32: {  	v3 =	vperm.xlane v3, v2;
	v4 =	vadd.s32 v1, v4;
	_ =	sdelay $0x1  }
0x33: {  	v3 =	vadd.s32 v1, v3;
	_ =	sdelay $0x2  }
0x34: {  	[tilespmem:s9], [sflag:$0x1] =	stream.indirect_vreg.gather [hbm4b:s1+s4], $0x80, v4, vm0, $0xb8;
	[tilespmem:$0x10100] =	vst v63  }
0x35: {  	s0 =	rddreg [dreg:$0xa]  }
0x36: {  	[tilespmem:s0], [sflag:$0x1] =	stream.indirect_vreg.gather [hbm4b:s1+s4], $0x80, v3, vm0, $0xb8;
	[tilespmem:$0x10100] =	vst v63  }
0x37: {  	v3 =	vld [tilespmem:$0x10];
	_ =	sdelay $0x4  }
0x38: {  	v49 =	vshll.u32 v3, $0x1  }
0x39: {  	v3 =	vand.u32 $0x7, v3;
	v4 =	vand.u32 $0xFFFFFFF0, v49  }
0x3a: {  	v3 =	vor.u32 v3, v4  }
0x3b: {  	v4 =	vperm.xlane v3, v0;
	_ =	sdelay $0x1  }
0x3c: {  	v3 =	vperm.xlane v3, v2;
	v4 =	vadd.s32 v1, v4;
	_ =	sdelay $0x1  }
0x3d: {  	v3 =	vadd.s32 v1, v3;
	_ =	sdelay $0x1  }
0x3e: {  	s3 =	rddreg [dreg:$0xb]  }
0x3f: {  	[tilespmem:s3], [sflag:$0x1] =	stream.indirect_vreg.gather [hbm4b:s1+s4], $0x80, v4, vm0, $0xb8;
	[tilespmem:$0x10100] =	vst v63  }
0x40: {  	s0 =	rddreg [dreg:$0xc]  }
0x41: {  	[tilespmem:s0], [sflag:$0x1] =	stream.indirect_vreg.gather [hbm4b:s1+s4], $0x80, v3, vm0, $0xb8;
	[tilespmem:$0x10100] =	vst v63  }
0x42: {  	v3 =	vld [tilespmem:$0x20];
	_ =	sdelay $0x4  }
0x43: {  	v50 =	vshll.u32 v3, $0x1  }
0x44: {  	v3 =	vand.u32 $0x7, v3;
	v4 =	vand.u32 $0xFFFFFFF0, v50  }
0x45: {  	v3 =	vor.u32 v3, v4  }
0x46: {  	v4 =	vperm.xlane v3, v0;
	_ =	sdelay $0x1  }
0x47: {  	v3 =	vperm.xlane v3, v2;
	v4 =	vadd.s32 v1, v4;
	_ =	sdelay $0x1  }
0x48: {  	v3 =	vadd.s32 v1, v3;
	_ =	sdelay $0x1  }
0x49: {  	s0 =	rddreg [dreg:$0xd]  }
0x4a: {  	[tilespmem:s0], [sflag:$0x1] =	stream.indirect_vreg.gather [hbm4b:s1+s4], $0x80, v4, vm0, $0xb8;
	[tilespmem:$0x10100] =	vst v63  }
0x4b: {  	s3 =	rddreg [dreg:$0xe]  }
0x4c: {  	[tilespmem:s3], [sflag:$0x1] =	stream.indirect_vreg.gather [hbm4b:s1+s4], $0x80, v3, vm0, $0xb8;
	[tilespmem:$0x10100] =	vst v63  }
0x4d: {  	v3 =	vld [tilespmem:$0x30];
	_ =	sdelay $0x4  }
0x4e: {  	v51 =	vshll.u32 v3, $0x1  }
0x4f: {  	v3 =	vand.u32 $0x7, v3;
	v4 =	vand.u32 $0xFFFFFFF0, v51  }
0x50: {  	v3 =	vor.u32 v3, v4  }
0x51: {  	v4 =	vperm.xlane v3, v0;
	_ =	sdelay $0x1  }
0x52: {  	v3 =	vperm.xlane v3, v2;
	v4 =	vadd.s32 v1, v4;
	_ =	sdelay $0x1  }
0x53: {  	v3 =	vadd.s32 v1, v3;
	_ =	sdelay $0x1  }
0x54: {  	s0 =	rddreg [dreg:$0xf]  }
0x55: {  	[tilespmem:s0], [sflag:$0x1] =	stream.indirect_vreg.gather [hbm4b:s1+s4], $0x80, v4, vm0, $0xb8;
	[tilespmem:$0x10100] =	vst v63  }
0x56: {  	s3 =	rddreg [dreg:$0x10]  }
0x57: {  	[tilespmem:s3], [sflag:$0x1] =	stream.indirect_vreg.gather [hbm4b:s1+s4], $0x80, v3, vm0, $0xb8;
	[tilespmem:$0x10100] =	vst v63  }
0x58: {  	v3 =	vld [tilespmem:$0x0];
	_ =	sdelay $0x4  }
0x59: {  	v52 =	vshll.u32 v3, $0x1  }
0x5a: {  	v3 =	vand.u32 $0x7, v3;
	v4 =	vand.u32 $0xFFFFFFF0, v52  }
0x5b: {  	v3 =	vor.u32 v3, v4  }
0x5c: {  	v4 =	vperm.xlane v3, v0;
	_ =	sdelay $0x1  }
0x5d: {  	v3 =	vperm.xlane v3, v2;
	v4 =	vadd.s32 v1, v4;
	_ =	sdelay $0x1  }
0x5e: {  	v3 =	vadd.s32 v1, v3;
	_ =	sdelay $0x2  }
0x5f: {  	[tilespmem:s10], [sflag:$0x1] =	stream.indirect_vreg.gather [hbm4b:s2+s4], $0x80, v4, vm0, $0xb8;
	[tilespmem:$0x10100] =	vst v63  }
0x60: {  	s3 =	rddreg [dreg:$0x11]  }
0x61: {  	[tilespmem:s3], [sflag:$0x1] =	stream.indirect_vreg.gather [hbm4b:s2+s4], $0x80, v3, vm0, $0xb8;
	[tilespmem:$0x10100] =	vst v63  }
0x62: {  	v3 =	vld [tilespmem:$0x10];
	_ =	sdelay $0x4  }
0x63: {  	v53 =	vshll.u32 v3, $0x1  }
0x64: {  	v3 =	vand.u32 $0x7, v3;
	v4 =	vand.u32 $0xFFFFFFF0, v53  }
0x65: {  	v3 =	vor.u32 v3, v4  }
0x66: {  	v4 =	vperm.xlane v3, v0;
	_ =	sdelay $0x1  }
0x67: {  	v3 =	vperm.xlane v3, v2;
	v4 =	vadd.s32 v1, v4;
	_ =	sdelay $0x1  }
0x68: {  	v3 =	vadd.s32 v1, v3;
	_ =	sdelay $0x1  }
0x69: {  	s0 =	rddreg [dreg:$0x12]  }
0x6a: {  	[tilespmem:s0], [sflag:$0x1] =	stream.indirect_vreg.gather [hbm4b:s2+s4], $0x80, v4, vm0, $0xb8;
	[tilespmem:$0x10100] =	vst v63  }
0x6b: {  	s3 =	rddreg [dreg:$0x13]  }
0x6c: {  	[tilespmem:s3], [sflag:$0x1] =	stream.indirect_vreg.gather [hbm4b:s2+s4], $0x80, v3, vm0, $0xb8;
	[tilespmem:$0x10100] =	vst v63  }
0x6d: {  	v3 =	vld [tilespmem:$0x20];
	_ =	sdelay $0x4  }
0x6e: {  	v54 =	vshll.u32 v3, $0x1  }
0x6f: {  	v3 =	vand.u32 $0x7, v3;
	v4 =	vand.u32 $0xFFFFFFF0, v54  }
0x70: {  	v3 =	vor.u32 v3, v4  }
0x71: {  	v4 =	vperm.xlane v3, v0;
	_ =	sdelay $0x1  }
0x72: {  	v3 =	vperm.xlane v3, v2;
	v4 =	vadd.s32 v1, v4;
	_ =	sdelay $0x1  }
0x73: {  	v3 =	vadd.s32 v1, v3;
	_ =	sdelay $0x1  }
0x74: {  	s0 =	rddreg [dreg:$0x14]  }
0x75: {  	[tilespmem:s0], [sflag:$0x1] =	stream.indirect_vreg.gather [hbm4b:s2+s4], $0x80, v4, vm0, $0xb8;
	[tilespmem:$0x10100] =	vst v63  }
0x76: {  	s3 =	rddreg [dreg:$0x15]  }
0x77: {  	[tilespmem:s3], [sflag:$0x1] =	stream.indirect_vreg.gather [hbm4b:s2+s4], $0x80, v3, vm0, $0xb8;
	[tilespmem:$0x10100] =	vst v63  }
0x78: {  	v3 =	vld [tilespmem:$0x30];
	_ =	sdelay $0x4  }
0x79: {  	v55 =	vshll.u32 v3, $0x1  }
0x7a: {  	v3 =	vand.u32 $0x7, v3;
	v4 =	vand.u32 $0xFFFFFFF0, v55  }
0x7b: {  	v3 =	vor.u32 v3, v4  }
0x7c: {  	v4 =	vperm.xlane v3, v0;
	_ =	sdelay $0x1  }
0x7d: {  	v3 =	vperm.xlane v3, v2;
	v4 =	vadd.s32 v1, v4;
	_ =	sdelay $0x1  }
0x7e: {  	v3 =	vadd.s32 v1, v3;
	_ =	sdelay $0x1  }
0x7f: {  	s0 =	rddreg [dreg:$0x16]  }
0x80: {  	[tilespmem:s0], [sflag:$0x1] =	stream.indirect_vreg.gather [hbm4b:s2+s4], $0x80, v4, vm0, $0xb8;
	[tilespmem:$0x10100] =	vst v63  }
0x81: {  	s3 =	rddreg [dreg:$0x17]  }
0x82: {  	[tilespmem:s3], [sflag:$0x1] =	stream.indirect_vreg.gather [hbm4b:s2+s4], $0x80, v3, vm0, $0xb8;
	[tilespmem:$0x10100] =	vst v63  }
0x83: {  	v3 =	vld [tilespmem:$0x80];
	_ =	sdelay $0x4  }
0x84: {  	v56 =	vshll.u32 v3, $0x1  }
0x85: {  	v3 =	vand.u32 $0x7, v3;
	v4 =	vand.u32 $0xFFFFFFF0, v56  }
0x86: {  	v3 =	vor.u32 v3, v4  }
0x87: {  	v4 =	vperm.xlane v3, v0;
	_ =	sdelay $0x1  }
0x88: {  	v3 =	vperm.xlane v3, v2;
	v4 =	vadd.s32 v1, v4;
	_ =	sdelay $0x1  }
0x89: {  	v3 =	vadd.s32 v1, v3;
	_ =	sdelay $0x2  }
0x8a: {  	[tilespmem:s11], [sflag:$0x2] =	stream.indirect_vreg.gather [hbm4b:s1+s4], $0x80, v4, vm0, $0xb8;
	[tilespmem:$0x10100] =	vst v63  }
0x8b: {  	s3 =	rddreg [dreg:$0x18]  }
0x8c: {  	[tilespmem:s3], [sflag:$0x2] =	stream.indirect_vreg.gather [hbm4b:s1+s4], $0x80, v3, vm0, $0xb8;
	[tilespmem:$0x10100] =	vst v63  }
0x8d: {  	v3 =	vld [tilespmem:$0x90];
	_ =	sdelay $0x4  }
0x8e: {  	v57 =	vshll.u32 v3, $0x1  }
0x8f: {  	v3 =	vand.u32 $0x7, v3;
	v4 =	vand.u32 $0xFFFFFFF0, v57  }
0x90: {  	v3 =	vor.u32 v3, v4  }
0x91: {  	v4 =	vperm.xlane v3, v0;
	_ =	sdelay $0x1  }
0x92: {  	v3 =	vperm.xlane v3, v2;
	v4 =	vadd.s32 v1, v4;
	_ =	sdelay $0x1  }
0x93: {  	v3 =	vadd.s32 v1, v3;
	_ =	sdelay $0x1  }
0x94: {  	s0 =	rddreg [dreg:$0x19]  }
0x95: {  	[tilespmem:s0], [sflag:$0x2] =	stream.indirect_vreg.gather [hbm4b:s1+s4], $0x80, v4, vm0, $0xb8;
	[tilespmem:$0x10100] =	vst v63  }
0x96: {  	s3 =	rddreg [dreg:$0x1a]  }
0x97: {  	[tilespmem:s3], [sflag:$0x2] =	stream.indirect_vreg.gather [hbm4b:s1+s4], $0x80, v3, vm0, $0xb8;
	[tilespmem:$0x10100] =	vst v63  }
0x98: {  	v3 =	vld [tilespmem:$0xA0];
	_ =	sdelay $0x4  }
0x99: {  	v58 =	vshll.u32 v3, $0x1  }
0x9a: {  	v3 =	vand.u32 $0x7, v3;
	v4 =	vand.u32 $0xFFFFFFF0, v58  }
0x9b: {  	v3 =	vor.u32 v3, v4  }
0x9c: {  	v4 =	vperm.xlane v3, v0;
	_ =	sdelay $0x1  }
0x9d: {  	v3 =	vperm.xlane v3, v2;
	v4 =	vadd.s32 v1, v4;
	_ =	sdelay $0x1  }
0x9e: {  	v3 =	vadd.s32 v1, v3;
	_ =	sdelay $0x1  }
0x9f: {  	s3 =	rddreg [dreg:$0x1b]  }
0xa0: {  	[tilespmem:s3], [sflag:$0x2] =	stream.indirect_vreg.gather [hbm4b:s1+s4], $0x80, v4, vm0, $0xb8;
	[tilespmem:$0x10100] =	vst v63  }
0xa1: {  	_ = 	snop  }
0xa2: {  	[tilespmem:s12], [sflag:$0x2] =	stream.indirect_vreg.gather [hbm4b:s1+s4], $0x80, v3, vm0, $0xb8;
	[tilespmem:$0x10100] =	vst v63  }
0xa3: {  	v3 =	vld [tilespmem:$0xB0];
	_ =	sdelay $0x4  }
0xa4: {  	v59 =	vshll.u32 v3, $0x1  }
0xa5: {  	v3 =	vand.u32 $0x7, v3;
	v4 =	vand.u32 $0xFFFFFFF0, v59  }
0xa6: {  	v3 =	vor.u32 v3, v4  }
0xa7: {  	v4 =	vperm.xlane v3, v0;
	_ =	sdelay $0x1  }
0xa8: {  	v3 =	vperm.xlane v3, v2;
	v4 =	vadd.s32 v1, v4;
	_ =	sdelay $0x1  }
0xa9: {  	v3 =	vadd.s32 v1, v3;
	_ =	sdelay $0x2  }
0xaa: {  	[tilespmem:s13], [sflag:$0x2] =	stream.indirect_vreg.gather [hbm4b:s1+s4], $0x80, v4, vm0, $0xb8;
	[tilespmem:$0x10100] =	vst v63  }
0xab: {  	_ = 	snop  }
0xac: {  	[tilespmem:s14], [sflag:$0x2] =	stream.indirect_vreg.gather [hbm4b:s1+s4], $0x80, v3, vm0, $0xb8;
	[tilespmem:$0x10100] =	vst v63  }
0xad: {  	v3 =	vld [tilespmem:$0x80];
	_ =	sdelay $0x4  }
0xae: {  	v60 =	vshll.u32 v3, $0x1  }
0xaf: {  	v3 =	vand.u32 $0x7, v3;
	v4 =	vand.u32 $0xFFFFFFF0, v60  }
0xb0: {  	v3 =	vor.u32 v3, v4  }
0xb1: {  	v4 =	vperm.xlane v3, v0;
	_ =	sdelay $0x1  }
0xb2: {  	v3 =	vperm.xlane v3, v2;
	v4 =	vadd.s32 v1, v4;
	_ =	sdelay $0x1  }
0xb3: {  	v3 =	vadd.s32 v1, v3;
	_ =	sdelay $0x2  }
0xb4: {  	[tilespmem:s15], [sflag:$0x2] =	stream.indirect_vreg.gather [hbm4b:s2+s4], $0x80, v4, vm0, $0xb8;
	[tilespmem:$0x10100] =	vst v63  }
0xb5: {  	_ = 	snop  }
0xb6: {  	[tilespmem:s16], [sflag:$0x2] =	stream.indirect_vreg.gather [hbm4b:s2+s4], $0x80, v3, vm0, $0xb8;
	[tilespmem:$0x10100] =	vst v63  }
0xb7: {  	v3 =	vld [tilespmem:$0x90];
	_ =	sdelay $0x4  }
0xb8: {  	v61 =	vshll.u32 v3, $0x1  }
0xb9: {  	v3 =	vand.u32 $0x7, v3;
	v4 =	vand.u32 $0xFFFFFFF0, v61  }
0xba: {  	v3 =	vor.u32 v3, v4  }
0xbb: {  	v4 =	vperm.xlane v3, v0;
	_ =	sdelay $0x1  }
0xbc: {  	v3 =	vperm.xlane v3, v2;
	v4 =	vadd.s32 v1, v4;
	_ =	sdelay $0x1  }
0xbd: {  	v3 =	vadd.s32 v1, v3;
	_ =	sdelay $0x2  }
0xbe: {  	[tilespmem:s17], [sflag:$0x2] =	stream.indirect_vreg.gather [hbm4b:s2+s4], $0x80, v4, vm0, $0xb8;
	[tilespmem:$0x10100] =	vst v63  }
0xbf: {  	_ = 	snop  }
0xc0: {  	[tilespmem:s18], [sflag:$0x2] =	stream.indirect_vreg.gather [hbm4b:s2+s4], $0x80, v3, vm0, $0xb8;
	[tilespmem:$0x10100] =	vst v63  }
0xc1: {  	v3 =	vld [tilespmem:$0xA0];
	_ =	sdelay $0x4  }
0xc2: {  	v62 =	vshll.u32 v3, $0x1  }
0xc3: {  	v3 =	vand.u32 $0x7, v3;
	v4 =	vand.u32 $0xFFFFFFF0, v62  }
0xc4: {  	v3 =	vor.u32 v3, v4  }
0xc5: {  	v4 =	vperm.xlane v3, v0;
	_ =	sdelay $0x1  }
0xc6: {  	v3 =	vperm.xlane v3, v2;
	v4 =	vadd.s32 v1, v4;
	_ =	sdelay $0x1  }
0xc7: {  	v3 =	vadd.s32 v1, v3;
	_ =	sdelay $0x2  }
0xc8: {  	[tilespmem:s19], [sflag:$0x2] =	stream.indirect_vreg.gather [hbm4b:s2+s4], $0x80, v4, vm0, $0xb8;
	[tilespmem:$0x10100] =	vst v63  }
0xc9: {  	_ = 	snop  }
0xca: {  	[tilespmem:s20], [sflag:$0x2] =	stream.indirect_vreg.gather [hbm4b:s2+s4], $0x80, v3, vm0, $0xb8;
	[tilespmem:$0x10100] =	vst v63  }
0xcb: {  	v3 =	vld [tilespmem:$0xB0];
	_ =	sdelay $0x4  }
0xcc: {  	v63 =	vshll.u32 v3, $0x1  }
0xcd: {  	v3 =	vand.u32 $0x7, v3;
	v4 =	vand.u32 $0xFFFFFFF0, v63  }
0xce: {  	v3 =	vor.u32 v3, v4  }
0xcf: {  	v4 =	vperm.xlane v3, v0;
	_ =	sdelay $0x1  }
0xd0: {  	v3 =	vperm.xlane v3, v2;
	v4 =	vadd.s32 v1, v4;
	_ =	sdelay $0x1  }
0xd1: {  	v3 =	vadd.s32 v1, v3;
	_ =	sdelay $0x2  }
0xd2: {  	[tilespmem:s21], [sflag:$0x2] =	stream.indirect_vreg.gather [hbm4b:s2+s4], $0x80, v4, vm0, $0xb8;
	[tilespmem:$0x10100] =	vst v63  }
0xd3: {  	_ = 	snop  }
0xd4: {  	[tilespmem:s22], [sflag:$0x2] =	stream.indirect_vreg.gather [hbm4b:s2+s4], $0x80, v3, vm0, $0xb8;
	[tilespmem:$0x10100] =	vst v63  }
0xd5: {  	_ =	swait.ge [sflag:s23], $0x4000  }
0xd6: {  	[sflag:s23] =	ssyncset.done $0x0  }
0xd7: {  	[sflag:s23] =	ssyncadd.s32 $0xFFFFC000  }
0xd8: {  	_ =	swait.ge [sflag:s23], $0x4000  }
0xd9: {  	s0 =	rddreg [dreg:$0x5];
	[sflag:s23] =	ssyncset.done $0x0  }
0xda: {  	s3 =	rddreg [dreg:$0x6];
	[sflag:s23] =	ssyncadd.s32 $0xFFFFC000;
	s0 =	sadd.s32 s31, s0  }
0xdb: {  	[hbm4b:s0+s4] =	stream.linear.scatter [tilespmem:s9], [sflag:$0x3], $0x4000, $0x38;
	[tilespmem:$0x10100] =	vst v63  }
0xdc: {  	s3 =	sadd.s32 s31, s3  }
0xdd: {  	[hbm4b:s3+s4] =	stream.linear.scatter [tilespmem:s10], [sflag:$0x3], $0x4000, $0x38;
	[tilespmem:$0x10100] =	vst v63  }
0xde: {  	_ =	swait.ge [sflag:s24], $0x4000  }
0xdf: {  	[sflag:s24] =	ssyncset.done $0x0  }
0xe0: {  	[sflag:s24] =	ssyncadd.s32 $0xFFFFC000  }
0xe1: {  	_ =	swait.ge [sflag:s24], $0x4000  }
0xe2: {  	s0 =	rddreg [dreg:$0x7];
	[sflag:s24] =	ssyncset.done $0x0  }
0xe3: {  	s3 =	rddreg [dreg:$0x8];
	[sflag:s24] =	ssyncadd.s32 $0xFFFFC000;
	s0 =	sadd.s32 s31, s0  }
0xe4: {  	[hbm4b:s0+s4] =	stream.linear.scatter [tilespmem:s11], [sflag:$0x4], $0x4000, $0x38;
	[tilespmem:$0x10100] =	vst v63  }
0xe5: {  	s3 =	sadd.s32 s31, s3  }
0xe6: {  	[hbm4b:s3+s4] =	stream.linear.scatter [tilespmem:s15], [sflag:$0x4], $0x4000, $0x38;
	[tilespmem:$0x10100] =	vst v63  }
0xe7: {  	_ =	swait.ge [sflag:s25], $0x4000  }
0xe8: {  	[sflag:s25] =	ssyncset.done $0x0  }
0xe9: {  	[sflag:s25] =	ssyncadd.s32 $0xFFFFC000  }
0xea: {  	_ =	swait.ge [sflag:s25], $0x4000  }
0xeb: {  	[sflag:s25] =	ssyncset.done $0x0  }
0xec: {  	[sflag:s25] =	ssyncadd.s32 $0xFFFFC000  }
0xed: {  	p0 =	sne.s32 s31, $0x4800;
	_ =	swait.ge [sflag:s26], $0x4000  }
.Ltmp0:
0xee: {  	[sflag:s26] =	ssyncset.done $0x0;
	(pc) =	sbr.rel @p0 .LBB2_2-.Ltmp0, $4  }
0xef: {  	[sflag:s26] =	ssyncadd.s32 $0xFFFFC000  }
0xf0: {  	_ =	swait.ge [sflag:s26], $0x4000  }
0xf1: {  	s29 =	sadd.s32 $0x8, s29;
	[sflag:s26] =	ssyncset.done $0x0  }
0xf2: {  	s30 =	sadd.s32 $0x8, s30;
	s31 =	sadd.s32 $0x800, s31;
	[sflag:s26] =	ssyncadd.s32 $0xFFFFC000  }
0xf3: {  	s28 =	sadd.s32 $0x1, s28  }
0xf4: {  	p0 =	sne.s32 s28, s5  }
.Ltmp1:
0xf5: {  	_ = 	snop;
	(pc) =	sbr.rel @p0 .LBB2_1-.Ltmp1, $1  }
0xf6: {  	_ =	sdelay $0x3  }
0xf7: {  	_ =	sfence.sel $0x180000  }
0xf8: {  	[bflag:$0x0] =	sbarrier.arrive $0xFFFF  }
0xf9: {  	_ =	strace $0x90000056  }
0xfa: {  	s0 =	stileid.u32;
	[bflag:$0x2] =	sbarrier.arrive $0xFFFF  }
0xfb: {  	p0 =	sne.s32 s0, $0x0;
	s0 =	rddreg [dreg:$0x4]  }
0xfc: {  	s0 =	sadd.s32 @!p0 $0x100000, s0  }
0xfd: {  	[sflag:s0] =	ssyncadd.tile.s32 @!p0 $0x1;
	_ =	shalt  }
.Lfunc_end2:
_tile_overlayer_lowered:
.L_overlay_start_2:
0xfe: {  	(tag) =	ssettag $0x2  }
0xff: {  	s0 =	rddreg [dreg:$0x0];
	s2 =	stileid.u32  }
0x100: {  	s1 =	rddreg [dreg:$0x1];
	p0 =	sne.s32 s2, $0x0  }
0x101: {  	s3 =	rddreg [dreg:$0x2];
	[bflag:$0x3] =	sbarrier.arrive $0xFFFF;
	s2 =	simm.s32 @!p0 $0x1C05  }
0x102: {  	[timem:s3], [sflag:s2] =	dma.local @!p0 [hbm:s0], s1  }
0x103: {  	s0 =	simm.s32 @!p0 $0x5  }
0x104: {  	_ =	swait.ge @!p0 [sflag:s0], s1  }
0x105: {  	s1 =	ssub.s32 @!p0 $0x0, s1;
	[sflag:s0] =	ssyncset.done @!p0 $0x0  }
0x106: {  	[sflag:s0] =	ssyncadd.s32 @!p0 s1  }
0x107: {  	[bflag:$0x3] =	sbarrier.arrive $0xFFFF  }
0x108: {  	_ =	shalt  }

// kernel: kernel.22.cloned.1.call-start
scs
__scs_entry_jumppad:
0x0: {  	(pc) =	sbr.rel $0x88, $3  }
0x1: {  	(tag) =	ssettag $0x0;
	lr =	simm.s32 $0x1  }
0x2: {  	[smem:$0x3F8E] =	sst lr;
	_ =	strace $0xD0000000  }
0x3: {  	_ = 	snop  }
0x4: {  	_ = 	snop  }
0x5: {  	_ = 	snop  }
0x6: {  	_ = 	snop  }
0x7: {  	_ = 	snop  }
__scs_overlays_trampoline_lowered:
0x8: {  	[smem:$0x3F9D] =	sst s0  }
0x9: {  	[smem:$0x3F9E] =	sst s1  }
0xa: {  	[smem:$0x3F9F] =	sst s2  }
0xb: {  	[smem:$0x3FA0] =	sst s3  }
0xc: {  	[smem:$0x3FA1] =	sst s4  }
0xd: {  	[smem:$0x3FA2] =	sst s5  }
0xe: {  	[smem:$0x3FA3] =	sst s6  }
0xf: {  	[smem:$0x3FA4] =	sst s7  }
0x10: {  	[smem:$0x3FA5] =	sst s8  }
0x11: {  	[smem:$0x3FA6] =	sst s9;
	s0 =	simm.s32 @!p0 $0x0  }
0x12: {  	s1 =	sld [smem:$0x3F8C];
	s0 =	simm.s32 @p0 $0x1  }
0x13: {  	[smem:$0x3FA7] =	sst s0;
	s0 =	simm.s32 @!p1 $0x0  }
0x14: {  	s2 =	sld [smem:$0x3F8B];
	s0 =	simm.s32 @p1 $0x1  }
0x15: {  	[smem:$0x3FA8] =	sst s0;
	s0 =	simm.s32 @!p2 $0x0  }
0x16: {  	s3 =	sld [smem:$0x3FDB];
	s0 =	simm.s32 @p2 $0x1  }
0x17: {  	s4 =	simm.s32 $0x1BF5;
	[smem:$0x3FAA] =	sst s0  }
0x18: {  	s0 =	sld [smem:$0x3F8D];
	_ =	swait.ge [sflag:s4], $0x0  }
0x19: {  	s7 =	sld [smem:$0x3F8E]  }
0x1a: {  	s8 =	sadd.s32 $0xFFFFE003, lr  }
0x1b: {  	s9 =	sadd.s32 $0xFFFFFEF7, lr;
	s5 =	simm.s32 $0xFFFFFFFF;
	p2 =	slt.u32 s8, $0xFFFFF086  }
0x1c: {  	p1 =	slt.u32 s9, $0xF7A;
	s5 =	simm.s32 @!p2 $0x0  }
0x1d: {  	s5 =	simm.s32 @p1 $0x1;
	p0 =	seq.s32 s7, s2  }
0x1e: {  	s7 =	smul.u32 @!p0 $0xF7A, s2;
	p2 =	seq.s32 @!p0 s5, $0x0  }
0x1f: {  	s9 =	smul.u32 $0xF7A, s1;
	s8 =	simm.s32 @!p0 $0x1BF5;
	p2 =	por !p2, p0  }
0x20: {  	[sflag:s8] =	ssyncset.s32 @!p0 $0xFFFFF086;
	s6 =	sadd.s32 @!p0 s3, s7;
	s7 =	simm.s32 @!p0 $0x108  }
0x21: {  	s3 =	sadd.s32 s3, s9;
	s6 =	sadd.s32 @!p0 $0x88, s6;
	s7 =	simm.s32 @p2 $0x1082  }
0x22: {  	[simem:s7], [sflag:s8] =	dma.local @!p0 [hbm:s6], $0xF7A  }
0x23: {  	s9 =	sor.u32 $0xD0000000, s2;
	s6 =	simm.s32 $0x108;
	_ =	swait.ge @!p0 [sflag:s8], $0x0  }
0x24: {  	s3 =	sadd.s32 $0x88, s3;
	s6 =	simm.s32 @!p1 $0x1082;
	[sflag:s4] =	ssyncset.s32 $0xFFFFF086  }
0x25: {  	[simem:s6], [sflag:s4] =	dma.local [hbm:s3], $0xF7A  }
0x26: {  	[smem:$0x3F8E] =	sst s1;
	(tag) =	ssettag s2;
	_ =	strace s9  }
0x27: {  	s1 =	sld [smem:$0x3F9E]  }
0x28: {  	s2 =	sld [smem:$0x3F9F]  }
0x29: {  	s4 =	sld [smem:$0x3FA1]  }
0x2a: {  	p0 =	seq.s32 s5, $0x0;
	s5 =	sld [smem:$0x3FA2]  }
0x2b: {  	s6 =	sld [smem:$0x3FA3]  }
0x2c: {  	s7 =	sld [smem:$0x3FA4]  }
0x2d: {  	s3 =	simm.s32 $0x108;
	s8 =	sld [smem:$0x3FA5]  }
0x2e: {  	s3 =	simm.s32 @!p0 $0x1082;
	s9 =	sld [smem:$0x3FA6]  }
0x2f: {  	lr =	sadd.s32 s0, s3;
	s0 =	sld [smem:$0x3F9D]  }
0x30: {  	s3 =	sld [smem:$0x3FA0]  }
0x31: {  	[smem:$0x3FA9] =	sst s10  }
0x32: {  	s10 =	sld [smem:$0x3FA7];
	_ =	sdelay $0x3  }
0x33: {  	p0 =	seq.s32 s10, $0x1;
	s10 =	sld [smem:$0x3FA9];
	_ =	sdelay $0x3  }
0x34: {  	[smem:$0x3FA9] =	sst s10  }
0x35: {  	s10 =	sld [smem:$0x3FA8];
	_ =	sdelay $0x3  }
0x36: {  	p1 =	seq.s32 s10, $0x1;
	s10 =	sld [smem:$0x3FA9];
	_ =	sdelay $0x3  }
0x37: {  	[smem:$0x3FA9] =	sst s10  }
0x38: {  	s10 =	sld [smem:$0x3FAA]  }
0x39: {  	_ = 	snop;
	(pc) =	sbr.ind lr, $3  }
0x3a: {  	_ = 	snop  }
0x3b: {  	_ = 	snop  }
0x3c: {  	p2 =	seq.s32 s10, $0x1;
	s10 =	sld [smem:$0x3FA9]  }
0x3d: {  	_ =	shalt  }
0x3e: {  	_ =	shalt  }
0x3f: {  	_ =	shalt  }
0x40: {  	_ =	shalt  }
0x41: {  	_ =	shalt  }
0x42: {  	_ =	shalt  }
0x43: {  	_ =	shalt  }
0x44: {  	_ =	shalt  }
0x45: {  	_ =	shalt  }
0x46: {  	_ =	shalt  }
0x47: {  	_ =	shalt  }
0x48: {  	_ =	shalt  }
0x49: {  	_ =	shalt  }
0x4a: {  	_ =	shalt  }
0x4b: {  	_ =	shalt  }
0x4c: {  	_ =	shalt  }
0x4d: {  	_ =	shalt  }
0x4e: {  	_ =	shalt  }
0x4f: {  	_ =	shalt  }
0x50: {  	_ =	shalt  }
0x51: {  	_ =	shalt  }
0x52: {  	_ =	shalt  }
0x53: {  	_ =	shalt  }
0x54: {  	_ =	shalt  }
0x55: {  	_ =	shalt  }
0x56: {  	_ =	shalt  }
0x57: {  	_ =	shalt  }
0x58: {  	_ =	shalt  }
0x59: {  	_ =	shalt  }
0x5a: {  	_ =	shalt  }
0x5b: {  	_ =	shalt  }
0x5c: {  	_ =	shalt  }
0x5d: {  	_ =	shalt  }
0x5e: {  	_ =	shalt  }
0x5f: {  	_ =	shalt  }
0x60: {  	_ =	shalt  }
0x61: {  	_ =	shalt  }
0x62: {  	_ =	shalt  }
0x63: {  	_ =	shalt  }
0x64: {  	_ =	shalt  }
0x65: {  	_ =	shalt  }
0x66: {  	_ =	shalt  }
0x67: {  	_ =	shalt  }
0x68: {  	_ =	shalt  }
0x69: {  	_ =	shalt  }
0x6a: {  	_ =	shalt  }
0x6b: {  	_ =	shalt  }
0x6c: {  	_ =	shalt  }
0x6d: {  	_ =	shalt  }
0x6e: {  	_ =	shalt  }
0x6f: {  	_ =	shalt  }
0x70: {  	_ =	shalt  }
0x71: {  	_ =	shalt  }
0x72: {  	_ =	shalt  }
0x73: {  	_ =	shalt  }
0x74: {  	_ =	shalt  }
0x75: {  	_ =	shalt  }
0x76: {  	_ =	shalt  }
0x77: {  	_ =	shalt  }
0x78: {  	_ =	shalt  }
0x79: {  	_ =	shalt  }
0x7a: {  	_ =	shalt  }
0x7b: {  	_ =	shalt  }
0x7c: {  	_ =	shalt  }
0x7d: {  	_ =	shalt  }
0x7e: {  	_ =	shalt  }
0x7f: {  	_ =	shalt  }
0x80: {  	_ =	shalt  }
0x81: {  	_ =	shalt  }
0x82: {  	_ =	shalt  }
0x83: {  	_ =	shalt  }
0x84: {  	_ =	shalt  }
0x85: {  	_ =	shalt  }
0x86: {  	_ =	shalt  }
0x87: {  	_ =	shalt  }
.Lfunc_end0:
.L_simem_size_0:
called_computation.5_lowered:
.L_overlay_start_0:
0x88: {  	s2 =	sld [smem:$0x3FD9]  }
0x89: {  	s3 =	sld [smem:$0x3FFE];
	_ =	sdelay $0x1  }
0x8a: {  	s1 =	srdreg.scid  }
0x8b: {  	s0 =	sand.u32 $0x1, s1  }
0x8c: {  	s14 =	sshll.u32 s0, $0xA;
	s2 =	sadd.s32 s3, s2  }
0x8d: {  	s2 =	sadd.s32 s2, s14  }
0x8e: {  	[smem:$0x3FB5] =	sst s2  }
0x8f: {  	_ = 	snop  }
0x90: {  	s2 =	sld [smem:$0x3FD0];
	_ =	sdelay $0x2  }
0x91: {  	s15 =	simm.s32 $0xB;
	s4 =	simm.s32 $0x10  }
0x92: {  	[smem:s4], [sflag:s15] =	dma.local [hbm:s2], $0x1  }
0x93: {  	_ =	swait.eq [sflag:s15], $0x1  }
0x94: {  	[sflag:s15] =	ssyncset.done $0x0  }
0x95: {  	s16 =	sld [smem:$0x10];
	[sflag:s15] =	ssyncadd.s32 $0xFFFFFFFF  }
0x96: {  	s17 =	sld [smem:$0x11];
	(tm) =	ssettm $0x1  }
0x97: {  	s18 =	sld [smem:$0x3FFB];
	_ =	sdelay $0x3  }
0x98: {  	_ =	strace s18  }
0x99: {  	s4 =	sld [smem:$0x3FFC];
	_ =	sdelay $0x3  }
0x9a: {  	_ =	strace s4  }
0x9b: {  	s4 =	sld [smem:$0x3FFD];
	_ =	sdelay $0x3  }
0x9c: {  	_ =	strace s4  }
0x9d: {  	_ =	strace $0x8FFFFFFF  }
0x9e: {  	s19 =	sld [smem:$0x3FDB];
	_ =	sdelay $0x1  }
0x9f: {  	s5 =	simm.s32 $_scs_section_size  }
0xa0: {  	s6 =	simm.s32 $_size__tile_overlayer_lowered;
	s7 =	simm.s32 $_tile_overlayer_lowered  }
0xa1: {  	s22 =	simm.s32 $0x1BFF;
	s21 =	sshll.u32 s7, $0x1;
	s4 =	sadd.s32 s5, s19  }
0xa2: {  	s8 =	simm.s32 $0x0;
	s20 =	sshll.u32 s6, $0x1;
	s6 =	sadd.s32 s21, s4  }
0xa3: {  	[timem:s8], [sflag:s22] =	dma.local [hbm:s6], s20  }
0xa4: {  	_ =	swait.ge [sflag:s22], s20  }
0xa5: {  	s5 =	ssub.s32 $0x0, s20;
	[sflag:s22] =	ssyncset.done $0x0  }
0xa6: {  	[sflag:s22] =	ssyncadd.s32 s5;
	_ =	sdelay $0x1  }
0xa7: {  	s23 =	simm.s32 $0x1B8B  }
0xa8: {  	_ =	swait.ge [sflag:s23], $0x1  }
0xa9: {  	[sflag:s23] =	ssyncset.done $0x0  }
0xaa: {  	s25 =	simm.s32 $0x1B8E;
	s24 =	sld [smem:$0x3FFE];
	[sflag:s23] =	ssyncadd.s32 $0xFFFFFFFF  }
0xab: {  	s26 =	simm.s32 $execute0_lowered;
	[smem:$0x3FD2] =	sst s25  }
0xac: {  	s6 =	sshll.u32 s26, $0x1;
	_ =	strace $0x80000052;
	[dreg:$0x1] =	wrdreg $0xFFFFFFFF  }
0xad: {  	s28 =	simm.s32 $_size_execute0_lowered;
	s4 =	sadd.s32 s4, s6;
	[dreg:$0x0] =	wrdreg $0x0  }
0xae: {  	s6 =	sshll.u32 s28, $0x1;
	[dreg:$0x2] =	wrdreg s4  }
0xaf: {  	[dreg:$0x3] =	wrdreg s6  }
0xb0: {  	[dreg:$0x4] =	wrdreg $0xC0  }
0xb1: {  	_ =	task [dreg:s8], $0x5FFFF  }
0xb2: {  	[dreg:$0x1] =	wrdreg $0xFFFFFFFF  }
0xb3: {  	[dreg:$0x0] =	wrdreg $0x60  }
0xb4: {  	[dreg:$0x2] =	wrdreg s17  }
0xb5: {  	[dreg:$0x3] =	wrdreg s24  }
0xb6: {  	[dreg:$0x4] =	wrdreg s16  }
0xb7: {  	[dreg:$0x5] =	wrdreg $0xA  }
0xb8: {  	_ =	task.clear_ibuf [dreg:s8], $0x6FFFF;
	_ =	strace $0x90000052  }
0xb9: {  	s29 =	simm.s32 $0xA;
	_ =	strace $0x80000054  }
0xba: {  	_ =	swait.ge [sflag:s29], $0x1  }
0xbb: {  	[sflag:s29] =	ssyncadd.s32 $0xFFFFFFFF  }
0xbc: {  	_ =	strace $0x90000054  }
0xbd: {  	_ =	sfence  }
0xbe: {  	s30 =	sld [smem:$0x0];
	_ =	sdelay $0x2  }
0xbf: {  	s31 =	sshll.u32 s1, $0xD;
	s1 =	sshrl.u32 s1, $0x2  }
0xc0: {  	s3 =	sand.u32 $0x4000, s31;
	s1 =	sadd.s32 s1, s30  }
0xc1: {  	s0 =	sor.u32 s3, s0;
	s1 =	sshll.u32 s1, $0x11  }
0xc2: {  	s0 =	sor.u32 s1, s0  }
0xc3: {  	s0 =	sadd.s32 $0x8F2B, s0  }
0xc4: {  	[sflag:s0] =	ssyncadd.remote.s32 $0x1  }
0xc5: {  	_ =	sfence.sel $0xFFFF  }
0xc6: {  	[dreg:$0x0] =	wrdreg $0xFFFFFFFF;
	(pc) =	sbr.abs _section_cstart, $3  }
0xc7: {  	[dreg:$0x1] =	wrdreg $0xFFFFFFFF  }
0xc8: {  	_ =	task.clear_ibuf [dreg:s8], $0x2FFFF;
	_ =	strace $0x9FFFFFFF  }
0xc9: {  	(tm) =	ssettm $0x7FFFFFFF  }
tec
execute0_lowered:
.L_overlay_start_1:
0x0: {  	(tag) =	ssettag $0x1  }
0x1: {  	s1 =	rddreg [dreg:$0x0]  }
0x2: {  	s4 =	rddreg [dreg:$0x1];
	s2 =	srdreg.scid  }
0x3: {  	s0 =	stileid.u32;
	s6 =	rddreg [dreg:$0x2]  }
0x4: {  	s9 =	simm.s32 $0x2800;
	s10 =	simm.s32 $0x2;
	s11 =	simm.s32 $0x2A80  }
0x5: {  	s12 =	simm.s32 $0x2D00;
	s5 =	sand.u32 $0x1, s2;
	s3 =	sshll.u32 s0, $0x1  }
0x6: {  	s13 =	simm.s32 $0x0;
	s7 =	sor.u32 s5, s3;
	s3 =	simm.s32 $0x0  }
0x7: {  	s5 =	ssub.s32 $0x2, s5;
	s7 =	smul.u32 $0x50, s7;
	[smem:$0x7FF] =	sst s3  }
0x8: {  	s2 =	rddreg [dreg:$0x3];
	s8 =	sshrl.u32 s5, $0x1;
	_ =	strace $0x80000053  }
0x9: {  	s8 =	ssub.s32 s5, s8;
	s4 =	sadd.s32 s4, s7;
	s6 =	sadd.s32 s6, s7  }
0xa: {  	s7 =	smax.u32 s8, $0x1;
	s8 =	simm.s32 $0x1;
	s5 =	sadd.s32 $0x1B800, s4  }
.LBB2_1:
0xb: {  	[tilespmem:s3], [sflag:$0x1] =	stream.linear.gather [hbm4b:s1+s3], $0x2800, $0x38;
	[tilespmem:$0x2F80] =	vst v63  }
0xc: {  	_ =	swait.ge [sflag:s8], $0x2800  }
0xd: {  	[sflag:s8] =	ssyncset.done $0x0  }
0xe: {  	[sflag:s8] =	ssyncadd.s32 $0xFFFFD800  }
0xf: {  	[tilespmem:s9], [sflag:$0x2] =	stream.linear.gather [hbm4b:s5+s3], $0x280, $0x38;
	[tilespmem:$0x2F80] =	vst v63  }
0x10: {  	_ =	swait.ge [sflag:s10], $0x280  }
0x11: {  	[sflag:s10] =	ssyncset.done $0x0  }
0x12: {  	[sflag:s10] =	ssyncadd.s32 $0xFFFFFD80  }
0x13: {  	[tilespmem:s11], [sflag:$0x2] =	stream.linear.gather [hbm4b:s6+s3], $0x280, $0x38;
	[tilespmem:$0x2F80] =	vst v63  }
0x14: {  	_ =	swait.ge [sflag:s10], $0x280  }
0x15: {  	[sflag:s10] =	ssyncset.done $0x0  }
0x16: {  	s14 =	simm.s32 $0x0;
	[sflag:s10] =	ssyncadd.s32 $0xFFFFFD80  }
0x17: {  	v0 =	vld [tilespmem:s14+$0x2A80]  }
0x18: {  	v1 =	vld [tilespmem:s14+$0x2800];
	_ =	sdelay $0x6  }
0x19: {  	v0 =	vld.idx.msk [tilespmem:v0+s3+$0x0], $0xffff  }
0x1a: {  	s15 =	simm.s32 $0x10;
	v2 =	vld.idx.msk [tilespmem:v1+s3+$0x0], $0xffff  }
0x1b: {  	s16 =	simm.s32 $0x80;
	v1 =	vld [tilespmem:s15+$0x2A80]  }
.LBB2_2:
0x1c: {  	p0 =	sne.s32 s16, $0x9C0;
	v3 =	vld [tilespmem:s15+$0x2800];
	_ =	sdelay $0x3  }
0x1d: {  	v0 =	vadd.f32 v0, v2  }
.Ltmp0:
0x1e: {  	(pc) =	sbr.rel @p0 .LBB2_2-.Ltmp0, $4  }
0x1f: {  	[tilespmem:s14+$0x2D00] =	vst v0;
	s14 =	smov.u32 s15  }
0x20: {  	v0 =	vld.idx.msk [tilespmem:v1+s3+$0x0], $0xffff  }
0x21: {  	s15 =	sshra.s32 s16, $0x2;
	v2 =	vld.idx.msk [tilespmem:v3+s3+$0x0], $0xffff  }
0x22: {  	s16 =	sadd.s32 $0x40, s16;
	v1 =	vld [tilespmem:s15+$0x2A80]  }
0x23: {  	_ = 	snop  }
0x24: {  	v3 =	vld [tilespmem:s15+$0x2800];
	_ =	sdelay $0x3  }
0x25: {  	v0 =	vadd.f32 v0, v2;
	_ =	sdelay $0x1  }
0x26: {  	[tilespmem:s14+$0x2D00] =	vst v0  }
0x27: {  	v0 =	vld.idx.msk [tilespmem:v1+s3+$0x0], $0xffff  }
0x28: {  	v63 =	vld.idx.msk [tilespmem:v3+s3+$0x0], $0xffff;
	_ =	sdelay $0x4  }
0x29: {  	s13 =	sadd.s32 $0x1, s13;
	v0 =	vadd.f32 v0, v63  }
0x2a: {  	p0 =	sne.s32 s13, s7  }
.Ltmp1:
0x2b: {  	[tilespmem:s15+$0x2D00] =	vst v0;
	(pc) =	sbr.rel @p0 .LBB2_1-.Ltmp1, $4  }
0x2c: {  	[hbm4b:s4+s3] =	stream.linear.scatter [tilespmem:s12], [sflag:$0x2], $0x280, $0x38;
	[tilespmem:$0x2F80] =	vst v63  }
0x2d: {  	_ =	swait.ge [sflag:s10], $0x280  }
0x2e: {  	[sflag:s10] =	ssyncset.done $0x0  }
0x2f: {  	[sflag:s10] =	ssyncadd.s32 $0xFFFFFD80  }
0x30: {  	_ =	sfence.sel $0x180000  }
0x31: {  	[bflag:$0x0] =	sbarrier.arrive $0xFFFF  }
0x32: {  	p0 =	sne.s32 s0, $0x0;
	_ =	strace $0x90000053  }
0x33: {  	s0 =	sadd.s32 @!p0 $0x100000, s2;
	[bflag:$0x2] =	sbarrier.arrive $0xFFFF  }
0x34: {  	[sflag:s0] =	ssyncadd.tile.s32 @!p0 $0x1;
	_ =	shalt  }
.Lfunc_end2:
_tile_overlayer_lowered:
.L_overlay_start_2:
0x35: {  	(tag) =	ssettag $0x2  }
0x36: {  	s0 =	rddreg [dreg:$0x0];
	s2 =	stileid.u32  }
0x37: {  	s1 =	rddreg [dreg:$0x1];
	p0 =	sne.s32 s2, $0x0  }
0x38: {  	s3 =	rddreg [dreg:$0x2];
	[bflag:$0x3] =	sbarrier.arrive $0xFFFF;
	s2 =	simm.s32 @!p0 $0x1C02  }
0x39: {  	[timem:s3], [sflag:s2] =	dma.local @!p0 [hbm:s0], s1  }
0x3a: {  	s0 =	simm.s32 @!p0 $0x2  }
0x3b: {  	_ =	swait.ge @!p0 [sflag:s0], s1  }
0x3c: {  	s1 =	ssub.s32 @!p0 $0x0, s1;
	[sflag:s0] =	ssyncset.done @!p0 $0x0  }
0x3d: {  	[sflag:s0] =	ssyncadd.s32 @!p0 s1  }
0x3e: {  	[bflag:$0x3] =	sbarrier.arrive $0xFFFF  }
0x3f: {  	_ =	shalt  }

// kernel: scatter_offload_async_start
scs
__scs_entry_jumppad:
0x0: {  	(pc) =	sbr.rel $0x88, $3  }
0x1: {  	(tag) =	ssettag $0x0;
	lr =	simm.s32 $0x1  }
0x2: {  	[smem:$0x3F8E] =	sst lr;
	_ =	strace $0xD0000000  }
0x3: {  	_ = 	snop  }
0x4: {  	_ = 	snop  }
0x5: {  	_ = 	snop  }
0x6: {  	_ = 	snop  }
0x7: {  	_ = 	snop  }
__scs_overlays_trampoline_lowered:
0x8: {  	[smem:$0x3F9D] =	sst s0  }
0x9: {  	[smem:$0x3F9E] =	sst s1  }
0xa: {  	[smem:$0x3F9F] =	sst s2  }
0xb: {  	[smem:$0x3FA0] =	sst s3  }
0xc: {  	[smem:$0x3FA1] =	sst s4  }
0xd: {  	[smem:$0x3FA2] =	sst s5  }
0xe: {  	[smem:$0x3FA3] =	sst s6  }
0xf: {  	[smem:$0x3FA4] =	sst s7  }
0x10: {  	[smem:$0x3FA5] =	sst s8  }
0x11: {  	[smem:$0x3FA6] =	sst s9;
	s0 =	simm.s32 @!p0 $0x0  }
0x12: {  	s1 =	sld [smem:$0x3F8C];
	s0 =	simm.s32 @p0 $0x1  }
0x13: {  	[smem:$0x3FA7] =	sst s0;
	s0 =	simm.s32 @!p1 $0x0  }
0x14: {  	s2 =	sld [smem:$0x3F8B];
	s0 =	simm.s32 @p1 $0x1  }
0x15: {  	[smem:$0x3FA8] =	sst s0;
	s0 =	simm.s32 @!p2 $0x0  }
0x16: {  	s3 =	sld [smem:$0x3FDB];
	s0 =	simm.s32 @p2 $0x1  }
0x17: {  	s4 =	simm.s32 $0x1BF5;
	[smem:$0x3FAA] =	sst s0  }
0x18: {  	s0 =	sld [smem:$0x3F8D];
	_ =	swait.ge [sflag:s4], $0x0  }
0x19: {  	s7 =	sld [smem:$0x3F8E]  }
0x1a: {  	s8 =	sadd.s32 $0xFFFFE003, lr  }
0x1b: {  	s9 =	sadd.s32 $0xFFFFFEF7, lr;
	s5 =	simm.s32 $0xFFFFFFFF;
	p2 =	slt.u32 s8, $0xFFFFF086  }
0x1c: {  	p1 =	slt.u32 s9, $0xF7A;
	s5 =	simm.s32 @!p2 $0x0  }
0x1d: {  	s5 =	simm.s32 @p1 $0x1;
	p0 =	seq.s32 s7, s2  }
0x1e: {  	s7 =	smul.u32 @!p0 $0xF7A, s2;
	p2 =	seq.s32 @!p0 s5, $0x0  }
0x1f: {  	s9 =	smul.u32 $0xF7A, s1;
	s8 =	simm.s32 @!p0 $0x1BF5;
	p2 =	por !p2, p0  }
0x20: {  	[sflag:s8] =	ssyncset.s32 @!p0 $0xFFFFF086;
	s6 =	sadd.s32 @!p0 s3, s7;
	s7 =	simm.s32 @!p0 $0x108  }
0x21: {  	s3 =	sadd.s32 s3, s9;
	s6 =	sadd.s32 @!p0 $0x88, s6;
	s7 =	simm.s32 @p2 $0x1082  }
0x22: {  	[simem:s7], [sflag:s8] =	dma.local @!p0 [hbm:s6], $0xF7A  }
0x23: {  	s9 =	sor.u32 $0xD0000000, s2;
	s6 =	simm.s32 $0x108;
	_ =	swait.ge @!p0 [sflag:s8], $0x0  }
0x24: {  	s3 =	sadd.s32 $0x88, s3;
	s6 =	simm.s32 @!p1 $0x1082;
	[sflag:s4] =	ssyncset.s32 $0xFFFFF086  }
0x25: {  	[simem:s6], [sflag:s4] =	dma.local [hbm:s3], $0xF7A  }
0x26: {  	[smem:$0x3F8E] =	sst s1;
	(tag) =	ssettag s2;
	_ =	strace s9  }
0x27: {  	s1 =	sld [smem:$0x3F9E]  }
0x28: {  	s2 =	sld [smem:$0x3F9F]  }
0x29: {  	s4 =	sld [smem:$0x3FA1]  }
0x2a: {  	p0 =	seq.s32 s5, $0x0;
	s5 =	sld [smem:$0x3FA2]  }
0x2b: {  	s6 =	sld [smem:$0x3FA3]  }
0x2c: {  	s7 =	sld [smem:$0x3FA4]  }
0x2d: {  	s3 =	simm.s32 $0x108;
	s8 =	sld [smem:$0x3FA5]  }
0x2e: {  	s3 =	simm.s32 @!p0 $0x1082;
	s9 =	sld [smem:$0x3FA6]  }
0x2f: {  	lr =	sadd.s32 s0, s3;
	s0 =	sld [smem:$0x3F9D]  }
0x30: {  	s3 =	sld [smem:$0x3FA0]  }
0x31: {  	[smem:$0x3FA9] =	sst s10  }
0x32: {  	s10 =	sld [smem:$0x3FA7];
	_ =	sdelay $0x3  }
0x33: {  	p0 =	seq.s32 s10, $0x1;
	s10 =	sld [smem:$0x3FA9];
	_ =	sdelay $0x3  }
0x34: {  	[smem:$0x3FA9] =	sst s10  }
0x35: {  	s10 =	sld [smem:$0x3FA8];
	_ =	sdelay $0x3  }
0x36: {  	p1 =	seq.s32 s10, $0x1;
	s10 =	sld [smem:$0x3FA9];
	_ =	sdelay $0x3  }
0x37: {  	[smem:$0x3FA9] =	sst s10  }
0x38: {  	s10 =	sld [smem:$0x3FAA]  }
0x39: {  	_ = 	snop;
	(pc) =	sbr.ind lr, $3  }
0x3a: {  	_ = 	snop  }
0x3b: {  	_ = 	snop  }
0x3c: {  	p2 =	seq.s32 s10, $0x1;
	s10 =	sld [smem:$0x3FA9]  }
0x3d: {  	_ =	shalt  }
0x3e: {  	_ =	shalt  }
0x3f: {  	_ =	shalt  }
0x40: {  	_ =	shalt  }
0x41: {  	_ =	shalt  }
0x42: {  	_ =	shalt  }
0x43: {  	_ =	shalt  }
0x44: {  	_ =	shalt  }
0x45: {  	_ =	shalt  }
0x46: {  	_ =	shalt  }
0x47: {  	_ =	shalt  }
0x48: {  	_ =	shalt  }
0x49: {  	_ =	shalt  }
0x4a: {  	_ =	shalt  }
0x4b: {  	_ =	shalt  }
0x4c: {  	_ =	shalt  }
0x4d: {  	_ =	shalt  }
0x4e: {  	_ =	shalt  }
0x4f: {  	_ =	shalt  }
0x50: {  	_ =	shalt  }
0x51: {  	_ =	shalt  }
0x52: {  	_ =	shalt  }
0x53: {  	_ =	shalt  }
0x54: {  	_ =	shalt  }
0x55: {  	_ =	shalt  }
0x56: {  	_ =	shalt  }
0x57: {  	_ =	shalt  }
0x58: {  	_ =	shalt  }
0x59: {  	_ =	shalt  }
0x5a: {  	_ =	shalt  }
0x5b: {  	_ =	shalt  }
0x5c: {  	_ =	shalt  }
0x5d: {  	_ =	shalt  }
0x5e: {  	_ =	shalt  }
0x5f: {  	_ =	shalt  }
0x60: {  	_ =	shalt  }
0x61: {  	_ =	shalt  }
0x62: {  	_ =	shalt  }
0x63: {  	_ =	shalt  }
0x64: {  	_ =	shalt  }
0x65: {  	_ =	shalt  }
0x66: {  	_ =	shalt  }
0x67: {  	_ =	shalt  }
0x68: {  	_ =	shalt  }
0x69: {  	_ =	shalt  }
0x6a: {  	_ =	shalt  }
0x6b: {  	_ =	shalt  }
0x6c: {  	_ =	shalt  }
0x6d: {  	_ =	shalt  }
0x6e: {  	_ =	shalt  }
0x6f: {  	_ =	shalt  }
0x70: {  	_ =	shalt  }
0x71: {  	_ =	shalt  }
0x72: {  	_ =	shalt  }
0x73: {  	_ =	shalt  }
0x74: {  	_ =	shalt  }
0x75: {  	_ =	shalt  }
0x76: {  	_ =	shalt  }
0x77: {  	_ =	shalt  }
0x78: {  	_ =	shalt  }
0x79: {  	_ =	shalt  }
0x7a: {  	_ =	shalt  }
0x7b: {  	_ =	shalt  }
0x7c: {  	_ =	shalt  }
0x7d: {  	_ =	shalt  }
0x7e: {  	_ =	shalt  }
0x7f: {  	_ =	shalt  }
0x80: {  	_ =	shalt  }
0x81: {  	_ =	shalt  }
0x82: {  	_ =	shalt  }
0x83: {  	_ =	shalt  }
0x84: {  	_ =	shalt  }
0x85: {  	_ =	shalt  }
0x86: {  	_ =	shalt  }
0x87: {  	_ =	shalt  }
.Lfunc_end0:
.L_simem_size_0:
called_computation_lowered:
.L_overlay_start_0:
0x88: {  	s0 =	sld [smem:$0x3FD9]  }
0x89: {  	s1 =	sld [smem:$0x3FFE];
	_ =	sdelay $0x3  }
0x8a: {  	s0 =	sadd.s32 s1, s0  }
0x8b: {  	[smem:$0x3FB5] =	sst s0  }
0x8c: {  	_ = 	snop  }
0x8d: {  	s0 =	sld [smem:$0x3FD0];
	_ =	sdelay $0x2  }
0x8e: {  	s13 =	simm.s32 $0xB;
	s2 =	simm.s32 $0x10  }
0x8f: {  	[smem:s2], [sflag:s13] =	dma.local [hbm:s0], $0x1  }
0x90: {  	_ =	swait.eq [sflag:s13], $0x1  }
0x91: {  	[sflag:s13] =	ssyncset.done $0x0  }
0x92: {  	[sflag:s13] =	ssyncadd.s32 $0xFFFFFFFF  }
0x93: {  	s14 =	sld [smem:$0x10];
	(tm) =	ssettm $0x1  }
0x94: {  	s15 =	sld [smem:$0x3FFB];
	_ =	sdelay $0x3  }
0x95: {  	_ =	strace s15  }
0x96: {  	s1 =	sld [smem:$0x3FFC];
	_ =	sdelay $0x3  }
0x97: {  	_ =	strace s1  }
0x98: {  	s1 =	sld [smem:$0x3FFD];
	_ =	sdelay $0x3  }
0x99: {  	_ =	strace s1  }
0x9a: {  	_ =	strace $0x8FFFFFFF  }
0x9b: {  	s16 =	sld [smem:$0x3FDB];
	_ =	sdelay $0x1  }
0x9c: {  	s17 =	simm.s32 $_scs_section_size  }
0x9d: {  	s3 =	simm.s32 $_size__tile_overlayer_lowered;
	s4 =	simm.s32 $_tile_overlayer_lowered  }
0x9e: {  	s20 =	simm.s32 $0x1BFF;
	s19 =	sshll.u32 s4, $0x1;
	s1 =	sadd.s32 s17, s16  }
0x9f: {  	s5 =	simm.s32 $0x0;
	s18 =	sshll.u32 s3, $0x1;
	s3 =	sadd.s32 s19, s1  }
0xa0: {  	[timem:s5], [sflag:s20] =	dma.local [hbm:s3], s18  }
0xa1: {  	_ =	swait.ge [sflag:s20], s18  }
0xa2: {  	s2 =	ssub.s32 $0x0, s18;
	[sflag:s20] =	ssyncset.done $0x0  }
0xa3: {  	[sflag:s20] =	ssyncadd.s32 s2;
	_ =	sdelay $0x1  }
0xa4: {  	s21 =	simm.s32 $0x1B8B  }
0xa5: {  	_ =	swait.ge [sflag:s21], $0x1  }
0xa6: {  	[sflag:s21] =	ssyncset.done $0x0  }
0xa7: {  	s23 =	simm.s32 $0x1B8E;
	s22 =	sld [smem:$0x3FFE];
	[sflag:s21] =	ssyncadd.s32 $0xFFFFFFFF  }
0xa8: {  	s24 =	simm.s32 $execute0_lowered;
	[smem:$0x3FD2] =	sst s23  }
0xa9: {  	s3 =	sshll.u32 s24, $0x1;
	_ =	strace $0x80000049;
	[dreg:$0x1] =	wrdreg $0xFFFFFFFF  }
0xaa: {  	s25 =	simm.s32 $_size_execute0_lowered;
	s1 =	sadd.s32 s1, s3;
	[dreg:$0x0] =	wrdreg $0x0  }
0xab: {  	s3 =	sshll.u32 s25, $0x1;
	[dreg:$0x2] =	wrdreg s1  }
0xac: {  	[dreg:$0x3] =	wrdreg s3  }
0xad: {  	[dreg:$0x4] =	wrdreg $0xC0  }
0xae: {  	_ =	task [dreg:s5], $0x5FFFF  }
0xaf: {  	[dreg:$0x1] =	wrdreg $0xFFFFFFFF  }
0xb0: {  	[dreg:$0x0] =	wrdreg $0x60  }
0xb1: {  	[dreg:$0x2] =	wrdreg s14  }
0xb2: {  	[dreg:$0x3] =	wrdreg s22  }
0xb3: {  	[dreg:$0x4] =	wrdreg $0x9  }
0xb4: {  	_ =	task.clear_ibuf [dreg:s5], $0x5FFFF;
	_ =	strace $0x90000049  }
0xb5: {  	s26 =	simm.s32 $0x9;
	_ =	strace $0x8000004B  }
0xb6: {  	_ =	swait.ge [sflag:s26], $0x1  }
0xb7: {  	[sflag:s26] =	ssyncadd.s32 $0xFFFFFFFF  }
0xb8: {  	_ =	strace $0x9000004B  }
0xb9: {  	_ =	sfence  }
0xba: {  	s28 =	sld [smem:$0x0];
	_ =	sdelay $0x1  }
0xbb: {  	s29 =	srdreg.scid  }
0xbc: {  	s30 =	sshll.u32 s29, $0xD;
	s31 =	sshrl.u32 s29, $0x2  }
0xbd: {  	s2 =	sand.u32 $0x4000, s30;
	s1 =	sand.u32 $0x1, s29;
	s0 =	sadd.s32 s31, s28  }
0xbe: {  	s1 =	sor.u32 s2, s1;
	s0 =	sshll.u32 s0, $0x11  }
0xbf: {  	s0 =	sor.u32 s0, s1  }
0xc0: {  	s0 =	sadd.s32 $0x8F2B, s0  }
0xc1: {  	[sflag:s0] =	ssyncadd.remote.s32 $0x1  }
0xc2: {  	_ =	sfence.sel $0xFFFF  }
0xc3: {  	[dreg:$0x0] =	wrdreg $0xFFFFFFFF;
	(pc) =	sbr.abs _section_cstart, $3  }
0xc4: {  	[dreg:$0x1] =	wrdreg $0xFFFFFFFF  }
0xc5: {  	_ =	task.clear_ibuf [dreg:s5], $0x2FFFF;
	_ =	strace $0x9FFFFFFF  }
0xc6: {  	(tm) =	ssettm $0x7FFFFFFF  }
0xc7: {  	_ =	shalt  }
tec
execute0_lowered:
.L_overlay_start_1:
0x0: {  	(tag) =	ssettag $0x1  }
0x1: {  	s1 =	rddreg [dreg:$0x0]  }
0x2: {  	s7 =	rddreg [dreg:$0x1]  }
0x3: {  	s0 =	rddreg [dreg:$0x2]  }
0x4: {  	s3 =	stileid.u32;
	_ =	strace $0x8000004A;
	s4 =	simm.s32 $0x3E  }
0x5: {  	p0 =	sne.s32 s3, $0x0;
	[sflag:s4] =	ssyncpa.u1 $0x0  }
0x6: {  	s30 =	smin.u32 s3, $0x4;
	s2 =	simm.s32 @!p0 $0x1C3E;
	s5 =	simm.s32 @!p0 $0x0  }
0x7: {  	[spmem:s5], [sflag:s2] =	dma.local @!p0 [hbm:s1], $0x1400  }
0x8: {  	s2 =	sadd.s32 s3, s30  }
0x9: {  	p1 =	slt.u32 s3, $0x4;
	s3 =	simm.s32 $0x3E80;
	s2 =	smul.u32 $0x1F40, s2  }
0xa: {  	s3 =	simm.s32 @!p1 $0x1F40  }
0xb: {  	s3 =	sadd.s32 s3, s2  }
0xc: {  	s3 =	smin.u32 s3, $0x27100  }
0xd: {  	s8 =	ssub.s32 s3, s2  }
0xe: {  	p1 =	sgt.s32 s8, $0x0  }
0xf: {  	s8 =	simm.s32 @!p1 $0x0  }
0x10: {  	s5 =	simm.s32 @!p0 $0x3E;
	s31 =	smulhi.u32 $0x10624DD3, s8  }
0x11: {  	_ =	swait.ge @!p0 [sflag:s5], $0x1400  }
0x12: {  	s6 =	simm.s32 $0x2;
	[sflag:s5] =	ssyncset.done @!p0 $0x0;
	s9 =	sshrl.u32 s31, $0x9  }
0x13: {  	s11 =	simm.s32 $0x0;
	[sflag:s5] =	ssyncadd.s32 @!p0 $0xFFFFEC00;
	s10 =	smul.u32 $0x1F40, s9  }
.Ltmp0:
0x14: {  	s5 =	sadd.s32 $0x1B800, s7;
	[bflag:$0x0] =	sbarrier.arrive $0xFFFF;
	(pc) =	sbr.rel .LBB2_1-.Ltmp0, $4  }
0x15: {  	s7 =	sadd.s32 $0x16800, s7;
	[sflag:s4] =	ssyncpa.u1 $0x1;
	s4 =	simm.s32 $0x1  }
0x16: {  	[sflag:s4] =	ssyncpa.u1 $0x0;
	p1 =	sne.s32 s8, s10;
	s8 =	simm.s32 $0x1  }
0x17: {  	(ifvalue) =	ssetifvalue $0xA000;
	[sflag:s6] =	ssyncpa.u1 $0x0;
	s8 =	simm.s32 @!p1 $0x0  }
0x18: {  	vm0 =	vmmov $0xffff;
	s10 =	smov.u32 s2;
	s8 =	sadd.s32 s8, s9;
	s9 =	simm.s32 $0x0  }
.LBB2_5:
0x19: {  	p2 =	sne.s32 s11, s8  }
.Ltmp1:
0x1a: {  	_ = 	snop;
	(pc) =	sbr.rel @!p2 .LBB2_6-.Ltmp1, $4  }
0x1b: {  	_ = 	snop  }
0x1c: {  	s12 =	sadd.s32 $0x1F40, s10  }
0x1d: {  	s10 =	smov.u32 s2;
	s13 =	sadd.s32 $0x1, s11;
	p1 =	slt.s32 s12, s3  }
0x1e: {  	s11 =	smov.u32 s13;
	s10 =	smov.u32 @p1 s12  }
.LBB2_1:
0x1f: {  	p1 =	sge.u32 s11, s8  }
0x20: {  	s12 =	sxor.u32 @!p1 $0xFFFFFFFF, s11  }
0x21: {  	s12 =	sand.u32 @!p1 $0x1, s12  }
0x22: {  	s12 =	smul.u32 @!p1 $0x1F40, s12  }
0x23: {  	s13 =	sshrl.u32 @!p1 s10, $0x3  }
0x24: {  	s16 =	sand.u32 @!p1 $0x7, s10;
	s14 =	sadd.s32 @!p1 s5, s13;
	s15 =	sadd.s32 @!p1 $0xA00, s12  }
0x25: {  	[tilespmem:s15], [sflag:$0x2] =	stream.linear.gather @!p1 [hbm4b:s14+s16], $0x1F40, $0x38;
	[tilespmem:$0x8700] =	vst v63  }
0x26: {  	s13 =	sadd.s32 @!p1 s7, s13;
	s12 =	sadd.s32 @!p1 $0x4880, s12  }
0x27: {  	[tilespmem:s12], [sflag:$0x2] =	stream.linear.gather @!p1 [hbm4b:s13+s16], $0x1F40, $0x38;
	[tilespmem:$0x8700] =	vst v63  }
0x28: {  	p1 =	seq.s32 s11, $0x0  }
.Ltmp2:
0x29: {  	_ = 	snop;
	(pc) =	sbr.rel @p1 .LBB2_5-.Ltmp2, $1  }
0x2a: {  	_ =	sdelay $0x3  }
0x2b: {  	s12 =	sand.u32 $0x1, s11  }
0x2c: {  	_ =	swait.ge [sflag:s6], $0x3E80;
	p1 =	seq.s32 s12, $0x1;
	s12 =	simm.s32 $0x1F40  }
0x2d: {  	[sflag:s6] =	ssyncset.done $0x0;
	s12 =	simm.s32 @!p1 $0x0  }
0x2e: {  	[sflag:s6] =	ssyncadd.s32 $0xFFFFC180;
	s14 =	sadd.s32 $0xA00, s12  }
0x2f: {  	v0 =	vld.msk [tilespmem:s14+$0x0 ss:$0x1], $0xffff;
	_ =	sdelay $0x4  }
0x30: {  	v0 =	vmin.u32 v0, $0xA000;
	_ =	sdelay $0x3  }
0x31: {  	s13 =	simm.s32 $0x0;
	s12 =	sadd.s32 $0x4880, s12;
	s14 =	sadd.s32 $0x10, s14  }
0x32: {  	[spmem:s9] =	stream.indirect_vreg.scatter.add.s32 [tilespmem:s12], [sflag:$0x1], $0x1, v0, vm0, $0x4038;
	[tilespmem:$0x8700] =	vst v63  }
.LBB2_3:
0x33: {  	v0 =	vld.msk [tilespmem:s14+$0x0 ss:$0x1], $0xffff;
	s13 =	sadd.s32 $0x10, s13  }
0x34: {  	p1 =	slt.u32 s13, $0x1F30;
	_ =	sdelay $0x4  }
0x35: {  	v0 =	vmin.u32 v0, $0xA000  }
.Ltmp3:
0x36: {  	(pc) =	sbr.rel @p1 .LBB2_3-.Ltmp3, $3  }
0x37: {  	_ =	sdelay $0x1  }
0x38: {  	s14 =	sadd.s32 $0x10, s14;
	s12 =	sadd.s32 $0x10, s12  }
0x39: {  	[spmem:s9] =	stream.indirect_vreg.scatter.add.s32 [tilespmem:s12], [sflag:$0x1], $0x1, v0, vm0, $0x4038;
	[tilespmem:$0x8700] =	vst v63  }
.Ltmp4:
0x3a: {  	(pc) =	sbr.rel .LBB2_5-.Ltmp4, $4  }
0x3b: {  	_ = 	snop  }
0x3c: {  	_ =	swait.ge [sflag:s4], $0x1F40  }
0x3d: {  	[sflag:s4] =	ssyncset.done $0x0  }
0x3e: {  	[sflag:s4] =	ssyncadd.s32 $0xFFFFE0C0  }
.LBB2_6:
0x3f: {  	_ =	sfence.sel $0x180000  }
0x40: {  	s2 =	simm.s32 $0x2;
	[bflag:$0x0] =	sbarrier.arrive $0xFFFF  }
0x41: {  	s30 =	simm.s32 $0x1;
	[sflag:s2] =	ssyncpa.u1 $0x1  }
0x42: {  	[sflag:s30] =	ssyncpa.u1 $0x1  }
0x43: {  	_ =	sfence.stream.spmem  }
0x44: {  	s31 =	simm.s32 $0x3D;
	[bflag:$0x0] =	sbarrier.arrive $0xFFFF  }
0x45: {  	s2 =	simm.s32 @p0 $0x3D;
	[sflag:s31] =	ssyncpa.u1 $0x0  }
0x46: {  	[sflag:s2] =	ssyncpa.u1 @p0 $0x1  }
0x47: {  	[bflag:$0x0] =	sbarrier.arrive @p0 $0xFFFF  }
0x48: {  	_ =	strace @p0 $0x9000004A  }
0x49: {  	s3 =	simm.s32 @!p0 $0x1C3D;
	s2 =	simm.s32 @!p0 $0x0;
	[bflag:$0x2] =	sbarrier.arrive @p0 $0xFFFF  }
0x4a: {  	[hbm:s1], [sflag:s3] =	dma.local @!p0 [spmem:s2], $0x1400  }
0x4b: {  	s1 =	simm.s32 @!p0 $0x3D  }
0x4c: {  	_ =	swait.ge @!p0 [sflag:s1], $0x1400  }
0x4d: {  	[sflag:s1] =	ssyncset.done @!p0 $0x0  }
0x4e: {  	[sflag:s1] =	ssyncadd.s32 @!p0 $0xFFFFEC00  }
0x4f: {  	[sflag:s1] =	ssyncpa.u1 @!p0 $0x1  }
0x50: {  	[bflag:$0x0] =	sbarrier.arrive @!p0 $0xFFFF  }
0x51: {  	_ =	strace @!p0 $0x9000004A  }
0x52: {  	s0 =	sadd.s32 @!p0 $0x100000, s0;
	[bflag:$0x2] =	sbarrier.arrive @!p0 $0xFFFF  }
0x53: {  	[sflag:s0] =	ssyncadd.tile.s32 @!p0 $0x1;
	_ =	shalt  }
.Lfunc_end2:
_tile_overlayer_lowered:
.L_overlay_start_2:
0x54: {  	(tag) =	ssettag $0x2  }
0x55: {  	s0 =	rddreg [dreg:$0x0];
	s2 =	stileid.u32  }
0x56: {  	s1 =	rddreg [dreg:$0x1];
	p0 =	sne.s32 s2, $0x0  }
0x57: {  	s3 =	rddreg [dreg:$0x2];
	[bflag:$0x3] =	sbarrier.arrive $0xFFFF;
	s2 =	simm.s32 @!p0 $0x1C01  }
0x58: {  	[timem:s3], [sflag:s2] =	dma.local @!p0 [hbm:s0], s1  }
0x59: {  	s0 =	simm.s32 @!p0 $0x1  }
0x5a: {  	_ =	swait.ge @!p0 [sflag:s0], s1  }
0x5b: {  	s1 =	ssub.s32 @!p0 $0x0, s1;
	[sflag:s0] =	ssyncset.done @!p0 $0x0  }
0x5c: {  	[sflag:s0] =	ssyncadd.s32 @!p0 s1  }
0x5d: {  	[bflag:$0x3] =	sbarrier.arrive $0xFFFF  }
0x5e: {  	_ =	shalt  }

</sc_bundles>
